<compile_context>
chip_gen: v7x
topology: tpu7x:2x2x1
jax: 0.10.2.dev20260603
libtpu: 0.0.44.dev20260713+nightly
codegen_flags: <defaults>
</compile_context>

<pallas_src>
import functools

import jax
import jax.numpy as jnp
from jax import lax
from jax.experimental import pallas as pl
from jax.experimental.pallas import tpu as pltpu
from jax.experimental.pallas import tpu_sc as plsc

N = 16384
K = 16
TOTAL = N * K
NC = 2
NS = 16
NW = NC * NS
NH = N
AW = NH // NW
GROUPS = AW // 16
WIN = 8192
ROWS = 52
BN = 2048


def _sc_gather_body(tab_hbm, nl_hbm, beg_hbm, con_hbm, out_hbm,
                    tab, nlw, beg, con, ob, tsem):
    wid = lax.axis_index("s") * NC + lax.axis_index("c")
    a0 = wid * AW
    tab_cp = pltpu.async_copy(tab_hbm, tab, tsem)
    pltpu.sync_copy(beg_hbm.at[pl.ds(a0, AW)], beg)
    pltpu.sync_copy(con_hbm.at[pl.ds(a0, AW)], con)
    b0 = beg[pl.ds(0, 16)][0]
    off = jnp.minimum((b0 // 8) * 8, TOTAL - WIN)
    off = pl.multiple_of(off, 8)
    pltpu.sync_copy(nl_hbm.at[pl.ds(off, WIN)], nlw)
    tab_cp.wait()
    lane = lax.iota(jnp.int32, 16)

    @plsc.parallel_loop(0, GROUPS, unroll=8)
    def group(g):
        base = g * 16
        aidx = (a0 + base + lane) * 3
        ob[3 * K + 0, pl.ds(base, 16)] = plsc.load_gather(tab, [aidx])
        ob[3 * K + 1, pl.ds(base, 16)] = plsc.load_gather(tab, [aidx + 1])
        ob[3 * K + 2, pl.ds(base, 16)] = plsc.load_gather(tab, [aidx + 2])
        ob[3 * K + 3, pl.ds(base, 16)] = con[pl.ds(base, 16)].astype(jnp.float32)
        bvec = jnp.clip(beg[pl.ds(base, 16)] - off, 0, WIN - K)
        for s in range(K):
            nlv = plsc.load_gather(nlw, [bvec + s]) * 3
            ob[s, pl.ds(base, 16)] = plsc.load_gather(tab, [nlv])
            ob[K + s, pl.ds(base, 16)] = plsc.load_gather(tab, [nlv + 1])
            ob[2 * K + s, pl.ds(base, 16)] = plsc.load_gather(tab, [nlv + 2])

    pltpu.sync_copy(ob, out_hbm.at[:, pl.ds(a0, AW)])


@functools.lru_cache(maxsize=1)
def _sc_gather():
    return pl.kernel(
        _sc_gather_body,
        out_type=jax.ShapeDtypeStruct((ROWS, NH), jnp.float32),
        mesh=plsc.VectorSubcoreMesh(core_axis_name="c", subcore_axis_name="s",
                                    num_cores=NC, num_subcores=NS),
        compiler_params=pltpu.CompilerParams(needs_layout_passes=False),
        scratch_types=[
            pltpu.VMEM((3 * N,), jnp.float32),
            pltpu.VMEM((WIN,), jnp.int32),
            pltpu.VMEM((AW,), jnp.int32),
            pltpu.VMEM((AW,), jnp.int32),
            pltpu.VMEM((ROWS, AW), jnp.float32),
            pltpu.SemaphoreType.DMA,
        ],
    )


def _energy_body(xj_ref, par_ref, out_ref):
    i = pl.program_id(0)
    xj = xj_ref[...]
    A = par_ref[0]
    B = par_ref[1]
    p = par_ref[2]
    q = par_ref[3]
    sigma = par_ref[4]
    gamma = par_ref[5]
    cutoff = par_ref[6]
    lam = par_ref[7]
    cb0 = par_ref[8]
    xjx = xj[0:K]
    xjy = xj[K:2 * K]
    xjz = xj[2 * K:3 * K]
    dx = xjx - xj[3 * K:3 * K + 1]
    dy = xjy - xj[3 * K + 1:3 * K + 2]
    dz = xjz - xj[3 * K + 2:3 * K + 3]
    nnf = xj[3 * K + 3:3 * K + 4]
    rij = jnp.sqrt(dx * dx + dy * dy + dz * dz)
    srow = lax.broadcasted_iota(jnp.int32, (K, BN), 0).astype(jnp.float32)
    mask = srow < nnf
    valid2 = mask & (rij < cutoff)
    r2 = jnp.where(valid2, rij, 1.0)
    sig_r = sigma / r2
    lsr = jnp.log(sig_r)
    e2 = A * (B * jnp.exp(p * lsr) - jnp.exp(q * lsr)) * jnp.exp(sigma / (r2 - cutoff))
    acc2 = jnp.where(valid2, e2, 0.0)
    E = jnp.exp(gamma / (rij - cutoff))
    Em = jnp.where(mask, E, 0.0)
    rr = rij * rij
    rrs = jnp.maximum(rr, 1e-30)
    G = Em / (2.0 * rrs)
    GL = lam * G
    tri = lax.broadcasted_iota(jnp.int32, (K, 1), 0)
    H = K // 2
    xjx_h, xjy_h, xjz_h = xjx[H:K], xjy[H:K], xjz[H:K]
    rij_h, rr_h, G_h = rij[H:K], rr[H:K], G[H:K]
    tri_h = tri[H:K]
    acc3 = jnp.zeros((K, BN), jnp.float32)
    acch = jnp.zeros((H, BN), jnp.float32)
    for s in range(K - 1):
        if s < H:
            xs, ys, zs = xjx, xjy, xjz
            rrv, rv, Gv, tv = rr, rij, G, tri
        else:
            xs, ys, zs = xjx_h, xjy_h, xjz_h
            rrv, rv, Gv, tv = rr_h, rij_h, G_h, tri_h
        ex = xs - xjx[s:s + 1]
        ey = ys - xjy[s:s + 1]
        ez = zs - xjz[s:s + 1]
        rjk2 = ex * ex + ey * ey + ez * ez
        num = rr[s:s + 1] + rrv - rjk2
        den = (2.0 * rij[s:s + 1]) * rv
        u = num - cb0 * den
        e3 = (GL[s:s + 1] * Gv) * (u * u)
        sel = jnp.where(tv > s, e3, 0.0)
        if s < H:
            acc3 = acc3 + sel
        else:
            acch = acch + sel
    acc = 0.5 * jnp.sum(acc2) + jnp.sum(acc3) + jnp.sum(acch)

    @pl.when(i == 0)
    def _():
        out_ref[0] = 0.0

    out_ref[0] += acc


def _energy_call(xj, params):
    return pl.pallas_call(
        _energy_body,
        grid=(NH // BN,),
        in_specs=[
            pl.BlockSpec((ROWS, BN), lambda i: (0, i)),
            pl.BlockSpec(memory_space=pltpu.SMEM),
        ],
        out_specs=pl.BlockSpec(memory_space=pltpu.SMEM),
        out_shape=jax.ShapeDtypeStruct((1,), jnp.float32),
    )(xj, params)


def kernel(particle_contributing, coords, num_neighbors, neighbor_list,
           A, B, p, q, sigma, gamma, cutoff, lam, cos_beta0):
    consumed = jnp.where(particle_contributing == 1, num_neighbors, 0).astype(jnp.int32)
    begin = jnp.concatenate(
        [jnp.zeros((1,), jnp.int32), jnp.cumsum(consumed)[:-1].astype(jnp.int32)])
    tab = coords.reshape(3 * N)
    nl = neighbor_list.reshape(TOTAL)
    xj = _sc_gather()(tab, nl, begin, consumed)
    params = jnp.stack([A, B, p, q, sigma, gamma, cutoff, lam, cos_beta0])
    out = _energy_call(xj, params)
    return out[0]

# --- scband reference (transcript-rebuilt; emitter-appended) ---
"""Pipeline reference for scband-stillinger-weber-layer-67826123538730 (READ-ONLY COPY).

The authoritative reference and input builder live on the scoring server;
editing this copy changes nothing except your own understanding.
"""

import jax, jax.numpy as jnp
import numpy as np

N_ATOMS = 16384
KMAX = 16


def _safe_norm(d):
    sq = jnp.sum(d * d, axis=-1)
    pos = sq > 0
    return jnp.where(pos, jnp.sqrt(jnp.where(pos, sq, 1.0)), 0.0)


def setup_inputs(seed: int = 0) -> dict:
    key = jax.random.key(seed)
    k1, k2, k3 = jax.random.split(key, 3)
    particle_contributing = jnp.ones((N_ATOMS,), dtype=jnp.int32)
    coords = jax.random.uniform(k1, (1, N_ATOMS * 3), dtype=jnp.float32)
    num_neighbors = jax.random.randint(k2, (N_ATOMS,), 0, KMAX, dtype=jnp.int32)
    # ragged neighbor list: slot t belongs to atom owner(t); avoid self-neighbors so rij > 0
    ends = jnp.cumsum(num_neighbors)
    slots = jnp.arange(N_ATOMS * KMAX)
    owner = jnp.clip(jnp.searchsorted(ends, slots, side='right'), 0, N_ATOMS - 1).astype(jnp.int32)
    raw = jax.random.randint(k3, (N_ATOMS * KMAX,), 0, N_ATOMS - 1, dtype=jnp.int32)
    neighbor_list = (((owner + 1 + raw) % N_ATOMS).astype(jnp.int32))[None, :]
    return {
        'particle_contributing': particle_contributing,
        'coords': coords,
        'num_neighbors': num_neighbors,
        'neighbor_list': neighbor_list,
        'A': jnp.asarray(15.2848479197914, dtype=jnp.float32),
        'B': jnp.asarray(0.6022245584, dtype=jnp.float32),
        'p': jnp.asarray(4.0, dtype=jnp.float32),
        'q': jnp.asarray(0.0, dtype=jnp.float32),
        'sigma': jnp.asarray(2.0951, dtype=jnp.float32),
        'gamma': jnp.asarray(2.51412, dtype=jnp.float32),
        'cutoff': jnp.asarray(3.77118, dtype=jnp.float32),
        'lam': jnp.asarray(45.5322, dtype=jnp.float32),
        'cos_beta0': jnp.asarray(-0.333333333333333, dtype=jnp.float32),
    }


def reference(particle_contributing, coords, num_neighbors, neighbor_list,
              A, B, p, q, sigma, gamma, cutoff, lam, cos_beta0):
    n = particle_contributing.shape[0]
    contrib = particle_contributing == 1
    # cursor only advances for contributing atoms (faithful to the torch loop)
    consumed = jnp.where(contrib, num_neighbors, 0)
    begin = jnp.concatenate([jnp.zeros((1,), consumed.dtype), jnp.cumsum(consumed)[:-1]])
    total_len = neighbor_list.shape[1]
    slot = jnp.arange(KMAX)
    idx = jnp.clip(begin[:, None] + slot[None, :], 0, total_len - 1)
    nl = neighbor_list[0][idx]                      # [N, KMAX] gather of ragged neighbor ids
    xyz = coords.reshape(n, 3)
    xj = xyz[nl]                                    # [N, KMAX, 3] gather
    rij = _safe_norm(xj - xyz[:, None, :])          # [N, KMAX]
    mask_j = (slot[None, :] < num_neighbors[:, None]) & contrib[:, None]
    # two-body term (has explicit cutoff branch)
    valid2 = mask_j & (rij < cutoff)
    r2 = jnp.where(valid2, rij, 1.0)
    sig_r = sigma / r2
    e2 = A * (B * sig_r ** p - sig_r ** q) * jnp.exp(sigma / (r2 - cutoff))
    energy2 = 0.5 * jnp.sum(jnp.where(valid2, e2, 0.0))
    # three-body term over neighbor pairs j < k (no cutoff branch, faithful)
    pair_mask = mask_j[:, :, None] & mask_j[:, None, :] & (slot[None, :, None] < slot[None, None, :])
    rij_b = jnp.where(pair_mask, rij[:, :, None], 1.0)
    rik_b = jnp.where(pair_mask, rij[:, None, :], 1.0)
    rjk = _safe_norm(xj[:, None, :, :] - xj[:, :, None, :])   # [N, KMAX, KMAX]
    cosb = (rij_b ** 2 + rik_b ** 2 - rjk ** 2) / (2.0 * rij_b * rik_b)
    e3 = lam * jnp.exp(gamma / (rij_b - cutoff) + gamma / (rik_b - cutoff)) * (cosb - cos_beta0) ** 2
    energy3 = jnp.sum(jnp.where(pair_mask, e3, 0.0))
    return energy2 + energy3

if __name__ == "__main__":
    import jax
    _d = setup_inputs()
    print(jax.jit(kernel)(*tuple(_d.values())))

</pallas_src>

<mosaic_0001>
#map = affine_map<(d0, d1) -> (0)>
#map1 = affine_map<(d0, d1) -> (0, 0)>
module attributes {stable_mosaic.version = 14 : i64} {
  func.func @_sc_gather_body(%arg0: i32, %arg1: i32, %arg2: memref<49152xf32, #tpu.memory_space<hbm>>, %arg3: memref<262144xi32, #tpu.memory_space<hbm>>, %arg4: memref<16384xi32, #tpu.memory_space<hbm>>, %arg5: memref<16384xi32, #tpu.memory_space<hbm>>, %arg6: memref<52x16384xf32, #tpu.memory_space<hbm>>, %arg7: memref<49152xf32, #tpu.memory_space<vmem>>, %arg8: memref<8192xi32, #tpu.memory_space<vmem>>, %arg9: memref<512xi32, #tpu.memory_space<vmem>>, %arg10: memref<512xi32, #tpu.memory_space<vmem>>, %arg11: memref<52x512xf32, #tpu.memory_space<vmem>>, %arg12: memref<!tpu.dma_semaphore, #tpu.memory_space<semaphore_mem>>) attributes {dimension_semantics = [#tpu.dimension_semantics<core_parallel>, #tpu.dimension_semantics<subcore_parallel>], iteration_bounds = array<i64: 2, 16>, scalar_prefetch = 0 : i64, scratch_operands = 6 : i64, tpu.core_type = #tpu.core_type<sc_vector_subcore>, window_params = [{transform_indices = #map}, {transform_indices = #map}, {transform_indices = #map}, {transform_indices = #map}, {transform_indices = #map1}]} {
    %mul3A = arith.constant 2 : i32
    %mul3A_0 = arith.muli %arg1, %mul3A : i32
    %add3A = arith.addi %mul3A_0, %arg0 : i32
    %mul3A_1 = arith.constant 512 : i32
    %mul3A_2 = arith.muli %add3A, %mul3A_1 : i32
    tpu.enqueue_dma source(%arg2 : memref<49152xf32, #tpu.memory_space<hbm>>) target(%arg7 : memref<49152xf32, #tpu.memory_space<vmem>>) target_semaphore(%arg12 : memref<!tpu.dma_semaphore, #tpu.memory_space<semaphore_mem>>)
    "tpu.region"() ({
      %run_scoped3A = tpu.sem_alloc : memref<!tpu.dma_semaphore, #tpu.memory_space<semaphore_mem>>
      %dma_start3A = tpu.memref_slice %arg4[%mul3A_2] : memref<16384xi32, #tpu.memory_space<hbm>> -> memref<512xi32, #tpu.memory_space<hbm>>
      %dma_start3A_25 = tpu.memref_slice %arg4[%mul3A_2] : memref<16384xi32, #tpu.memory_space<hbm>> -> memref<512xi32, #tpu.memory_space<hbm>>
      tpu.enqueue_dma source(%dma_start3A_25 : memref<512xi32, #tpu.memory_space<hbm>>) target(%arg9 : memref<512xi32, #tpu.memory_space<vmem>>) target_semaphore(%run_scoped3A : memref<!tpu.dma_semaphore, #tpu.memory_space<semaphore_mem>>)
      %dma_wait3A = tpu.memref_slice %arg4[%mul3A_2] : memref<16384xi32, #tpu.memory_space<hbm>> -> memref<512xi32, #tpu.memory_space<hbm>>
      %dma_wait3A_26 = tpu.memref_slice %arg4[%mul3A_2] : memref<16384xi32, #tpu.memory_space<hbm>> -> memref<512xi32, #tpu.memory_space<hbm>>
      tpu.wait_dma2 semaphore(%run_scoped3A : memref<!tpu.dma_semaphore, #tpu.memory_space<semaphore_mem>>) src(%dma_wait3A_26 : memref<512xi32, #tpu.memory_space<hbm>>) dst(%arg9 : memref<512xi32, #tpu.memory_space<vmem>>)
      tpu.yield
    }) : () -> ()
    "tpu.region"() ({
      %run_scoped3A = tpu.sem_alloc : memref<!tpu.dma_semaphore, #tpu.memory_space<semaphore_mem>>
      %dma_start3A = tpu.memref_slice %arg5[%mul3A_2] : memref<16384xi32, #tpu.memory_space<hbm>> -> memref<512xi32, #tpu.memory_space<hbm>>
      %dma_start3A_25 = tpu.memref_slice %arg5[%mul3A_2] : memref<16384xi32, #tpu.memory_space<hbm>> -> memref<512xi32, #tpu.memory_space<hbm>>
      tpu.enqueue_dma source(%dma_start3A_25 : memref<512xi32, #tpu.memory_space<hbm>>) target(%arg10 : memref<512xi32, #tpu.memory_space<vmem>>) target_semaphore(%run_scoped3A : memref<!tpu.dma_semaphore, #tpu.memory_space<semaphore_mem>>)
      %dma_wait3A = tpu.memref_slice %arg5[%mul3A_2] : memref<16384xi32, #tpu.memory_space<hbm>> -> memref<512xi32, #tpu.memory_space<hbm>>
      %dma_wait3A_26 = tpu.memref_slice %arg5[%mul3A_2] : memref<16384xi32, #tpu.memory_space<hbm>> -> memref<512xi32, #tpu.memory_space<hbm>>
      tpu.wait_dma2 semaphore(%run_scoped3A : memref<!tpu.dma_semaphore, #tpu.memory_space<semaphore_mem>>) src(%dma_wait3A_26 : memref<512xi32, #tpu.memory_space<hbm>>) dst(%arg10 : memref<512xi32, #tpu.memory_space<vmem>>)
      tpu.yield
    }) : () -> ()
    %get3A = arith.constant 0 : index
    %get3A_3 = tpu.vector_load %arg9[%get3A] {strides = array<i32>} : memref<512xi32, #tpu.memory_space<vmem>>, vector<16xi32>,
    %slice3A = vector.extract_strided_slice %get3A_3 {offsets = [0], sizes = [1], strides = [1]} : vector<16xi32> to vector<1xi32>
    %squeeze3A = vector.extract %slice3A[0] : i32 from vector<1xi32>
    %jit3A = arith.constant 8 : i32
    %div3A = arith.divsi %squeeze3A, %jit3A : i32
    %sign3A = arith.constant 0 : i32
    %sign3A_4 = arith.cmpi sgt, %squeeze3A, %sign3A : i32
    %sign3A_5 = arith.extui %sign3A_4 : i1 to i32
    %sign3A_6 = arith.constant 0 : i32
    %sign3A_7 = arith.cmpi slt, %squeeze3A, %sign3A_6 : i32
    %sign3A_8 = arith.extui %sign3A_7 : i1 to i32
    %sign3A_9 = arith.subi %sign3A_5, %sign3A_8 : i32
    %sign3A_10 = arith.constant 0 : i32
    %sign3A_11 = arith.cmpi sgt, %jit3A, %sign3A_10 : i32
    %sign3A_12 = arith.extui %sign3A_11 : i1 to i32
    %sign3A_13 = arith.constant 0 : i32
    %sign3A_14 = arith.cmpi slt, %jit3A, %sign3A_13 : i32
    %sign3A_15 = arith.extui %sign3A_14 : i1 to i32
    %sign3A_16 = arith.subi %sign3A_12, %sign3A_15 : i32
    %ne3A = arith.cmpi ne, %sign3A_9, %sign3A_16 : i32
    %rem3A = arith.remsi %squeeze3A, %jit3A : i32
    %ne3A_17 = arith.constant 0 : i32
    %ne3A_18 = arith.cmpi ne, %rem3A, %ne3A_17 : i32
    %and3A = arith.andi %ne3A, %ne3A_18 : i1
    %sub3A = arith.constant 1 : i32
    %sub3A_19 = arith.subi %div3A, %sub3A : i32
    %select_n3A = arith.select %and3A, %sub3A_19, %div3A : i32
    %mul3A_20 = arith.constant 8 : i32
    %mul3A_21 = arith.muli %select_n3A, %mul3A_20 : i32
    %min3A = arith.constant 253952 : i32
    %min3A_22 = arith.minsi %mul3A_21, %min3A : i32
    %multiple_of3A = tpu.assume_multiple %min3A_22, 8 : i32
    "tpu.region"() ({
      %run_scoped3A = tpu.sem_alloc : memref<!tpu.dma_semaphore, #tpu.memory_space<semaphore_mem>>
      %dma_start3A = tpu.memref_slice %arg3[%multiple_of3A] : memref<262144xi32, #tpu.memory_space<hbm>> -> memref<8192xi32, #tpu.memory_space<hbm>>
      %dma_start3A_25 = tpu.memref_slice %arg3[%multiple_of3A] : memref<262144xi32, #tpu.memory_space<hbm>> -> memref<8192xi32, #tpu.memory_space<hbm>>
      tpu.enqueue_dma source(%dma_start3A_25 : memref<8192xi32, #tpu.memory_space<hbm>>) target(%arg8 : memref<8192xi32, #tpu.memory_space<vmem>>) target_semaphore(%run_scoped3A : memref<!tpu.dma_semaphore, #tpu.memory_space<semaphore_mem>>)
      %dma_wait3A = tpu.memref_slice %arg3[%multiple_of3A] : memref<262144xi32, #tpu.memory_space<hbm>> -> memref<8192xi32, #tpu.memory_space<hbm>>
      %dma_wait3A_26 = tpu.memref_slice %arg3[%multiple_of3A] : memref<262144xi32, #tpu.memory_space<hbm>> -> memref<8192xi32, #tpu.memory_space<hbm>>
      tpu.wait_dma2 semaphore(%run_scoped3A : memref<!tpu.dma_semaphore, #tpu.memory_space<semaphore_mem>>) src(%dma_wait3A_26 : memref<8192xi32, #tpu.memory_space<hbm>>) dst(%arg8 : memref<8192xi32, #tpu.memory_space<vmem>>)
      tpu.yield
    }) : () -> ()
    tpu.wait_dma2 semaphore(%arg12 : memref<!tpu.dma_semaphore, #tpu.memory_space<semaphore_mem>>) src(%arg2 : memref<49152xf32, #tpu.memory_space<hbm>>) dst(%arg7 : memref<49152xf32, #tpu.memory_space<vmem>>)
    %iota3A = tpu.iota {dimensions = array<i32: 0>} : vector<16xi32>
    %parallel_loop3A = arith.constant 0 : i32
    %parallel_loop3A_23 = arith.constant 32 : i32
    %parallel_loop3A_24 = arith.constant 1 : i32
    scf.for %parallel_loop3A_25 = %parallel_loop3A to %parallel_loop3A_23 step %parallel_loop3A_24  : i32 {
      %parallel_loop3A_26 = arith.constant 16 : i32
      %parallel_loop3A_27 = arith.muli %parallel_loop3A_25, %parallel_loop3A_26 : i32
      %parallel_loop3A_28 = arith.addi %mul3A_2, %parallel_loop3A_27 : i32
      %parallel_loop3A_29 = vector.broadcast %parallel_loop3A_28 : i32 to vector<16xi32>
      %parallel_loop3A_30 = arith.addi %parallel_loop3A_29, %iota3A : vector<16xi32>
      %parallel_loop3A_31 = arith.constant 3 : i32
      %parallel_loop3A_32 = vector.broadcast %parallel_loop3A_31 : i32 to vector<16xi32>
      %parallel_loop3A_33 = arith.muli %parallel_loop3A_30, %parallel_loop3A_32 : vector<16xi32>
      %parallel_loop3A_34 = tpu.vector_load_idx %arg7[%parallel_loop3A_33] : memref<49152xf32, #tpu.memory_space<vmem>>[vector<16xi32>], vector<16xf32>,
      %parallel_loop3A_35 = arith.constant 48 : i32
      %parallel_loop3A_36 = arith.index_cast %parallel_loop3A_35 : i32 to index
      %parallel_loop3A_37 = arith.index_cast %parallel_loop3A_27 : i32 to index
      %parallel_loop3A_38 = tpu.vector_load %arg11[%parallel_loop3A_36, %parallel_loop3A_37] {strides = array<i32>} : memref<52x512xf32, #tpu.memory_space<vmem>>, vector<16xf32>,
      tpu.vector_store %arg11[%parallel_loop3A_36, %parallel_loop3A_37], %parallel_loop3A_34 {strides = array<i32>} : memref<52x512xf32, #tpu.memory_space<vmem>>, vector<16xf32>,
      %parallel_loop3A_39 = arith.constant 1 : i32
      %parallel_loop3A_40 = vector.broadcast %parallel_loop3A_39 : i32 to vector<16xi32>
      %parallel_loop3A_41 = arith.addi %parallel_loop3A_33, %parallel_loop3A_40 : vector<16xi32>
      %parallel_loop3A_42 = tpu.vector_load_idx %arg7[%parallel_loop3A_41] : memref<49152xf32, #tpu.memory_space<vmem>>[vector<16xi32>], vector<16xf32>,
      %parallel_loop3A_43 = arith.constant 49 : i32
      %parallel_loop3A_44 = arith.index_cast %parallel_loop3A_43 : i32 to index
      %parallel_loop3A_45 = arith.index_cast %parallel_loop3A_27 : i32 to index
      %parallel_loop3A_46 = tpu.vector_load %arg11[%parallel_loop3A_44, %parallel_loop3A_45] {strides = array<i32>} : memref<52x512xf32, #tpu.memory_space<vmem>>, vector<16xf32>,
      tpu.vector_store %arg11[%parallel_loop3A_44, %parallel_loop3A_45], %parallel_loop3A_42 {strides = array<i32>} : memref<52x512xf32, #tpu.memory_space<vmem>>, vector<16xf32>,
      %parallel_loop3A_47 = arith.constant 2 : i32
      %parallel_loop3A_48 = vector.broadcast %parallel_loop3A_47 : i32 to vector<16xi32>
      %parallel_loop3A_49 = arith.addi %parallel_loop3A_33, %parallel_loop3A_48 : vector<16xi32>
      %parallel_loop3A_50 = tpu.vector_load_idx %arg7[%parallel_loop3A_49] : memref<49152xf32, #tpu.memory_space<vmem>>[vector<16xi32>], vector<16xf32>,
      %parallel_loop3A_51 = arith.constant 50 : i32
      %parallel_loop3A_52 = arith.index_cast %parallel_loop3A_51 : i32 to index
      %parallel_loop3A_53 = arith.index_cast %parallel_loop3A_27 : i32 to index
      %parallel_loop3A_54 = tpu.vector_load %arg11[%parallel_loop3A_52, %parallel_loop3A_53] {strides = array<i32>} : memref<52x512xf32, #tpu.memory_space<vmem>>, vector<16xf32>,
      tpu.vector_store %arg11[%parallel_loop3A_52, %parallel_loop3A_53], %parallel_loop3A_50 {strides = array<i32>} : memref<52x512xf32, #tpu.memory_space<vmem>>, vector<16xf32>,
      %parallel_loop3A_55 = arith.index_cast %parallel_loop3A_27 : i32 to index
      %parallel_loop3A_56 = tpu.vector_load %arg10[%parallel_loop3A_55] {strides = array<i32>} : memref<512xi32, #tpu.memory_space<vmem>>, vector<16xi32>,
      %parallel_loop3A_57 = arith.sitofp %parallel_loop3A_56 : vector<16xi32> to vector<16xf32>
      %parallel_loop3A_58 = arith.constant 51 : i32
      %parallel_loop3A_59 = arith.index_cast %parallel_loop3A_58 : i32 to index
      %parallel_loop3A_60 = arith.index_cast %parallel_loop3A_27 : i32 to index
      %parallel_loop3A_61 = tpu.vector_load %arg11[%parallel_loop3A_59, %parallel_loop3A_60] {strides = array<i32>} : memref<52x512xf32, #tpu.memory_space<vmem>>, vector<16xf32>,
      tpu.vector_store %arg11[%parallel_loop3A_59, %parallel_loop3A_60], %parallel_loop3A_57 {strides = array<i32>} : memref<52x512xf32, #tpu.memory_space<vmem>>, vector<16xf32>,
      %parallel_loop3A_62 = arith.index_cast %parallel_loop3A_27 : i32 to index
      %parallel_loop3A_63 = tpu.vector_load %arg9[%parallel_loop3A_62] {strides = array<i32>} : memref<512xi32, #tpu.memory_space<vmem>>, vector<16xi32>,
      %parallel_loop3A_64 = vector.broadcast %multiple_of3A : i32 to vector<16xi32>
      %parallel_loop3A_65 = arith.subi %parallel_loop3A_63, %parallel_loop3A_64 : vector<16xi32>
      %parallel_loop3A_66 = arith.constant 0 : i32
      %parallel_loop3A_67 = arith.constant 8176 : i32
      %parallel_loop3A_68 = vector.broadcast %parallel_loop3A_66 : i32 to vector<16xi32>
      %parallel_loop3A_69 = arith.maxsi %parallel_loop3A_68, %parallel_loop3A_65 : vector<16xi32>
      %parallel_loop3A_70 = vector.broadcast %parallel_loop3A_67 : i32 to vector<16xi32>
      %parallel_loop3A_71 = arith.minsi %parallel_loop3A_70, %parallel_loop3A_69 : vector<16xi32>
      %parallel_loop3A_72 = arith.constant 0 : i32
      %parallel_loop3A_73 = vector.broadcast %parallel_loop3A_72 : i32 to vector<16xi32>
      %parallel_loop3A_74 = arith.addi %parallel_loop3A_71, %parallel_loop3A_73 : vector<16xi32>
      %parallel_loop3A_75 = tpu.vector_load_idx %arg8[%parallel_loop3A_74] : memref<8192xi32, #tpu.memory_space<vmem>>[vector<16xi32>], vector<16xi32>,
      %parallel_loop3A_76 = arith.constant 3 : i32
      %parallel_loop3A_77 = vector.broadcast %parallel_loop3A_76 : i32 to vector<16xi32>
      %parallel_loop3A_78 = arith.muli %parallel_loop3A_75, %parallel_loop3A_77 : vector<16xi32>
      %parallel_loop3A_79 = tpu.vector_load_idx %arg7[%parallel_loop3A_78] : memref<49152xf32, #tpu.memory_space<vmem>>[vector<16xi32>], vector<16xf32>,
      %parallel_loop3A_80 = arith.constant 0 : i32
      %parallel_loop3A_81 = arith.index_cast %parallel_loop3A_80 : i32 to index
      %parallel_loop3A_82 = arith.index_cast %parallel_loop3A_27 : i32 to index
      %parallel_loop3A_83 = tpu.vector_load %arg11[%parallel_loop3A_81, %parallel_loop3A_82] {strides = array<i32>} : memref<52x512xf32, #tpu.memory_space<vmem>>, vector<16xf32>,
      tpu.vector_store %arg11[%parallel_loop3A_81, %parallel_loop3A_82], %parallel_loop3A_79 {strides = array<i32>} : memref<52x512xf32, #tpu.memory_space<vmem>>, vector<16xf32>,
      %parallel_loop3A_84 = arith.constant 1 : i32
      %parallel_loop3A_85 = vector.broadcast %parallel_loop3A_84 : i32 to vector<16xi32>
      %parallel_loop3A_86 = arith.addi %parallel_loop3A_78, %parallel_loop3A_85 : vector<16xi32>
      %parallel_loop3A_87 = tpu.vector_load_idx %arg7[%parallel_loop3A_86] : memref<49152xf32, #tpu.memory_space<vmem>>[vector<16xi32>], vector<16xf32>,
      %parallel_loop3A_88 = arith.constant 16 : i32
      %parallel_loop3A_89 = arith.index_cast %parallel_loop3A_88 : i32 to index
      %parallel_loop3A_90 = arith.index_cast %parallel_loop3A_27 : i32 to index
      %parallel_loop3A_91 = tpu.vector_load %arg11[%parallel_loop3A_89, %parallel_loop3A_90] {strides = array<i32>} : memref<52x512xf32, #tpu.memory_space<vmem>>, vector<16xf32>,
      tpu.vector_store %arg11[%parallel_loop3A_89, %parallel_loop3A_90], %parallel_loop3A_87 {strides = array<i32>} : memref<52x512xf32, #tpu.memory_space<vmem>>, vector<16xf32>,
      %parallel_loop3A_92 = arith.constant 2 : i32
      %parallel_loop3A_93 = vector.broadcast %parallel_loop3A_92 : i32 to vector<16xi32>
      %parallel_loop3A_94 = arith.addi %parallel_loop3A_78, %parallel_loop3A_93 : vector<16xi32>
      %parallel_loop3A_95 = tpu.vector_load_idx %arg7[%parallel_loop3A_94] : memref<49152xf32, #tpu.memory_space<vmem>>[vector<16xi32>], vector<16xf32>,
      %parallel_loop3A_96 = arith.constant 32 : i32
      %parallel_loop3A_97 = arith.index_cast %parallel_loop3A_96 : i32 to index
      %parallel_loop3A_98 = arith.index_cast %parallel_loop3A_27 : i32 to index
      %parallel_loop3A_99 = tpu.vector_load %arg11[%parallel_loop3A_97, %parallel_loop3A_98] {strides = array<i32>} : memref<52x512xf32, #tpu.memory_space<vmem>>, vector<16xf32>,
      tpu.vector_store %arg11[%parallel_loop3A_97, %parallel_loop3A_98], %parallel_loop3A_95 {strides = array<i32>} : memref<52x512xf32, #tpu.memory_space<vmem>>, vector<16xf32>,
      %parallel_loop3A_100 = arith.constant 1 : i32
      %parallel_loop3A_101 = vector.broadcast %parallel_loop3A_100 : i32 to vector<16xi32>
      %parallel_loop3A_102 = arith.addi %parallel_loop3A_71, %parallel_loop3A_101 : vector<16xi32>
      %parallel_loop3A_103 = tpu.vector_load_idx %arg8[%parallel_loop3A_102] : memref<8192xi32, #tpu.memory_space<vmem>>[vector<16xi32>], vector<16xi32>,
      %parallel_loop3A_104 = arith.constant 3 : i32
      %parallel_loop3A_105 = vector.broadcast %parallel_loop3A_104 : i32 to vector<16xi32>
      %parallel_loop3A_106 = arith.muli %parallel_loop3A_103, %parallel_loop3A_105 : vector<16xi32>
      %parallel_loop3A_107 = tpu.vector_load_idx %arg7[%parallel_loop3A_106] : memref<49152xf32, #tpu.memory_space<vmem>>[vector<16xi32>], vector<16xf32>,
      %parallel_loop3A_108 = arith.constant 1 : i32
      %parallel_loop3A_109 = arith.index_cast %parallel_loop3A_108 : i32 to index
      %parallel_loop3A_110 = arith.index_cast %parallel_loop3A_27 : i32 to index
      %parallel_loop3A_111 = tpu.vector_load %arg11[%parallel_loop3A_109, %parallel_loop3A_110] {strides = array<i32>} : memref<52x512xf32, #tpu.memory_space<vmem>>, vector<16xf32>,
      tpu.vector_store %arg11[%parallel_loop3A_109, %parallel_loop3A_110], %parallel_loop3A_107 {strides = array<i32>} : memref<52x512xf32, #tpu.memory_space<vmem>>, vector<16xf32>,
      %parallel_loop3A_112 = arith.constant 1 : i32
      %parallel_loop3A_113 = vector.broadcast %parallel_loop3A_112 : i32 to vector<16xi32>
      %parallel_loop3A_114 = arith.addi %parallel_loop3A_106, %parallel_loop3A_113 : vector<16xi32>
      %parallel_loop3A_115 = tpu.vector_load_idx %arg7[%parallel_loop3A_114] : memref<49152xf32, #tpu.memory_space<vmem>>[vector<16xi32>], vector<16xf32>,
      %parallel_loop3A_116 = arith.constant 17 : i32
      %parallel_loop3A_117 = arith.index_cast %parallel_loop3A_116 : i32 to index
      %parallel_loop3A_118 = arith.index_cast %parallel_loop3A_27 : i32 to index
      %parallel_loop3A_119 = tpu.vector_load %arg11[%parallel_loop3A_117, %parallel_loop3A_118] {strides = array<i32>} : memref<52x512xf32, #tpu.memory_space<vmem>>, vector<16xf32>,
      tpu.vector_store %arg11[%parallel_loop3A_117, %parallel_loop3A_118], %parallel_loop3A_115 {strides = array<i32>} : memref<52x512xf32, #tpu.memory_space<vmem>>, vector<16xf32>,
      %parallel_loop3A_120 = arith.constant 2 : i32
      %parallel_loop3A_121 = vector.broadcast %parallel_loop3A_120 : i32 to vector<16xi32>
      %parallel_loop3A_122 = arith.addi %parallel_loop3A_106, %parallel_loop3A_121 : vector<16xi32>
      %parallel_loop3A_123 = tpu.vector_load_idx %arg7[%parallel_loop3A_122] : memref<49152xf32, #tpu.memory_space<vmem>>[vector<16xi32>], vector<16xf32>,
      %parallel_loop3A_124 = arith.constant 33 : i32
      %parallel_loop3A_125 = arith.index_cast %parallel_loop3A_124 : i32 to index
      %parallel_loop3A_126 = arith.index_cast %parallel_loop3A_27 : i32 to index
      %parallel_loop3A_127 = tpu.vector_load %arg11[%parallel_loop3A_125, %parallel_loop3A_126] {strides = array<i32>} : memref<52x512xf32, #tpu.memory_space<vmem>>, vector<16xf32>,
      tpu.vector_store %arg11[%parallel_loop3A_125, %parallel_loop3A_126], %parallel_loop3A_123 {strides = array<i32>} : memref<52x512xf32, #tpu.memory_space<vmem>>, vector<16xf32>,
      %parallel_loop3A_128 = arith.constant 2 : i32
      %parallel_loop3A_129 = vector.broadcast %parallel_loop3A_128 : i32 to vector<16xi32>
      %parallel_loop3A_130 = arith.addi %parallel_loop3A_71, %parallel_loop3A_129 : vector<16xi32>
      %parallel_loop3A_131 = tpu.vector_load_idx %arg8[%parallel_loop3A_130] : memref<8192xi32, #tpu.memory_space<vmem>>[vector<16xi32>], vector<16xi32>,
      %parallel_loop3A_132 = arith.constant 3 : i32
      %parallel_loop3A_133 = vector.broadcast %parallel_loop3A_132 : i32 to vector<16xi32>
      %parallel_loop3A_134 = arith.muli %parallel_loop3A_131, %parallel_loop3A_133 : vector<16xi32>
      %parallel_loop3A_135 = tpu.vector_load_idx %arg7[%parallel_loop3A_134] : memref<49152xf32, #tpu.memory_space<vmem>>[vector<16xi32>], vector<16xf32>,
      %parallel_loop3A_136 = arith.constant 2 : i32
      %parallel_loop3A_137 = arith.index_cast %parallel_loop3A_136 : i32 to index
      %parallel_loop3A_138 = arith.index_cast %parallel_loop3A_27 : i32 to index
      %parallel_loop3A_139 = tpu.vector_load %arg11[%parallel_loop3A_137, %parallel_loop3A_138] {strides = array<i32>} : memref<52x512xf32, #tpu.memory_space<vmem>>, vector<16xf32>,
      tpu.vector_store %arg11[%parallel_loop3A_137, %parallel_loop3A_138], %parallel_loop3A_135 {strides = array<i32>} : memref<52x512xf32, #tpu.memory_space<vmem>>, vector<16xf32>,
      %parallel_loop3A_140 = arith.constant 1 : i32
      %parallel_loop3A_141 = vector.broadcast %parallel_loop3A_140 : i32 to vector<16xi32>
      %parallel_loop3A_142 = arith.addi %parallel_loop3A_134, %parallel_loop3A_141 : vector<16xi32>
      %parallel_loop3A_143 = tpu.vector_load_idx %arg7[%parallel_loop3A_142] : memref<49152xf32, #tpu.memory_space<vmem>>[vector<16xi32>], vector<16xf32>,
      %parallel_loop3A_144 = arith.constant 18 : i32
      %parallel_loop3A_145 = arith.index_cast %parallel_loop3A_144 : i32 to index
      %parallel_loop3A_146 = arith.index_cast %parallel_loop3A_27 : i32 to index
      %parallel_loop3A_147 = tpu.vector_load %arg11[%parallel_loop3A_145, %parallel_loop3A_146] {strides = array<i32>} : memref<52x512xf32, #tpu.memory_space<vmem>>, vector<16xf32>,
      tpu.vector_store %arg11[%parallel_loop3A_145, %parallel_loop3A_146], %parallel_loop3A_143 {strides = array<i32>} : memref<52x512xf32, #tpu.memory_space<vmem>>, vector<16xf32>,
      %parallel_loop3A_148 = arith.constant 2 : i32
      %parallel_loop3A_149 = vector.broadcast %parallel_loop3A_148 : i32 to vector<16xi32>
      %parallel_loop3A_150 = arith.addi %parallel_loop3A_134, %parallel_loop3A_149 : vector<16xi32>
      %parallel_loop3A_151 = tpu.vector_load_idx %arg7[%parallel_loop3A_150] : memref<49152xf32, #tpu.memory_space<vmem>>[vector<16xi32>], vector<16xf32>,
      %parallel_loop3A_152 = arith.constant 34 : i32
      %parallel_loop3A_153 = arith.index_cast %parallel_loop3A_152 : i32 to index
      %parallel_loop3A_154 = arith.index_cast %parallel_loop3A_27 : i32 to index
      %parallel_loop3A_155 = tpu.vector_load %arg11[%parallel_loop3A_153, %parallel_loop3A_154] {strides = array<i32>} : memref<52x512xf32, #tpu.memory_space<vmem>>, vector<16xf32>,
      tpu.vector_store %arg11[%parallel_loop3A_153, %parallel_loop3A_154], %parallel_loop3A_151 {strides = array<i32>} : memref<52x512xf32, #tpu.memory_space<vmem>>, vector<16xf32>,
      %parallel_loop3A_156 = arith.constant 3 : i32
      %parallel_loop3A_157 = vector.broadcast %parallel_loop3A_156 : i32 to vector<16xi32>
      %parallel_loop3A_158 = arith.addi %parallel_loop3A_71, %parallel_loop3A_157 : vector<16xi32>
      %parallel_loop3A_159 = tpu.vector_load_idx %arg8[%parallel_loop3A_158] : memref<8192xi32, #tpu.memory_space<vmem>>[vector<16xi32>], vector<16xi32>,
      %parallel_loop3A_160 = arith.constant 3 : i32
      %parallel_loop3A_161 = vector.broadcast %parallel_loop3A_160 : i32 to vector<16xi32>
      %parallel_loop3A_162 = arith.muli %parallel_loop3A_159, %parallel_loop3A_161 : vector<16xi32>
      %parallel_loop3A_163 = tpu.vector_load_idx %arg7[%parallel_loop3A_162] : memref<49152xf32, #tpu.memory_space<vmem>>[vector<16xi32>], vector<16xf32>,
      %parallel_loop3A_164 = arith.constant 3 : i32
      %parallel_loop3A_165 = arith.index_cast %parallel_loop3A_164 : i32 to index
      %parallel_loop3A_166 = arith.index_cast %parallel_loop3A_27 : i32 to index
      %parallel_loop3A_167 = tpu.vector_load %arg11[%parallel_loop3A_165, %parallel_loop3A_166] {strides = array<i32>} : memref<52x512xf32, #tpu.memory_space<vmem>>, vector<16xf32>,
      tpu.vector_store %arg11[%parallel_loop3A_165, %parallel_loop3A_166], %parallel_loop3A_163 {strides = array<i32>} : memref<52x512xf32, #tpu.memory_space<vmem>>, vector<16xf32>,
      %parallel_loop3A_168 = arith.constant 1 : i32
      %parallel_loop3A_169 = vector.broadcast %parallel_loop3A_168 : i32 to vector<16xi32>
      %parallel_loop3A_170 = arith.addi %parallel_loop3A_162, %parallel_loop3A_169 : vector<16xi32>
      %parallel_loop3A_171 = tpu.vector_load_idx %arg7[%parallel_loop3A_170] : memref<49152xf32, #tpu.memory_space<vmem>>[vector<16xi32>], vector<16xf32>,
      %parallel_loop3A_172 = arith.constant 19 : i32
      %parallel_loop3A_173 = arith.index_cast %parallel_loop3A_172 : i32 to index
      %parallel_loop3A_174 = arith.index_cast %parallel_loop3A_27 : i32 to index
      %parallel_loop3A_175 = tpu.vector_load %arg11[%parallel_loop3A_173, %parallel_loop3A_174] {strides = array<i32>} : memref<52x512xf32, #tpu.memory_space<vmem>>, vector<16xf32>,
      tpu.vector_store %arg11[%parallel_loop3A_173, %parallel_loop3A_174], %parallel_loop3A_171 {strides = array<i32>} : memref<52x512xf32, #tpu.memory_space<vmem>>, vector<16xf32>,
      %parallel_loop3A_176 = arith.constant 2 : i32
      %parallel_loop3A_177 = vector.broadcast %parallel_loop3A_176 : i32 to vector<16xi32>
      %parallel_loop3A_178 = arith.addi %parallel_loop3A_162, %parallel_loop3A_177 : vector<16xi32>
      %parallel_loop3A_179 = tpu.vector_load_idx %arg7[%parallel_loop3A_178] : memref<49152xf32, #tpu.memory_space<vmem>>[vector<16xi32>], vector<16xf32>,
      %parallel_loop3A_180 = arith.constant 35 : i32
      %parallel_loop3A_181 = arith.index_cast %parallel_loop3A_180 : i32 to index
      %parallel_loop3A_182 = arith.index_cast %parallel_loop3A_27 : i32 to index
      %parallel_loop3A_183 = tpu.vector_load %arg11[%parallel_loop3A_181, %parallel_loop3A_182] {strides = array<i32>} : memref<52x512xf32, #tpu.memory_space<vmem>>, vector<16xf32>,
      tpu.vector_store %arg11[%parallel_loop3A_181, %parallel_loop3A_182], %parallel_loop3A_179 {strides = array<i32>} : memref<52x512xf32, #tpu.memory_space<vmem>>, vector<16xf32>,
      %parallel_loop3A_184 = arith.constant 4 : i32
      %parallel_loop3A_185 = vector.broadcast %parallel_loop3A_184 : i32 to vector<16xi32>
      %parallel_loop3A_186 = arith.addi %parallel_loop3A_71, %parallel_loop3A_185 : vector<16xi32>
      %parallel_loop3A_187 = tpu.vector_load_idx %arg8[%parallel_loop3A_186] : memref<8192xi32, #tpu.memory_space<vmem>>[vector<16xi32>], vector<16xi32>,
      %parallel_loop3A_188 = arith.constant 3 : i32
      %parallel_loop3A_189 = vector.broadcast %parallel_loop3A_188 : i32 to vector<16xi32>
      %parallel_loop3A_190 = arith.muli %parallel_loop3A_187, %parallel_loop3A_189 : vector<16xi32>
      %parallel_loop3A_191 = tpu.vector_load_idx %arg7[%parallel_loop3A_190] : memref<49152xf32, #tpu.memory_space<vmem>>[vector<16xi32>], vector<16xf32>,
      %parallel_loop3A_192 = arith.constant 4 : i32
      %parallel_loop3A_193 = arith.index_cast %parallel_loop3A_192 : i32 to index
      %parallel_loop3A_194 = arith.index_cast %parallel_loop3A_27 : i32 to index
      %parallel_loop3A_195 = tpu.vector_load %arg11[%parallel_loop3A_193, %parallel_loop3A_194] {strides = array<i32>} : memref<52x512xf32, #tpu.memory_space<vmem>>, vector<16xf32>,
      tpu.vector_store %arg11[%parallel_loop3A_193, %parallel_loop3A_194], %parallel_loop3A_191 {strides = array<i32>} : memref<52x512xf32, #tpu.memory_space<vmem>>, vector<16xf32>,
      %parallel_loop3A_196 = arith.constant 1 : i32
      %parallel_loop3A_197 = vector.broadcast %parallel_loop3A_196 : i32 to vector<16xi32>
      %parallel_loop3A_198 = arith.addi %parallel_loop3A_190, %parallel_loop3A_197 : vector<16xi32>
      %parallel_loop3A_199 = tpu.vector_load_idx %arg7[%parallel_loop3A_198] : memref<49152xf32, #tpu.memory_space<vmem>>[vector<16xi32>], vector<16xf32>,
      %parallel_loop3A_200 = arith.constant 20 : i32
      %parallel_loop3A_201 = arith.index_cast %parallel_loop3A_200 : i32 to index
      %parallel_loop3A_202 = arith.index_cast %parallel_loop3A_27 : i32 to index
      %parallel_loop3A_203 = tpu.vector_load %arg11[%parallel_loop3A_201, %parallel_loop3A_202] {strides = array<i32>} : memref<52x512xf32, #tpu.memory_space<vmem>>, vector<16xf32>,
      tpu.vector_store %arg11[%parallel_loop3A_201, %parallel_loop3A_202], %parallel_loop3A_199 {strides = array<i32>} : memref<52x512xf32, #tpu.memory_space<vmem>>, vector<16xf32>,
      %parallel_loop3A_204 = arith.constant 2 : i32
      %parallel_loop3A_205 = vector.broadcast %parallel_loop3A_204 : i32 to vector<16xi32>
      %parallel_loop3A_206 = arith.addi %parallel_loop3A_190, %parallel_loop3A_205 : vector<16xi32>
      %parallel_loop3A_207 = tpu.vector_load_idx %arg7[%parallel_loop3A_206] : memref<49152xf32, #tpu.memory_space<vmem>>[vector<16xi32>], vector<16xf32>,
      %parallel_loop3A_208 = arith.constant 36 : i32
      %parallel_loop3A_209 = arith.index_cast %parallel_loop3A_208 : i32 to index
      %parallel_loop3A_210 = arith.index_cast %parallel_loop3A_27 : i32 to index
      %parallel_loop3A_211 = tpu.vector_load %arg11[%parallel_loop3A_209, %parallel_loop3A_210] {strides = array<i32>} : memref<52x512xf32, #tpu.memory_space<vmem>>, vector<16xf32>,
      tpu.vector_store %arg11[%parallel_loop3A_209, %parallel_loop3A_210], %parallel_loop3A_207 {strides = array<i32>} : memref<52x512xf32, #tpu.memory_space<vmem>>, vector<16xf32>,
      %parallel_loop3A_212 = arith.constant 5 : i32
      %parallel_loop3A_213 = vector.broadcast %parallel_loop3A_212 : i32 to vector<16xi32>
      %parallel_loop3A_214 = arith.addi %parallel_loop3A_71, %parallel_loop3A_213 : vector<16xi32>
      %parallel_loop3A_215 = tpu.vector_load_idx %arg8[%parallel_loop3A_214] : memref<8192xi32, #tpu.memory_space<vmem>>[vector<16xi32>], vector<16xi32>,
      %parallel_loop3A_216 = arith.constant 3 : i32
      %parallel_loop3A_217 = vector.broadcast %parallel_loop3A_216 : i32 to vector<16xi32>
      %parallel_loop3A_218 = arith.muli %parallel_loop3A_215, %parallel_loop3A_217 : vector<16xi32>
      %parallel_loop3A_219 = tpu.vector_load_idx %arg7[%parallel_loop3A_218] : memref<49152xf32, #tpu.memory_space<vmem>>[vector<16xi32>], vector<16xf32>,
      %parallel_loop3A_220 = arith.constant 5 : i32
      %parallel_loop3A_221 = arith.index_cast %parallel_loop3A_220 : i32 to index
      %parallel_loop3A_222 = arith.index_cast %parallel_loop3A_27 : i32 to index
      %parallel_loop3A_223 = tpu.vector_load %arg11[%parallel_loop3A_221, %parallel_loop3A_222] {strides = array<i32>} : memref<52x512xf32, #tpu.memory_space<vmem>>, vector<16xf32>,
      tpu.vector_store %arg11[%parallel_loop3A_221, %parallel_loop3A_222], %parallel_loop3A_219 {strides = array<i32>} : memref<52x512xf32, #tpu.memory_space<vmem>>, vector<16xf32>,
      %parallel_loop3A_224 = arith.constant 1 : i32
      %parallel_loop3A_225 = vector.broadcast %parallel_loop3A_224 : i32 to vector<16xi32>
      %parallel_loop3A_226 = arith.addi %parallel_loop3A_218, %parallel_loop3A_225 : vector<16xi32>
      %parallel_loop3A_227 = tpu.vector_load_idx %arg7[%parallel_loop3A_226] : memref<49152xf32, #tpu.memory_space<vmem>>[vector<16xi32>], vector<16xf32>,
      %parallel_loop3A_228 = arith.constant 21 : i32
      %parallel_loop3A_229 = arith.index_cast %parallel_loop3A_228 : i32 to index
      %parallel_loop3A_230 = arith.index_cast %parallel_loop3A_27 : i32 to index
      %parallel_loop3A_231 = tpu.vector_load %arg11[%parallel_loop3A_229, %parallel_loop3A_230] {strides = array<i32>} : memref<52x512xf32, #tpu.memory_space<vmem>>, vector<16xf32>,
      tpu.vector_store %arg11[%parallel_loop3A_229, %parallel_loop3A_230], %parallel_loop3A_227 {strides = array<i32>} : memref<52x512xf32, #tpu.memory_space<vmem>>, vector<16xf32>,
      %parallel_loop3A_232 = arith.constant 2 : i32
      %parallel_loop3A_233 = vector.broadcast %parallel_loop3A_232 : i32 to vector<16xi32>
      %parallel_loop3A_234 = arith.addi %parallel_loop3A_218, %parallel_loop3A_233 : vector<16xi32>
      %parallel_loop3A_235 = tpu.vector_load_idx %arg7[%parallel_loop3A_234] : memref<49152xf32, #tpu.memory_space<vmem>>[vector<16xi32>], vector<16xf32>,
      %parallel_loop3A_236 = arith.constant 37 : i32
      %parallel_loop3A_237 = arith.index_cast %parallel_loop3A_236 : i32 to index
      %parallel_loop3A_238 = arith.index_cast %parallel_loop3A_27 : i32 to index
      %parallel_loop3A_239 = tpu.vector_load %arg11[%parallel_loop3A_237, %parallel_loop3A_238] {strides = array<i32>} : memref<52x512xf32, #tpu.memory_space<vmem>>, vector<16xf32>,
      tpu.vector_store %arg11[%parallel_loop3A_237, %parallel_loop3A_238], %parallel_loop3A_235 {strides = array<i32>} : memref<52x512xf32, #tpu.memory_space<vmem>>, vector<16xf32>,
      %parallel_loop3A_240 = arith.constant 6 : i32
      %parallel_loop3A_241 = vector.broadcast %parallel_loop3A_240 : i32 to vector<16xi32>
      %parallel_loop3A_242 = arith.addi %parallel_loop3A_71, %parallel_loop3A_241 : vector<16xi32>
      %parallel_loop3A_243 = tpu.vector_load_idx %arg8[%parallel_loop3A_242] : memref<8192xi32, #tpu.memory_space<vmem>>[vector<16xi32>], vector<16xi32>,
      %parallel_loop3A_244 = arith.constant 3 : i32
      %parallel_loop3A_245 = vector.broadcast %parallel_loop3A_244 : i32 to vector<16xi32>
      %parallel_loop3A_246 = arith.muli %parallel_loop3A_243, %parallel_loop3A_245 : vector<16xi32>
      %parallel_loop3A_247 = tpu.vector_load_idx %arg7[%parallel_loop3A_246] : memref<49152xf32, #tpu.memory_space<vmem>>[vector<16xi32>], vector<16xf32>,
      %parallel_loop3A_248 = arith.constant 6 : i32
      %parallel_loop3A_249 = arith.index_cast %parallel_loop3A_248 : i32 to index
      %parallel_loop3A_250 = arith.index_cast %parallel_loop3A_27 : i32 to index
      %parallel_loop3A_251 = tpu.vector_load %arg11[%parallel_loop3A_249, %parallel_loop3A_250] {strides = array<i32>} : memref<52x512xf32, #tpu.memory_space<vmem>>, vector<16xf32>,
      tpu.vector_store %arg11[%parallel_loop3A_249, %parallel_loop3A_250], %parallel_loop3A_247 {strides = array<i32>} : memref<52x512xf32, #tpu.memory_space<vmem>>, vector<16xf32>,
      %parallel_loop3A_252 = arith.constant 1 : i32
      %parallel_loop3A_253 = vector.broadcast %parallel_loop3A_252 : i32 to vector<16xi32>
      %parallel_loop3A_254 = arith.addi %parallel_loop3A_246, %parallel_loop3A_253 : vector<16xi32>
      %parallel_loop3A_255 = tpu.vector_load_idx %arg7[%parallel_loop3A_254] : memref<49152xf32, #tpu.memory_space<vmem>>[vector<16xi32>], vector<16xf32>,
      %parallel_loop3A_256 = arith.constant 22 : i32
      %parallel_loop3A_257 = arith.index_cast %parallel_loop3A_256 : i32 to index
      %parallel_loop3A_258 = arith.index_cast %parallel_loop3A_27 : i32 to index
      %parallel_loop3A_259 = tpu.vector_load %arg11[%parallel_loop3A_257, %parallel_loop3A_258] {strides = array<i32>} : memref<52x512xf32, #tpu.memory_space<vmem>>, vector<16xf32>,
      tpu.vector_store %arg11[%parallel_loop3A_257, %parallel_loop3A_258], %parallel_loop3A_255 {strides = array<i32>} : memref<52x512xf32, #tpu.memory_space<vmem>>, vector<16xf32>,
      %parallel_loop3A_260 = arith.constant 2 : i32
      %parallel_loop3A_261 = vector.broadcast %parallel_loop3A_260 : i32 to vector<16xi32>
      %parallel_loop3A_262 = arith.addi %parallel_loop3A_246, %parallel_loop3A_261 : vector<16xi32>
      %parallel_loop3A_263 = tpu.vector_load_idx %arg7[%parallel_loop3A_262] : memref<49152xf32, #tpu.memory_space<vmem>>[vector<16xi32>], vector<16xf32>,
      %parallel_loop3A_264 = arith.constant 38 : i32
      %parallel_loop3A_265 = arith.index_cast %parallel_loop3A_264 : i32 to index
      %parallel_loop3A_266 = arith.index_cast %parallel_loop3A_27 : i32 to index
      %parallel_loop3A_267 = tpu.vector_load %arg11[%parallel_loop3A_265, %parallel_loop3A_266] {strides = array<i32>} : memref<52x512xf32, #tpu.memory_space<vmem>>, vector<16xf32>,
      tpu.vector_store %arg11[%parallel_loop3A_265, %parallel_loop3A_266], %parallel_loop3A_263 {strides = array<i32>} : memref<52x512xf32, #tpu.memory_space<vmem>>, vector<16xf32>,
      %parallel_loop3A_268 = arith.constant 7 : i32
      %parallel_loop3A_269 = vector.broadcast %parallel_loop3A_268 : i32 to vector<16xi32>
      %parallel_loop3A_270 = arith.addi %parallel_loop3A_71, %parallel_loop3A_269 : vector<16xi32>
      %parallel_loop3A_271 = tpu.vector_load_idx %arg8[%parallel_loop3A_270] : memref<8192xi32, #tpu.memory_space<vmem>>[vector<16xi32>], vector<16xi32>,
      %parallel_loop3A_272 = arith.constant 3 : i32
      %parallel_loop3A_273 = vector.broadcast %parallel_loop3A_272 : i32 to vector<16xi32>
      %parallel_loop3A_274 = arith.muli %parallel_loop3A_271, %parallel_loop3A_273 : vector<16xi32>
      %parallel_loop3A_275 = tpu.vector_load_idx %arg7[%parallel_loop3A_274] : memref<49152xf32, #tpu.memory_space<vmem>>[vector<16xi32>], vector<16xf32>,
      %parallel_loop3A_276 = arith.constant 7 : i32
      %parallel_loop3A_277 = arith.index_cast %parallel_loop3A_276 : i32 to index
      %parallel_loop3A_278 = arith.index_cast %parallel_loop3A_27 : i32 to index
      %parallel_loop3A_279 = tpu.vector_load %arg11[%parallel_loop3A_277, %parallel_loop3A_278] {strides = array<i32>} : memref<52x512xf32, #tpu.memory_space<vmem>>, vector<16xf32>,
      tpu.vector_store %arg11[%parallel_loop3A_277, %parallel_loop3A_278], %parallel_loop3A_275 {strides = array<i32>} : memref<52x512xf32, #tpu.memory_space<vmem>>, vector<16xf32>,
      %parallel_loop3A_280 = arith.constant 1 : i32
      %parallel_loop3A_281 = vector.broadcast %parallel_loop3A_280 : i32 to vector<16xi32>
      %parallel_loop3A_282 = arith.addi %parallel_loop3A_274, %parallel_loop3A_281 : vector<16xi32>
      %parallel_loop3A_283 = tpu.vector_load_idx %arg7[%parallel_loop3A_282] : memref<49152xf32, #tpu.memory_space<vmem>>[vector<16xi32>], vector<16xf32>,
      %parallel_loop3A_284 = arith.constant 23 : i32
      %parallel_loop3A_285 = arith.index_cast %parallel_loop3A_284 : i32 to index
      %parallel_loop3A_286 = arith.index_cast %parallel_loop3A_27 : i32 to index
      %parallel_loop3A_287 = tpu.vector_load %arg11[%parallel_loop3A_285, %parallel_loop3A_286] {strides = array<i32>} : memref<52x512xf32, #tpu.memory_space<vmem>>, vector<16xf32>,
      tpu.vector_store %arg11[%parallel_loop3A_285, %parallel_loop3A_286], %parallel_loop3A_283 {strides = array<i32>} : memref<52x512xf32, #tpu.memory_space<vmem>>, vector<16xf32>,
      %parallel_loop3A_288 = arith.constant 2 : i32
      %parallel_loop3A_289 = vector.broadcast %parallel_loop3A_288 : i32 to vector<16xi32>
      %parallel_loop3A_290 = arith.addi %parallel_loop3A_274, %parallel_loop3A_289 : vector<16xi32>
      %parallel_loop3A_291 = tpu.vector_load_idx %arg7[%parallel_loop3A_290] : memref<49152xf32, #tpu.memory_space<vmem>>[vector<16xi32>], vector<16xf32>,
      %parallel_loop3A_292 = arith.constant 39 : i32
      %parallel_loop3A_293 = arith.index_cast %parallel_loop3A_292 : i32 to index
      %parallel_loop3A_294 = arith.index_cast %parallel_loop3A_27 : i32 to index
      %parallel_loop3A_295 = tpu.vector_load %arg11[%parallel_loop3A_293, %parallel_loop3A_294] {strides = array<i32>} : memref<52x512xf32, #tpu.memory_space<vmem>>, vector<16xf32>,
      tpu.vector_store %arg11[%parallel_loop3A_293, %parallel_loop3A_294], %parallel_loop3A_291 {strides = array<i32>} : memref<52x512xf32, #tpu.memory_space<vmem>>, vector<16xf32>,
      %parallel_loop3A_296 = arith.constant 8 : i32
      %parallel_loop3A_297 = vector.broadcast %parallel_loop3A_296 : i32 to vector<16xi32>
      %parallel_loop3A_298 = arith.addi %parallel_loop3A_71, %parallel_loop3A_297 : vector<16xi32>
      %parallel_loop3A_299 = tpu.vector_load_idx %arg8[%parallel_loop3A_298] : memref<8192xi32, #tpu.memory_space<vmem>>[vector<16xi32>], vector<16xi32>,
      %parallel_loop3A_300 = arith.constant 3 : i32
      %parallel_loop3A_301 = vector.broadcast %parallel_loop3A_300 : i32 to vector<16xi32>
      %parallel_loop3A_302 = arith.muli %parallel_loop3A_299, %parallel_loop3A_301 : vector<16xi32>
      %parallel_loop3A_303 = tpu.vector_load_idx %arg7[%parallel_loop3A_302] : memref<49152xf32, #tpu.memory_space<vmem>>[vector<16xi32>], vector<16xf32>,
      %parallel_loop3A_304 = arith.constant 8 : i32
      %parallel_loop3A_305 = arith.index_cast %parallel_loop3A_304 : i32 to index
      %parallel_loop3A_306 = arith.index_cast %parallel_loop3A_27 : i32 to index
      %parallel_loop3A_307 = tpu.vector_load %arg11[%parallel_loop3A_305, %parallel_loop3A_306] {strides = array<i32>} : memref<52x512xf32, #tpu.memory_space<vmem>>, vector<16xf32>,
      tpu.vector_store %arg11[%parallel_loop3A_305, %parallel_loop3A_306], %parallel_loop3A_303 {strides = array<i32>} : memref<52x512xf32, #tpu.memory_space<vmem>>, vector<16xf32>,
      %parallel_loop3A_308 = arith.constant 1 : i32
      %parallel_loop3A_309 = vector.broadcast %parallel_loop3A_308 : i32 to vector<16xi32>
      %parallel_loop3A_310 = arith.addi %parallel_loop3A_302, %parallel_loop3A_309 : vector<16xi32>
      %parallel_loop3A_311 = tpu.vector_load_idx %arg7[%parallel_loop3A_310] : memref<49152xf32, #tpu.memory_space<vmem>>[vector<16xi32>], vector<16xf32>,
      %parallel_loop3A_312 = arith.constant 24 : i32
      %parallel_loop3A_313 = arith.index_cast %parallel_loop3A_312 : i32 to index
      %parallel_loop3A_314 = arith.index_cast %parallel_loop3A_27 : i32 to index
      %parallel_loop3A_315 = tpu.vector_load %arg11[%parallel_loop3A_313, %parallel_loop3A_314] {strides = array<i32>} : memref<52x512xf32, #tpu.memory_space<vmem>>, vector<16xf32>,
      tpu.vector_store %arg11[%parallel_loop3A_313, %parallel_loop3A_314], %parallel_loop3A_311 {strides = array<i32>} : memref<52x512xf32, #tpu.memory_space<vmem>>, vector<16xf32>,
      %parallel_loop3A_316 = arith.constant 2 : i32
      %parallel_loop3A_317 = vector.broadcast %parallel_loop3A_316 : i32 to vector<16xi32>
      %parallel_loop3A_318 = arith.addi %parallel_loop3A_302, %parallel_loop3A_317 : vector<16xi32>
      %parallel_loop3A_319 = tpu.vector_load_idx %arg7[%parallel_loop3A_318] : memref<49152xf32, #tpu.memory_space<vmem>>[vector<16xi32>], vector<16xf32>,
      %parallel_loop3A_320 = arith.constant 40 : i32
      %parallel_loop3A_321 = arith.index_cast %parallel_loop3A_320 : i32 to index
      %parallel_loop3A_322 = arith.index_cast %parallel_loop3A_27 : i32 to index
      %parallel_loop3A_323 = tpu.vector_load %arg11[%parallel_loop3A_321, %parallel_loop3A_322] {strides = array<i32>} : memref<52x512xf32, #tpu.memory_space<vmem>>, vector<16xf32>,
      tpu.vector_store %arg11[%parallel_loop3A_321, %parallel_loop3A_322], %parallel_loop3A_319 {strides = array<i32>} : memref<52x512xf32, #tpu.memory_space<vmem>>, vector<16xf32>,
      %parallel_loop3A_324 = arith.constant 9 : i32
      %parallel_loop3A_325 = vector.broadcast %parallel_loop3A_324 : i32 to vector<16xi32>
      %parallel_loop3A_326 = arith.addi %parallel_loop3A_71, %parallel_loop3A_325 : vector<16xi32>
      %parallel_loop3A_327 = tpu.vector_load_idx %arg8[%parallel_loop3A_326] : memref<8192xi32, #tpu.memory_space<vmem>>[vector<16xi32>], vector<16xi32>,
      %parallel_loop3A_328 = arith.constant 3 : i32
      %parallel_loop3A_329 = vector.broadcast %parallel_loop3A_328 : i32 to vector<16xi32>
      %parallel_loop3A_330 = arith.muli %parallel_loop3A_327, %parallel_loop3A_329 : vector<16xi32>
      %parallel_loop3A_331 = tpu.vector_load_idx %arg7[%parallel_loop3A_330] : memref<49152xf32, #tpu.memory_space<vmem>>[vector<16xi32>], vector<16xf32>,
      %parallel_loop3A_332 = arith.constant 9 : i32
      %parallel_loop3A_333 = arith.index_cast %parallel_loop3A_332 : i32 to index
      %parallel_loop3A_334 = arith.index_cast %parallel_loop3A_27 : i32 to index
      %parallel_loop3A_335 = tpu.vector_load %arg11[%parallel_loop3A_333, %parallel_loop3A_334] {strides = array<i32>} : memref<52x512xf32, #tpu.memory_space<vmem>>, vector<16xf32>,
      tpu.vector_store %arg11[%parallel_loop3A_333, %parallel_loop3A_334], %parallel_loop3A_331 {strides = array<i32>} : memref<52x512xf32, #tpu.memory_space<vmem>>, vector<16xf32>,
      %parallel_loop3A_336 = arith.constant 1 : i32
      %parallel_loop3A_337 = vector.broadcast %parallel_loop3A_336 : i32 to vector<16xi32>
      %parallel_loop3A_338 = arith.addi %parallel_loop3A_330, %parallel_loop3A_337 : vector<16xi32>
      %parallel_loop3A_339 = tpu.vector_load_idx %arg7[%parallel_loop3A_338] : memref<49152xf32, #tpu.memory_space<vmem>>[vector<16xi32>], vector<16xf32>,
      %parallel_loop3A_340 = arith.constant 25 : i32
      %parallel_loop3A_341 = arith.index_cast %parallel_loop3A_340 : i32 to index
      %parallel_loop3A_342 = arith.index_cast %parallel_loop3A_27 : i32 to index
      %parallel_loop3A_343 = tpu.vector_load %arg11[%parallel_loop3A_341, %parallel_loop3A_342] {strides = array<i32>} : memref<52x512xf32, #tpu.memory_space<vmem>>, vector<16xf32>,
      tpu.vector_store %arg11[%parallel_loop3A_341, %parallel_loop3A_342], %parallel_loop3A_339 {strides = array<i32>} : memref<52x512xf32, #tpu.memory_space<vmem>>, vector<16xf32>,
      %parallel_loop3A_344 = arith.constant 2 : i32
      %parallel_loop3A_345 = vector.broadcast %parallel_loop3A_344 : i32 to vector<16xi32>
      %parallel_loop3A_346 = arith.addi %parallel_loop3A_330, %parallel_loop3A_345 : vector<16xi32>
      %parallel_loop3A_347 = tpu.vector_load_idx %arg7[%parallel_loop3A_346] : memref<49152xf32, #tpu.memory_space<vmem>>[vector<16xi32>], vector<16xf32>,
      %parallel_loop3A_348 = arith.constant 41 : i32
      %parallel_loop3A_349 = arith.index_cast %parallel_loop3A_348 : i32 to index
      %parallel_loop3A_350 = arith.index_cast %parallel_loop3A_27 : i32 to index
      %parallel_loop3A_351 = tpu.vector_load %arg11[%parallel_loop3A_349, %parallel_loop3A_350] {strides = array<i32>} : memref<52x512xf32, #tpu.memory_space<vmem>>, vector<16xf32>,
      tpu.vector_store %arg11[%parallel_loop3A_349, %parallel_loop3A_350], %parallel_loop3A_347 {strides = array<i32>} : memref<52x512xf32, #tpu.memory_space<vmem>>, vector<16xf32>,
      %parallel_loop3A_352 = arith.constant 10 : i32
      %parallel_loop3A_353 = vector.broadcast %parallel_loop3A_352 : i32 to vector<16xi32>
      %parallel_loop3A_354 = arith.addi %parallel_loop3A_71, %parallel_loop3A_353 : vector<16xi32>
      %parallel_loop3A_355 = tpu.vector_load_idx %arg8[%parallel_loop3A_354] : memref<8192xi32, #tpu.memory_space<vmem>>[vector<16xi32>], vector<16xi32>,
      %parallel_loop3A_356 = arith.constant 3 : i32
      %parallel_loop3A_357 = vector.broadcast %parallel_loop3A_356 : i32 to vector<16xi32>
      %parallel_loop3A_358 = arith.muli %parallel_loop3A_355, %parallel_loop3A_357 : vector<16xi32>
      %parallel_loop3A_359 = tpu.vector_load_idx %arg7[%parallel_loop3A_358] : memref<49152xf32, #tpu.memory_space<vmem>>[vector<16xi32>], vector<16xf32>,
      %parallel_loop3A_360 = arith.constant 10 : i32
      %parallel_loop3A_361 = arith.index_cast %parallel_loop3A_360 : i32 to index
      %parallel_loop3A_362 = arith.index_cast %parallel_loop3A_27 : i32 to index
      %parallel_loop3A_363 = tpu.vector_load %arg11[%parallel_loop3A_361, %parallel_loop3A_362] {strides = array<i32>} : memref<52x512xf32, #tpu.memory_space<vmem>>, vector<16xf32>,
      tpu.vector_store %arg11[%parallel_loop3A_361, %parallel_loop3A_362], %parallel_loop3A_359 {strides = array<i32>} : memref<52x512xf32, #tpu.memory_space<vmem>>, vector<16xf32>,
      %parallel_loop3A_364 = arith.constant 1 : i32
      %parallel_loop3A_365 = vector.broadcast %parallel_loop3A_364 : i32 to vector<16xi32>
      %parallel_loop3A_366 = arith.addi %parallel_loop3A_358, %parallel_loop3A_365 : vector<16xi32>
      %parallel_loop3A_367 = tpu.vector_load_idx %arg7[%parallel_loop3A_366] : memref<49152xf32, #tpu.memory_space<vmem>>[vector<16xi32>], vector<16xf32>,
      %parallel_loop3A_368 = arith.constant 26 : i32
      %parallel_loop3A_369 = arith.index_cast %parallel_loop3A_368 : i32 to index
      %parallel_loop3A_370 = arith.index_cast %parallel_loop3A_27 : i32 to index
      %parallel_loop3A_371 = tpu.vector_load %arg11[%parallel_loop3A_369, %parallel_loop3A_370] {strides = array<i32>} : memref<52x512xf32, #tpu.memory_space<vmem>>, vector<16xf32>,
      tpu.vector_store %arg11[%parallel_loop3A_369, %parallel_loop3A_370], %parallel_loop3A_367 {strides = array<i32>} : memref<52x512xf32, #tpu.memory_space<vmem>>, vector<16xf32>,
      %parallel_loop3A_372 = arith.constant 2 : i32
      %parallel_loop3A_373 = vector.broadcast %parallel_loop3A_372 : i32 to vector<16xi32>
      %parallel_loop3A_374 = arith.addi %parallel_loop3A_358, %parallel_loop3A_373 : vector<16xi32>
      %parallel_loop3A_375 = tpu.vector_load_idx %arg7[%parallel_loop3A_374] : memref<49152xf32, #tpu.memory_space<vmem>>[vector<16xi32>], vector<16xf32>,
      %parallel_loop3A_376 = arith.constant 42 : i32
      %parallel_loop3A_377 = arith.index_cast %parallel_loop3A_376 : i32 to index
      %parallel_loop3A_378 = arith.index_cast %parallel_loop3A_27 : i32 to index
      %parallel_loop3A_379 = tpu.vector_load %arg11[%parallel_loop3A_377, %parallel_loop3A_378] {strides = array<i32>} : memref<52x512xf32, #tpu.memory_space<vmem>>, vector<16xf32>,
      tpu.vector_store %arg11[%parallel_loop3A_377, %parallel_loop3A_378], %parallel_loop3A_375 {strides = array<i32>} : memref<52x512xf32, #tpu.memory_space<vmem>>, vector<16xf32>,
      %parallel_loop3A_380 = arith.constant 11 : i32
      %parallel_loop3A_381 = vector.broadcast %parallel_loop3A_380 : i32 to vector<16xi32>
      %parallel_loop3A_382 = arith.addi %parallel_loop3A_71, %parallel_loop3A_381 : vector<16xi32>
      %parallel_loop3A_383 = tpu.vector_load_idx %arg8[%parallel_loop3A_382] : memref<8192xi32, #tpu.memory_space<vmem>>[vector<16xi32>], vector<16xi32>,
      %parallel_loop3A_384 = arith.constant 3 : i32
      %parallel_loop3A_385 = vector.broadcast %parallel_loop3A_384 : i32 to vector<16xi32>
      %parallel_loop3A_386 = arith.muli %parallel_loop3A_383, %parallel_loop3A_385 : vector<16xi32>
      %parallel_loop3A_387 = tpu.vector_load_idx %arg7[%parallel_loop3A_386] : memref<49152xf32, #tpu.memory_space<vmem>>[vector<16xi32>], vector<16xf32>,
      %parallel_loop3A_388 = arith.constant 11 : i32
      %parallel_loop3A_389 = arith.index_cast %parallel_loop3A_388 : i32 to index
      %parallel_loop3A_390 = arith.index_cast %parallel_loop3A_27 : i32 to index
      %parallel_loop3A_391 = tpu.vector_load %arg11[%parallel_loop3A_389, %parallel_loop3A_390] {strides = array<i32>} : memref<52x512xf32, #tpu.memory_space<vmem>>, vector<16xf32>,
      tpu.vector_store %arg11[%parallel_loop3A_389, %parallel_loop3A_390], %parallel_loop3A_387 {strides = array<i32>} : memref<52x512xf32, #tpu.memory_space<vmem>>, vector<16xf32>,
      %parallel_loop3A_392 = arith.constant 1 : i32
      %parallel_loop3A_393 = vector.broadcast %parallel_loop3A_392 : i32 to vector<16xi32>
      %parallel_loop3A_394 = arith.addi %parallel_loop3A_386, %parallel_loop3A_393 : vector<16xi32>
      %parallel_loop3A_395 = tpu.vector_load_idx %arg7[%parallel_loop3A_394] : memref<49152xf32, #tpu.memory_space<vmem>>[vector<16xi32>], vector<16xf32>,
      %parallel_loop3A_396 = arith.constant 27 : i32
      %parallel_loop3A_397 = arith.index_cast %parallel_loop3A_396 : i32 to index
      %parallel_loop3A_398 = arith.index_cast %parallel_loop3A_27 : i32 to index
      %parallel_loop3A_399 = tpu.vector_load %arg11[%parallel_loop3A_397, %parallel_loop3A_398] {strides = array<i32>} : memref<52x512xf32, #tpu.memory_space<vmem>>, vector<16xf32>,
      tpu.vector_store %arg11[%parallel_loop3A_397, %parallel_loop3A_398], %parallel_loop3A_395 {strides = array<i32>} : memref<52x512xf32, #tpu.memory_space<vmem>>, vector<16xf32>,
      %parallel_loop3A_400 = arith.constant 2 : i32
      %parallel_loop3A_401 = vector.broadcast %parallel_loop3A_400 : i32 to vector<16xi32>
      %parallel_loop3A_402 = arith.addi %parallel_loop3A_386, %parallel_loop3A_401 : vector<16xi32>
      %parallel_loop3A_403 = tpu.vector_load_idx %arg7[%parallel_loop3A_402] : memref<49152xf32, #tpu.memory_space<vmem>>[vector<16xi32>], vector<16xf32>,
      %parallel_loop3A_404 = arith.constant 43 : i32
      %parallel_loop3A_405 = arith.index_cast %parallel_loop3A_404 : i32 to index
      %parallel_loop3A_406 = arith.index_cast %parallel_loop3A_27 : i32 to index
      %parallel_loop3A_407 = tpu.vector_load %arg11[%parallel_loop3A_405, %parallel_loop3A_406] {strides = array<i32>} : memref<52x512xf32, #tpu.memory_space<vmem>>, vector<16xf32>,
      tpu.vector_store %arg11[%parallel_loop3A_405, %parallel_loop3A_406], %parallel_loop3A_403 {strides = array<i32>} : memref<52x512xf32, #tpu.memory_space<vmem>>, vector<16xf32>,
      %parallel_loop3A_408 = arith.constant 12 : i32
      %parallel_loop3A_409 = vector.broadcast %parallel_loop3A_408 : i32 to vector<16xi32>
      %parallel_loop3A_410 = arith.addi %parallel_loop3A_71, %parallel_loop3A_409 : vector<16xi32>
      %parallel_loop3A_411 = tpu.vector_load_idx %arg8[%parallel_loop3A_410] : memref<8192xi32, #tpu.memory_space<vmem>>[vector<16xi32>], vector<16xi32>,
      %parallel_loop3A_412 = arith.constant 3 : i32
      %parallel_loop3A_413 = vector.broadcast %parallel_loop3A_412 : i32 to vector<16xi32>
      %parallel_loop3A_414 = arith.muli %parallel_loop3A_411, %parallel_loop3A_413 : vector<16xi32>
      %parallel_loop3A_415 = tpu.vector_load_idx %arg7[%parallel_loop3A_414] : memref<49152xf32, #tpu.memory_space<vmem>>[vector<16xi32>], vector<16xf32>,
      %parallel_loop3A_416 = arith.constant 12 : i32
      %parallel_loop3A_417 = arith.index_cast %parallel_loop3A_416 : i32 to index
      %parallel_loop3A_418 = arith.index_cast %parallel_loop3A_27 : i32 to index
      %parallel_loop3A_419 = tpu.vector_load %arg11[%parallel_loop3A_417, %parallel_loop3A_418] {strides = array<i32>} : memref<52x512xf32, #tpu.memory_space<vmem>>, vector<16xf32>,
      tpu.vector_store %arg11[%parallel_loop3A_417, %parallel_loop3A_418], %parallel_loop3A_415 {strides = array<i32>} : memref<52x512xf32, #tpu.memory_space<vmem>>, vector<16xf32>,
      %parallel_loop3A_420 = arith.constant 1 : i32
      %parallel_loop3A_421 = vector.broadcast %parallel_loop3A_420 : i32 to vector<16xi32>
      %parallel_loop3A_422 = arith.addi %parallel_loop3A_414, %parallel_loop3A_421 : vector<16xi32>
      %parallel_loop3A_423 = tpu.vector_load_idx %arg7[%parallel_loop3A_422] : memref<49152xf32, #tpu.memory_space<vmem>>[vector<16xi32>], vector<16xf32>,
      %parallel_loop3A_424 = arith.constant 28 : i32
      %parallel_loop3A_425 = arith.index_cast %parallel_loop3A_424 : i32 to index
      %parallel_loop3A_426 = arith.index_cast %parallel_loop3A_27 : i32 to index
      %parallel_loop3A_427 = tpu.vector_load %arg11[%parallel_loop3A_425, %parallel_loop3A_426] {strides = array<i32>} : memref<52x512xf32, #tpu.memory_space<vmem>>, vector<16xf32>,
      tpu.vector_store %arg11[%parallel_loop3A_425, %parallel_loop3A_426], %parallel_loop3A_423 {strides = array<i32>} : memref<52x512xf32, #tpu.memory_space<vmem>>, vector<16xf32>,
      %parallel_loop3A_428 = arith.constant 2 : i32
      %parallel_loop3A_429 = vector.broadcast %parallel_loop3A_428 : i32 to vector<16xi32>
      %parallel_loop3A_430 = arith.addi %parallel_loop3A_414, %parallel_loop3A_429 : vector<16xi32>
      %parallel_loop3A_431 = tpu.vector_load_idx %arg7[%parallel_loop3A_430] : memref<49152xf32, #tpu.memory_space<vmem>>[vector<16xi32>], vector<16xf32>,
      %parallel_loop3A_432 = arith.constant 44 : i32
      %parallel_loop3A_433 = arith.index_cast %parallel_loop3A_432 : i32 to index
      %parallel_loop3A_434 = arith.index_cast %parallel_loop3A_27 : i32 to index
      %parallel_loop3A_435 = tpu.vector_load %arg11[%parallel_loop3A_433, %parallel_loop3A_434] {strides = array<i32>} : memref<52x512xf32, #tpu.memory_space<vmem>>, vector<16xf32>,
      tpu.vector_store %arg11[%parallel_loop3A_433, %parallel_loop3A_434], %parallel_loop3A_431 {strides = array<i32>} : memref<52x512xf32, #tpu.memory_space<vmem>>, vector<16xf32>,
      %parallel_loop3A_436 = arith.constant 13 : i32
      %parallel_loop3A_437 = vector.broadcast %parallel_loop3A_436 : i32 to vector<16xi32>
      %parallel_loop3A_438 = arith.addi %parallel_loop3A_71, %parallel_loop3A_437 : vector<16xi32>
      %parallel_loop3A_439 = tpu.vector_load_idx %arg8[%parallel_loop3A_438] : memref<8192xi32, #tpu.memory_space<vmem>>[vector<16xi32>], vector<16xi32>,
      %parallel_loop3A_440 = arith.constant 3 : i32
      %parallel_loop3A_441 = vector.broadcast %parallel_loop3A_440 : i32 to vector<16xi32>
      %parallel_loop3A_442 = arith.muli %parallel_loop3A_439, %parallel_loop3A_441 : vector<16xi32>
      %parallel_loop3A_443 = tpu.vector_load_idx %arg7[%parallel_loop3A_442] : memref<49152xf32, #tpu.memory_space<vmem>>[vector<16xi32>], vector<16xf32>,
      %parallel_loop3A_444 = arith.constant 13 : i32
      %parallel_loop3A_445 = arith.index_cast %parallel_loop3A_444 : i32 to index
      %parallel_loop3A_446 = arith.index_cast %parallel_loop3A_27 : i32 to index
      %parallel_loop3A_447 = tpu.vector_load %arg11[%parallel_loop3A_445, %parallel_loop3A_446] {strides = array<i32>} : memref<52x512xf32, #tpu.memory_space<vmem>>, vector<16xf32>,
      tpu.vector_store %arg11[%parallel_loop3A_445, %parallel_loop3A_446], %parallel_loop3A_443 {strides = array<i32>} : memref<52x512xf32, #tpu.memory_space<vmem>>, vector<16xf32>,
      %parallel_loop3A_448 = arith.constant 1 : i32
      %parallel_loop3A_449 = vector.broadcast %parallel_loop3A_448 : i32 to vector<16xi32>
      %parallel_loop3A_450 = arith.addi %parallel_loop3A_442, %parallel_loop3A_449 : vector<16xi32>
      %parallel_loop3A_451 = tpu.vector_load_idx %arg7[%parallel_loop3A_450] : memref<49152xf32, #tpu.memory_space<vmem>>[vector<16xi32>], vector<16xf32>,
      %parallel_loop3A_452 = arith.constant 29 : i32
      %parallel_loop3A_453 = arith.index_cast %parallel_loop3A_452 : i32 to index
      %parallel_loop3A_454 = arith.index_cast %parallel_loop3A_27 : i32 to index
      %parallel_loop3A_455 = tpu.vector_load %arg11[%parallel_loop3A_453, %parallel_loop3A_454] {strides = array<i32>} : memref<52x512xf32, #tpu.memory_space<vmem>>, vector<16xf32>,
      tpu.vector_store %arg11[%parallel_loop3A_453, %parallel_loop3A_454], %parallel_loop3A_451 {strides = array<i32>} : memref<52x512xf32, #tpu.memory_space<vmem>>, vector<16xf32>,
      %parallel_loop3A_456 = arith.constant 2 : i32
      %parallel_loop3A_457 = vector.broadcast %parallel_loop3A_456 : i32 to vector<16xi32>
      %parallel_loop3A_458 = arith.addi %parallel_loop3A_442, %parallel_loop3A_457 : vector<16xi32>
      %parallel_loop3A_459 = tpu.vector_load_idx %arg7[%parallel_loop3A_458] : memref<49152xf32, #tpu.memory_space<vmem>>[vector<16xi32>], vector<16xf32>,
      %parallel_loop3A_460 = arith.constant 45 : i32
      %parallel_loop3A_461 = arith.index_cast %parallel_loop3A_460 : i32 to index
      %parallel_loop3A_462 = arith.index_cast %parallel_loop3A_27 : i32 to index
      %parallel_loop3A_463 = tpu.vector_load %arg11[%parallel_loop3A_461, %parallel_loop3A_462] {strides = array<i32>} : memref<52x512xf32, #tpu.memory_space<vmem>>, vector<16xf32>,
      tpu.vector_store %arg11[%parallel_loop3A_461, %parallel_loop3A_462], %parallel_loop3A_459 {strides = array<i32>} : memref<52x512xf32, #tpu.memory_space<vmem>>, vector<16xf32>,
      %parallel_loop3A_464 = arith.constant 14 : i32
      %parallel_loop3A_465 = vector.broadcast %parallel_loop3A_464 : i32 to vector<16xi32>
      %parallel_loop3A_466 = arith.addi %parallel_loop3A_71, %parallel_loop3A_465 : vector<16xi32>
      %parallel_loop3A_467 = tpu.vector_load_idx %arg8[%parallel_loop3A_466] : memref<8192xi32, #tpu.memory_space<vmem>>[vector<16xi32>], vector<16xi32>,
      %parallel_loop3A_468 = arith.constant 3 : i32
      %parallel_loop3A_469 = vector.broadcast %parallel_loop3A_468 : i32 to vector<16xi32>
      %parallel_loop3A_470 = arith.muli %parallel_loop3A_467, %parallel_loop3A_469 : vector<16xi32>
      %parallel_loop3A_471 = tpu.vector_load_idx %arg7[%parallel_loop3A_470] : memref<49152xf32, #tpu.memory_space<vmem>>[vector<16xi32>], vector<16xf32>,
      %parallel_loop3A_472 = arith.constant 14 : i32
      %parallel_loop3A_473 = arith.index_cast %parallel_loop3A_472 : i32 to index
      %parallel_loop3A_474 = arith.index_cast %parallel_loop3A_27 : i32 to index
      %parallel_loop3A_475 = tpu.vector_load %arg11[%parallel_loop3A_473, %parallel_loop3A_474] {strides = array<i32>} : memref<52x512xf32, #tpu.memory_space<vmem>>, vector<16xf32>,
      tpu.vector_store %arg11[%parallel_loop3A_473, %parallel_loop3A_474], %parallel_loop3A_471 {strides = array<i32>} : memref<52x512xf32, #tpu.memory_space<vmem>>, vector<16xf32>,
      %parallel_loop3A_476 = arith.constant 1 : i32
      %parallel_loop3A_477 = vector.broadcast %parallel_loop3A_476 : i32 to vector<16xi32>
      %parallel_loop3A_478 = arith.addi %parallel_loop3A_470, %parallel_loop3A_477 : vector<16xi32>
      %parallel_loop3A_479 = tpu.vector_load_idx %arg7[%parallel_loop3A_478] : memref<49152xf32, #tpu.memory_space<vmem>>[vector<16xi32>], vector<16xf32>,
      %parallel_loop3A_480 = arith.constant 30 : i32
      %parallel_loop3A_481 = arith.index_cast %parallel_loop3A_480 : i32 to index
      %parallel_loop3A_482 = arith.index_cast %parallel_loop3A_27 : i32 to index
      %parallel_loop3A_483 = tpu.vector_load %arg11[%parallel_loop3A_481, %parallel_loop3A_482] {strides = array<i32>} : memref<52x512xf32, #tpu.memory_space<vmem>>, vector<16xf32>,
      tpu.vector_store %arg11[%parallel_loop3A_481, %parallel_loop3A_482], %parallel_loop3A_479 {strides = array<i32>} : memref<52x512xf32, #tpu.memory_space<vmem>>, vector<16xf32>,
      %parallel_loop3A_484 = arith.constant 2 : i32
      %parallel_loop3A_485 = vector.broadcast %parallel_loop3A_484 : i32 to vector<16xi32>
      %parallel_loop3A_486 = arith.addi %parallel_loop3A_470, %parallel_loop3A_485 : vector<16xi32>
      %parallel_loop3A_487 = tpu.vector_load_idx %arg7[%parallel_loop3A_486] : memref<49152xf32, #tpu.memory_space<vmem>>[vector<16xi32>], vector<16xf32>,
      %parallel_loop3A_488 = arith.constant 46 : i32
      %parallel_loop3A_489 = arith.index_cast %parallel_loop3A_488 : i32 to index
      %parallel_loop3A_490 = arith.index_cast %parallel_loop3A_27 : i32 to index
      %parallel_loop3A_491 = tpu.vector_load %arg11[%parallel_loop3A_489, %parallel_loop3A_490] {strides = array<i32>} : memref<52x512xf32, #tpu.memory_space<vmem>>, vector<16xf32>,
      tpu.vector_store %arg11[%parallel_loop3A_489, %parallel_loop3A_490], %parallel_loop3A_487 {strides = array<i32>} : memref<52x512xf32, #tpu.memory_space<vmem>>, vector<16xf32>,
      %parallel_loop3A_492 = arith.constant 15 : i32
      %parallel_loop3A_493 = vector.broadcast %parallel_loop3A_492 : i32 to vector<16xi32>
      %parallel_loop3A_494 = arith.addi %parallel_loop3A_71, %parallel_loop3A_493 : vector<16xi32>
      %parallel_loop3A_495 = tpu.vector_load_idx %arg8[%parallel_loop3A_494] : memref<8192xi32, #tpu.memory_space<vmem>>[vector<16xi32>], vector<16xi32>,
      %parallel_loop3A_496 = arith.constant 3 : i32
      %parallel_loop3A_497 = vector.broadcast %parallel_loop3A_496 : i32 to vector<16xi32>
      %parallel_loop3A_498 = arith.muli %parallel_loop3A_495, %parallel_loop3A_497 : vector<16xi32>
      %parallel_loop3A_499 = tpu.vector_load_idx %arg7[%parallel_loop3A_498] : memref<49152xf32, #tpu.memory_space<vmem>>[vector<16xi32>], vector<16xf32>,
      %parallel_loop3A_500 = arith.constant 15 : i32
      %parallel_loop3A_501 = arith.index_cast %parallel_loop3A_500 : i32 to index
      %parallel_loop3A_502 = arith.index_cast %parallel_loop3A_27 : i32 to index
      %parallel_loop3A_503 = tpu.vector_load %arg11[%parallel_loop3A_501, %parallel_loop3A_502] {strides = array<i32>} : memref<52x512xf32, #tpu.memory_space<vmem>>, vector<16xf32>,
      tpu.vector_store %arg11[%parallel_loop3A_501, %parallel_loop3A_502], %parallel_loop3A_499 {strides = array<i32>} : memref<52x512xf32, #tpu.memory_space<vmem>>, vector<16xf32>,
      %parallel_loop3A_504 = arith.constant 1 : i32
      %parallel_loop3A_505 = vector.broadcast %parallel_loop3A_504 : i32 to vector<16xi32>
      %parallel_loop3A_506 = arith.addi %parallel_loop3A_498, %parallel_loop3A_505 : vector<16xi32>
      %parallel_loop3A_507 = tpu.vector_load_idx %arg7[%parallel_loop3A_506] : memref<49152xf32, #tpu.memory_space<vmem>>[vector<16xi32>], vector<16xf32>,
      %parallel_loop3A_508 = arith.constant 31 : i32
      %parallel_loop3A_509 = arith.index_cast %parallel_loop3A_508 : i32 to index
      %parallel_loop3A_510 = arith.index_cast %parallel_loop3A_27 : i32 to index
      %parallel_loop3A_511 = tpu.vector_load %arg11[%parallel_loop3A_509, %parallel_loop3A_510] {strides = array<i32>} : memref<52x512xf32, #tpu.memory_space<vmem>>, vector<16xf32>,
      tpu.vector_store %arg11[%parallel_loop3A_509, %parallel_loop3A_510], %parallel_loop3A_507 {strides = array<i32>} : memref<52x512xf32, #tpu.memory_space<vmem>>, vector<16xf32>,
      %parallel_loop3A_512 = arith.constant 2 : i32
      %parallel_loop3A_513 = vector.broadcast %parallel_loop3A_512 : i32 to vector<16xi32>
      %parallel_loop3A_514 = arith.addi %parallel_loop3A_498, %parallel_loop3A_513 : vector<16xi32>
      %parallel_loop3A_515 = tpu.vector_load_idx %arg7[%parallel_loop3A_514] : memref<49152xf32, #tpu.memory_space<vmem>>[vector<16xi32>], vector<16xf32>,
      %parallel_loop3A_516 = arith.constant 47 : i32
      %parallel_loop3A_517 = arith.index_cast %parallel_loop3A_516 : i32 to index
      %parallel_loop3A_518 = arith.index_cast %parallel_loop3A_27 : i32 to index
      %parallel_loop3A_519 = tpu.vector_load %arg11[%parallel_loop3A_517, %parallel_loop3A_518] {strides = array<i32>} : memref<52x512xf32, #tpu.memory_space<vmem>>, vector<16xf32>,
      tpu.vector_store %arg11[%parallel_loop3A_517, %parallel_loop3A_518], %parallel_loop3A_515 {strides = array<i32>} : memref<52x512xf32, #tpu.memory_space<vmem>>, vector<16xf32>,
    } {sc.loop_unroll_factor = 8 : i64, sc.parallel_access}
    "tpu.region"() ({
      %run_scoped3A = tpu.sem_alloc : memref<!tpu.dma_semaphore, #tpu.memory_space<semaphore_mem>>
      %dma_start3A = arith.constant 0 : i32
      %dma_start3A_25 = tpu.memref_slice %arg6[%dma_start3A, %mul3A_2] : memref<52x16384xf32, #tpu.memory_space<hbm>> -> memref<52x512xf32, #tpu.memory_space<hbm>>
      %dma_start3A_26 = arith.constant 0 : i32
      %dma_start3A_27 = tpu.memref_slice %arg6[%dma_start3A_26, %mul3A_2] : memref<52x16384xf32, #tpu.memory_space<hbm>> -> memref<52x512xf32, #tpu.memory_space<hbm>>
      tpu.enqueue_dma source(%arg11 : memref<52x512xf32, #tpu.memory_space<vmem>>) target(%dma_start3A_27 : memref<52x512xf32, #tpu.memory_space<hbm>>) target_semaphore(%run_scoped3A : memref<!tpu.dma_semaphore, #tpu.memory_space<semaphore_mem>>)
      %dma_wait3A = arith.constant 0 : i32
      %dma_wait3A_28 = tpu.memref_slice %arg6[%dma_wait3A, %mul3A_2] : memref<52x16384xf32, #tpu.memory_space<hbm>> -> memref<52x512xf32, #tpu.memory_space<hbm>>
      %dma_wait3A_29 = arith.constant 0 : i32
      %dma_wait3A_30 = tpu.memref_slice %arg6[%dma_wait3A_29, %mul3A_2] : memref<52x16384xf32, #tpu.memory_space<hbm>> -> memref<52x512xf32, #tpu.memory_space<hbm>>
      tpu.wait_dma2 semaphore(%run_scoped3A : memref<!tpu.dma_semaphore, #tpu.memory_space<semaphore_mem>>) src(%arg11 : memref<52x512xf32, #tpu.memory_space<vmem>>) dst(%dma_wait3A_30 : memref<52x512xf32, #tpu.memory_space<hbm>>)
      tpu.yield
    }) : () -> ()
    return
  }
}

module attributes {stable_mosaic.version = 14 : i64} {
  func.func @_energy_body(%arg0: i32, %arg1: memref<52x2048xf32, #tpu.memory_space<vmem>>, %arg2: memref<9xf32, #tpu.memory_space<smem>>, %arg3: memref<1xf32, #tpu.memory_space<smem>>) attributes {dimension_semantics = [#tpu.dimension_semantics<arbitrary>], iteration_bounds = array<i64: 8>, scalar_prefetch = 0 : i64, scratch_operands = 0 : i64, tpu.core_type = #tpu.core_type<tc>, window_params = [{transform_indices = @transform_0, window_bounds = array<i64: 52, 2048>}, {transform_indices = @transform_1, window_bounds = array<i64: 9>}, {transform_indices = @transform_2, window_bounds = array<i64: 1>}]} {
    %get3A = arith.constant 0 : index
    %get3A_0 = arith.constant 0 : index
    %get3A_1 = vector.load %arg1[%get3A, %get3A_0] : memref<52x2048xf32, #tpu.memory_space<vmem>>, vector<52x2048xf32>
    %get3A_2 = arith.constant 0 : index
    %get3A_3 = memref.load %arg2[%get3A_2] : memref<9xf32, #tpu.memory_space<smem>>
    %get3A_4 = arith.constant 1 : index
    %get3A_5 = memref.load %arg2[%get3A_4] : memref<9xf32, #tpu.memory_space<smem>>
    %get3A_6 = arith.constant 2 : index
    %get3A_7 = memref.load %arg2[%get3A_6] : memref<9xf32, #tpu.memory_space<smem>>
    %get3A_8 = arith.constant 3 : index
    %get3A_9 = memref.load %arg2[%get3A_8] : memref<9xf32, #tpu.memory_space<smem>>
    %get3A_10 = arith.constant 4 : index
    %get3A_11 = memref.load %arg2[%get3A_10] : memref<9xf32, #tpu.memory_space<smem>>
    %get3A_12 = arith.constant 5 : index
    %get3A_13 = memref.load %arg2[%get3A_12] : memref<9xf32, #tpu.memory_space<smem>>
    %get3A_14 = arith.constant 6 : index
    %get3A_15 = memref.load %arg2[%get3A_14] : memref<9xf32, #tpu.memory_space<smem>>
    %get3A_16 = arith.constant 7 : index
    %get3A_17 = memref.load %arg2[%get3A_16] : memref<9xf32, #tpu.memory_space<smem>>
    %get3A_18 = arith.constant 8 : index
    %get3A_19 = memref.load %arg2[%get3A_18] : memref<9xf32, #tpu.memory_space<smem>>
    %slice3A = vector.extract_strided_slice %get3A_1 {offsets = [0, 0], sizes = [16, 2048], strides = [1, 1]} : vector<52x2048xf32> to vector<16x2048xf32>
    %slice3A_20 = vector.extract_strided_slice %get3A_1 {offsets = [16, 0], sizes = [16, 2048], strides = [1, 1]} : vector<52x2048xf32> to vector<16x2048xf32>
    %slice3A_21 = vector.extract_strided_slice %get3A_1 {offsets = [32, 0], sizes = [16, 2048], strides = [1, 1]} : vector<52x2048xf32> to vector<16x2048xf32>
    %slice3A_22 = vector.extract_strided_slice %get3A_1 {offsets = [48, 0], sizes = [1, 2048], strides = [1, 1]} : vector<52x2048xf32> to vector<1x2048xf32>
    %sub3A = vector.broadcast %slice3A_22 : vector<1x2048xf32> to vector<16x2048xf32>
    %sub3A_23 = arith.subf %slice3A, %sub3A : vector<16x2048xf32>
    %slice3A_24 = vector.extract_strided_slice %get3A_1 {offsets = [49, 0], sizes = [1, 2048], strides = [1, 1]} : vector<52x2048xf32> to vector<1x2048xf32>
    %sub3A_25 = vector.broadcast %slice3A_24 : vector<1x2048xf32> to vector<16x2048xf32>
    %sub3A_26 = arith.subf %slice3A_20, %sub3A_25 : vector<16x2048xf32>
    %slice3A_27 = vector.extract_strided_slice %get3A_1 {offsets = [50, 0], sizes = [1, 2048], strides = [1, 1]} : vector<52x2048xf32> to vector<1x2048xf32>
    %sub3A_28 = vector.broadcast %slice3A_27 : vector<1x2048xf32> to vector<16x2048xf32>
    %sub3A_29 = arith.subf %slice3A_21, %sub3A_28 : vector<16x2048xf32>
    %slice3A_30 = vector.extract_strided_slice %get3A_1 {offsets = [51, 0], sizes = [1, 2048], strides = [1, 1]} : vector<52x2048xf32> to vector<1x2048xf32>
    %mul3A = arith.mulf %sub3A_23, %sub3A_23 : vector<16x2048xf32>
    %mul3A_31 = arith.mulf %sub3A_26, %sub3A_26 : vector<16x2048xf32>
    %add3A = arith.addf %mul3A, %mul3A_31 : vector<16x2048xf32>
    %mul3A_32 = arith.mulf %sub3A_29, %sub3A_29 : vector<16x2048xf32>
    %add3A_33 = arith.addf %add3A, %mul3A_32 : vector<16x2048xf32>
    %sqrt3A = math.sqrt %add3A_33 : vector<16x2048xf32>
    %iota3A = tpu.iota {dimensions = array<i32: 0>} : vector<16x2048xi32>
    %convert_element_type3A = arith.sitofp %iota3A : vector<16x2048xi32> to vector<16x2048xf32>
    %lt3A = vector.broadcast %slice3A_30 : vector<1x2048xf32> to vector<16x2048xf32>
    %lt3A_34 = arith.cmpf olt, %convert_element_type3A, %lt3A : vector<16x2048xf32>
    %lt3A_35 = vector.broadcast %get3A_15 : f32 to vector<16x2048xf32>
    %lt3A_36 = arith.cmpf olt, %sqrt3A, %lt3A_35 : vector<16x2048xf32>
    %and3A = arith.andi %lt3A_34, %lt3A_36 : vector<16x2048xi1>
    %jit3A = arith.constant 1.000000e+00 : f32
    %broadcast_in_dim3A = vector.broadcast %jit3A : f32 to vector<16x2048xf32>
    %select_n3A = arith.select %and3A, %sqrt3A, %broadcast_in_dim3A : vector<16x2048xi1>, vector<16x2048xf32>
    %div3A = vector.broadcast %get3A_11 : f32 to vector<16x2048xf32>
    %div3A_37 = arith.divf %div3A, %select_n3A : vector<16x2048xf32>
    %log3A = math.log %div3A_37 : vector<16x2048xf32>
    %mul3A_38 = vector.broadcast %get3A_7 : f32 to vector<16x2048xf32>
    %mul3A_39 = arith.mulf %mul3A_38, %log3A : vector<16x2048xf32>
    %exp3A = math.exp %mul3A_39 : vector<16x2048xf32>
    %mul3A_40 = vector.broadcast %get3A_5 : f32 to vector<16x2048xf32>
    %mul3A_41 = arith.mulf %mul3A_40, %exp3A : vector<16x2048xf32>
    %mul3A_42 = vector.broadcast %get3A_9 : f32 to vector<16x2048xf32>
    %mul3A_43 = arith.mulf %mul3A_42, %log3A : vector<16x2048xf32>
    %exp3A_44 = math.exp %mul3A_43 : vector<16x2048xf32>
    %sub3A_45 = arith.subf %mul3A_41, %exp3A_44 : vector<16x2048xf32>
    %mul3A_46 = vector.broadcast %get3A_3 : f32 to vector<16x2048xf32>
    %mul3A_47 = arith.mulf %mul3A_46, %sub3A_45 : vector<16x2048xf32>
    %sub3A_48 = vector.broadcast %get3A_15 : f32 to vector<16x2048xf32>
    %sub3A_49 = arith.subf %select_n3A, %sub3A_48 : vector<16x2048xf32>
    %div3A_50 = vector.broadcast %get3A_11 : f32 to vector<16x2048xf32>
    %div3A_51 = arith.divf %div3A_50, %sub3A_49 : vector<16x2048xf32>
    %exp3A_52 = math.exp %div3A_51 : vector<16x2048xf32>
    %mul3A_53 = arith.mulf %mul3A_47, %exp3A_52 : vector<16x2048xf32>
    %jit3A_54 = arith.constant 0.000000e+00 : f32
    %broadcast_in_dim3A_55 = vector.broadcast %jit3A_54 : f32 to vector<16x2048xf32>
    %select_n3A_56 = arith.select %and3A, %mul3A_53, %broadcast_in_dim3A_55 : vector<16x2048xi1>, vector<16x2048xf32>
    %sub3A_57 = vector.broadcast %get3A_15 : f32 to vector<16x2048xf32>
    %sub3A_58 = arith.subf %sqrt3A, %sub3A_57 : vector<16x2048xf32>
    %div3A_59 = vector.broadcast %get3A_13 : f32 to vector<16x2048xf32>
    %div3A_60 = arith.divf %div3A_59, %sub3A_58 : vector<16x2048xf32>
    %exp3A_61 = math.exp %div3A_60 : vector<16x2048xf32>
    %jit3A_62 = arith.constant 0.000000e+00 : f32
    %broadcast_in_dim3A_63 = vector.broadcast %jit3A_62 : f32 to vector<16x2048xf32>
    %select_n3A_64 = arith.select %lt3A_34, %exp3A_61, %broadcast_in_dim3A_63 : vector<16x2048xi1>, vector<16x2048xf32>
    %mul3A_65 = arith.mulf %sqrt3A, %sqrt3A : vector<16x2048xf32>
    %max3A = arith.constant 1.000000e-30 : f32
    %max3A_66 = vector.broadcast %max3A : f32 to vector<16x2048xf32>
    %max3A_67 = arith.maximumf %mul3A_65, %max3A_66 : vector<16x2048xf32>
    %mul3A_68 = arith.constant 2.000000e+00 : f32
    %mul3A_69 = vector.broadcast %mul3A_68 : f32 to vector<16x2048xf32>
    %mul3A_70 = arith.mulf %mul3A_69, %max3A_67 : vector<16x2048xf32>
    %div3A_71 = arith.divf %select_n3A_64, %mul3A_70 : vector<16x2048xf32>
    %mul3A_72 = vector.broadcast %get3A_17 : f32 to vector<16x2048xf32>
    %mul3A_73 = arith.mulf %mul3A_72, %div3A_71 : vector<16x2048xf32>
    %iota3A_74 = tpu.iota {dimensions = array<i32: 0>} : vector<16x1xi32>
    %slice3A_75 = vector.extract_strided_slice %slice3A {offsets = [8, 0], sizes = [8, 2048], strides = [1, 1]} : vector<16x2048xf32> to vector<8x2048xf32>
    %slice3A_76 = vector.extract_strided_slice %slice3A_20 {offsets = [8, 0], sizes = [8, 2048], strides = [1, 1]} : vector<16x2048xf32> to vector<8x2048xf32>
    %slice3A_77 = vector.extract_strided_slice %slice3A_21 {offsets = [8, 0], sizes = [8, 2048], strides = [1, 1]} : vector<16x2048xf32> to vector<8x2048xf32>
    %slice3A_78 = vector.extract_strided_slice %sqrt3A {offsets = [8, 0], sizes = [8, 2048], strides = [1, 1]} : vector<16x2048xf32> to vector<8x2048xf32>
    %slice3A_79 = vector.extract_strided_slice %mul3A_65 {offsets = [8, 0], sizes = [8, 2048], strides = [1, 1]} : vector<16x2048xf32> to vector<8x2048xf32>
    %slice3A_80 = vector.extract_strided_slice %div3A_71 {offsets = [8, 0], sizes = [8, 2048], strides = [1, 1]} : vector<16x2048xf32> to vector<8x2048xf32>
    %slice3A_81 = vector.extract_strided_slice %iota3A_74 {offsets = [8, 0], sizes = [8, 1], strides = [1, 1]} : vector<16x1xi32> to vector<8x1xi32>
    %broadcast_in_dim3A_82 = arith.constant 0.000000e+00 : f32
    %broadcast_in_dim3A_83 = vector.broadcast %broadcast_in_dim3A_82 : f32 to vector<16x2048xf32>
    %broadcast_in_dim3A_84 = arith.constant 0.000000e+00 : f32
    %broadcast_in_dim3A_85 = vector.broadcast %broadcast_in_dim3A_84 : f32 to vector<8x2048xf32>
    %slice3A_86 = vector.extract_strided_slice %slice3A {offsets = [0, 0], sizes = [1, 2048], strides = [1, 1]} : vector<16x2048xf32> to vector<1x2048xf32>
    %sub3A_87 = vector.broadcast %slice3A_86 : vector<1x2048xf32> to vector<16x2048xf32>
    %sub3A_88 = arith.subf %slice3A, %sub3A_87 : vector<16x2048xf32>
    %slice3A_89 = vector.extract_strided_slice %slice3A_20 {offsets = [0, 0], sizes = [1, 2048], strides = [1, 1]} : vector<16x2048xf32> to vector<1x2048xf32>
    %sub3A_90 = vector.broadcast %slice3A_89 : vector<1x2048xf32> to vector<16x2048xf32>
    %sub3A_91 = arith.subf %slice3A_20, %sub3A_90 : vector<16x2048xf32>
    %slice3A_92 = vector.extract_strided_slice %slice3A_21 {offsets = [0, 0], sizes = [1, 2048], strides = [1, 1]} : vector<16x2048xf32> to vector<1x2048xf32>
    %sub3A_93 = vector.broadcast %slice3A_92 : vector<1x2048xf32> to vector<16x2048xf32>
    %sub3A_94 = arith.subf %slice3A_21, %sub3A_93 : vector<16x2048xf32>
    %mul3A_95 = arith.mulf %sub3A_88, %sub3A_88 : vector<16x2048xf32>
    %mul3A_96 = arith.mulf %sub3A_91, %sub3A_91 : vector<16x2048xf32>
    %add3A_97 = arith.addf %mul3A_95, %mul3A_96 : vector<16x2048xf32>
    %mul3A_98 = arith.mulf %sub3A_94, %sub3A_94 : vector<16x2048xf32>
    %add3A_99 = arith.addf %add3A_97, %mul3A_98 : vector<16x2048xf32>
    %slice3A_100 = vector.extract_strided_slice %mul3A_65 {offsets = [0, 0], sizes = [1, 2048], strides = [1, 1]} : vector<16x2048xf32> to vector<1x2048xf32>
    %add3A_101 = vector.broadcast %slice3A_100 : vector<1x2048xf32> to vector<16x2048xf32>
    %add3A_102 = arith.addf %add3A_101, %mul3A_65 : vector<16x2048xf32>
    %sub3A_103 = arith.subf %add3A_102, %add3A_99 : vector<16x2048xf32>
    %slice3A_104 = vector.extract_strided_slice %sqrt3A {offsets = [0, 0], sizes = [1, 2048], strides = [1, 1]} : vector<16x2048xf32> to vector<1x2048xf32>
    %mul3A_105 = arith.constant 2.000000e+00 : f32
    %mul3A_106 = vector.broadcast %mul3A_105 : f32 to vector<1x2048xf32>
    %mul3A_107 = arith.mulf %mul3A_106, %slice3A_104 : vector<1x2048xf32>
    %mul3A_108 = vector.broadcast %mul3A_107 : vector<1x2048xf32> to vector<16x2048xf32>
    %mul3A_109 = arith.mulf %mul3A_108, %sqrt3A : vector<16x2048xf32>
    %mul3A_110 = vector.broadcast %get3A_19 : f32 to vector<16x2048xf32>
    %mul3A_111 = arith.mulf %mul3A_110, %mul3A_109 : vector<16x2048xf32>
    %sub3A_112 = arith.subf %sub3A_103, %mul3A_111 : vector<16x2048xf32>
    %slice3A_113 = vector.extract_strided_slice %mul3A_73 {offsets = [0, 0], sizes = [1, 2048], strides = [1, 1]} : vector<16x2048xf32> to vector<1x2048xf32>
    %mul3A_114 = vector.broadcast %slice3A_113 : vector<1x2048xf32> to vector<16x2048xf32>
    %mul3A_115 = arith.mulf %mul3A_114, %div3A_71 : vector<16x2048xf32>
    %mul3A_116 = arith.mulf %sub3A_112, %sub3A_112 : vector<16x2048xf32>
    %mul3A_117 = arith.mulf %mul3A_115, %mul3A_116 : vector<16x2048xf32>
    %gt3A = arith.constant 0 : i32
    %gt3A_118 = vector.broadcast %gt3A : i32 to vector<16x1xi32>
    %gt3A_119 = arith.cmpi sgt, %iota3A_74, %gt3A_118 : vector<16x1xi32>
    %jit3A_120 = arith.constant 0.000000e+00 : f32
    %broadcast_in_dim3A_121 = vector.shape_cast %gt3A_119 : vector<16x1xi1> to vector<16x1xi1>
    %broadcast_in_dim3A_122 = vector.broadcast %broadcast_in_dim3A_121 : vector<16x1xi1> to vector<16x2048xi1>
    %broadcast_in_dim3A_123 = vector.broadcast %jit3A_120 : f32 to vector<16x2048xf32>
    %select_n3A_124 = arith.select %broadcast_in_dim3A_122, %mul3A_117, %broadcast_in_dim3A_123 : vector<16x2048xi1>, vector<16x2048xf32>
    %add3A_125 = arith.addf %broadcast_in_dim3A_83, %select_n3A_124 : vector<16x2048xf32>
    %slice3A_126 = vector.extract_strided_slice %slice3A {offsets = [1, 0], sizes = [1, 2048], strides = [1, 1]} : vector<16x2048xf32> to vector<1x2048xf32>
    %sub3A_127 = vector.broadcast %slice3A_126 : vector<1x2048xf32> to vector<16x2048xf32>
    %sub3A_128 = arith.subf %slice3A, %sub3A_127 : vector<16x2048xf32>
    %slice3A_129 = vector.extract_strided_slice %slice3A_20 {offsets = [1, 0], sizes = [1, 2048], strides = [1, 1]} : vector<16x2048xf32> to vector<1x2048xf32>
    %sub3A_130 = vector.broadcast %slice3A_129 : vector<1x2048xf32> to vector<16x2048xf32>
    %sub3A_131 = arith.subf %slice3A_20, %sub3A_130 : vector<16x2048xf32>
    %slice3A_132 = vector.extract_strided_slice %slice3A_21 {offsets = [1, 0], sizes = [1, 2048], strides = [1, 1]} : vector<16x2048xf32> to vector<1x2048xf32>
    %sub3A_133 = vector.broadcast %slice3A_132 : vector<1x2048xf32> to vector<16x2048xf32>
    %sub3A_134 = arith.subf %slice3A_21, %sub3A_133 : vector<16x2048xf32>
    %mul3A_135 = arith.mulf %sub3A_128, %sub3A_128 : vector<16x2048xf32>
    %mul3A_136 = arith.mulf %sub3A_131, %sub3A_131 : vector<16x2048xf32>
    %add3A_137 = arith.addf %mul3A_135, %mul3A_136 : vector<16x2048xf32>
    %mul3A_138 = arith.mulf %sub3A_134, %sub3A_134 : vector<16x2048xf32>
    %add3A_139 = arith.addf %add3A_137, %mul3A_138 : vector<16x2048xf32>
    %slice3A_140 = vector.extract_strided_slice %mul3A_65 {offsets = [1, 0], sizes = [1, 2048], strides = [1, 1]} : vector<16x2048xf32> to vector<1x2048xf32>
    %add3A_141 = vector.broadcast %slice3A_140 : vector<1x2048xf32> to vector<16x2048xf32>
    %add3A_142 = arith.addf %add3A_141, %mul3A_65 : vector<16x2048xf32>
    %sub3A_143 = arith.subf %add3A_142, %add3A_139 : vector<16x2048xf32>
    %slice3A_144 = vector.extract_strided_slice %sqrt3A {offsets = [1, 0], sizes = [1, 2048], strides = [1, 1]} : vector<16x2048xf32> to vector<1x2048xf32>
    %mul3A_145 = arith.constant 2.000000e+00 : f32
    %mul3A_146 = vector.broadcast %mul3A_145 : f32 to vector<1x2048xf32>
    %mul3A_147 = arith.mulf %mul3A_146, %slice3A_144 : vector<1x2048xf32>
    %mul3A_148 = vector.broadcast %mul3A_147 : vector<1x2048xf32> to vector<16x2048xf32>
    %mul3A_149 = arith.mulf %mul3A_148, %sqrt3A : vector<16x2048xf32>
    %mul3A_150 = vector.broadcast %get3A_19 : f32 to vector<16x2048xf32>
    %mul3A_151 = arith.mulf %mul3A_150, %mul3A_149 : vector<16x2048xf32>
    %sub3A_152 = arith.subf %sub3A_143, %mul3A_151 : vector<16x2048xf32>
    %slice3A_153 = vector.extract_strided_slice %mul3A_73 {offsets = [1, 0], sizes = [1, 2048], strides = [1, 1]} : vector<16x2048xf32> to vector<1x2048xf32>
    %mul3A_154 = vector.broadcast %slice3A_153 : vector<1x2048xf32> to vector<16x2048xf32>
    %mul3A_155 = arith.mulf %mul3A_154, %div3A_71 : vector<16x2048xf32>
    %mul3A_156 = arith.mulf %sub3A_152, %sub3A_152 : vector<16x2048xf32>
    %mul3A_157 = arith.mulf %mul3A_155, %mul3A_156 : vector<16x2048xf32>
    %gt3A_158 = arith.constant 1 : i32
    %gt3A_159 = vector.broadcast %gt3A_158 : i32 to vector<16x1xi32>
    %gt3A_160 = arith.cmpi sgt, %iota3A_74, %gt3A_159 : vector<16x1xi32>
    %jit3A_161 = arith.constant 0.000000e+00 : f32
    %broadcast_in_dim3A_162 = vector.shape_cast %gt3A_160 : vector<16x1xi1> to vector<16x1xi1>
    %broadcast_in_dim3A_163 = vector.broadcast %broadcast_in_dim3A_162 : vector<16x1xi1> to vector<16x2048xi1>
    %broadcast_in_dim3A_164 = vector.broadcast %jit3A_161 : f32 to vector<16x2048xf32>
    %select_n3A_165 = arith.select %broadcast_in_dim3A_163, %mul3A_157, %broadcast_in_dim3A_164 : vector<16x2048xi1>, vector<16x2048xf32>
    %add3A_166 = arith.addf %add3A_125, %select_n3A_165 : vector<16x2048xf32>
    %slice3A_167 = vector.extract_strided_slice %slice3A {offsets = [2, 0], sizes = [1, 2048], strides = [1, 1]} : vector<16x2048xf32> to vector<1x2048xf32>
    %sub3A_168 = vector.broadcast %slice3A_167 : vector<1x2048xf32> to vector<16x2048xf32>
    %sub3A_169 = arith.subf %slice3A, %sub3A_168 : vector<16x2048xf32>
    %slice3A_170 = vector.extract_strided_slice %slice3A_20 {offsets = [2, 0], sizes = [1, 2048], strides = [1, 1]} : vector<16x2048xf32> to vector<1x2048xf32>
    %sub3A_171 = vector.broadcast %slice3A_170 : vector<1x2048xf32> to vector<16x2048xf32>
    %sub3A_172 = arith.subf %slice3A_20, %sub3A_171 : vector<16x2048xf32>
    %slice3A_173 = vector.extract_strided_slice %slice3A_21 {offsets = [2, 0], sizes = [1, 2048], strides = [1, 1]} : vector<16x2048xf32> to vector<1x2048xf32>
    %sub3A_174 = vector.broadcast %slice3A_173 : vector<1x2048xf32> to vector<16x2048xf32>
    %sub3A_175 = arith.subf %slice3A_21, %sub3A_174 : vector<16x2048xf32>
    %mul3A_176 = arith.mulf %sub3A_169, %sub3A_169 : vector<16x2048xf32>
    %mul3A_177 = arith.mulf %sub3A_172, %sub3A_172 : vector<16x2048xf32>
    %add3A_178 = arith.addf %mul3A_176, %mul3A_177 : vector<16x2048xf32>
    %mul3A_179 = arith.mulf %sub3A_175, %sub3A_175 : vector<16x2048xf32>
    %add3A_180 = arith.addf %add3A_178, %mul3A_179 : vector<16x2048xf32>
    %slice3A_181 = vector.extract_strided_slice %mul3A_65 {offsets = [2, 0], sizes = [1, 2048], strides = [1, 1]} : vector<16x2048xf32> to vector<1x2048xf32>
    %add3A_182 = vector.broadcast %slice3A_181 : vector<1x2048xf32> to vector<16x2048xf32>
    %add3A_183 = arith.addf %add3A_182, %mul3A_65 : vector<16x2048xf32>
    %sub3A_184 = arith.subf %add3A_183, %add3A_180 : vector<16x2048xf32>
    %slice3A_185 = vector.extract_strided_slice %sqrt3A {offsets = [2, 0], sizes = [1, 2048], strides = [1, 1]} : vector<16x2048xf32> to vector<1x2048xf32>
    %mul3A_186 = arith.constant 2.000000e+00 : f32
    %mul3A_187 = vector.broadcast %mul3A_186 : f32 to vector<1x2048xf32>
    %mul3A_188 = arith.mulf %mul3A_187, %slice3A_185 : vector<1x2048xf32>
    %mul3A_189 = vector.broadcast %mul3A_188 : vector<1x2048xf32> to vector<16x2048xf32>
    %mul3A_190 = arith.mulf %mul3A_189, %sqrt3A : vector<16x2048xf32>
    %mul3A_191 = vector.broadcast %get3A_19 : f32 to vector<16x2048xf32>
    %mul3A_192 = arith.mulf %mul3A_191, %mul3A_190 : vector<16x2048xf32>
    %sub3A_193 = arith.subf %sub3A_184, %mul3A_192 : vector<16x2048xf32>
    %slice3A_194 = vector.extract_strided_slice %mul3A_73 {offsets = [2, 0], sizes = [1, 2048], strides = [1, 1]} : vector<16x2048xf32> to vector<1x2048xf32>
    %mul3A_195 = vector.broadcast %slice3A_194 : vector<1x2048xf32> to vector<16x2048xf32>
    %mul3A_196 = arith.mulf %mul3A_195, %div3A_71 : vector<16x2048xf32>
    %mul3A_197 = arith.mulf %sub3A_193, %sub3A_193 : vector<16x2048xf32>
    %mul3A_198 = arith.mulf %mul3A_196, %mul3A_197 : vector<16x2048xf32>
    %gt3A_199 = arith.constant 2 : i32
    %gt3A_200 = vector.broadcast %gt3A_199 : i32 to vector<16x1xi32>
    %gt3A_201 = arith.cmpi sgt, %iota3A_74, %gt3A_200 : vector<16x1xi32>
    %jit3A_202 = arith.constant 0.000000e+00 : f32
    %broadcast_in_dim3A_203 = vector.shape_cast %gt3A_201 : vector<16x1xi1> to vector<16x1xi1>
    %broadcast_in_dim3A_204 = vector.broadcast %broadcast_in_dim3A_203 : vector<16x1xi1> to vector<16x2048xi1>
    %broadcast_in_dim3A_205 = vector.broadcast %jit3A_202 : f32 to vector<16x2048xf32>
    %select_n3A_206 = arith.select %broadcast_in_dim3A_204, %mul3A_198, %broadcast_in_dim3A_205 : vector<16x2048xi1>, vector<16x2048xf32>
    %add3A_207 = arith.addf %add3A_166, %select_n3A_206 : vector<16x2048xf32>
    %slice3A_208 = vector.extract_strided_slice %slice3A {offsets = [3, 0], sizes = [1, 2048], strides = [1, 1]} : vector<16x2048xf32> to vector<1x2048xf32>
    %sub3A_209 = vector.broadcast %slice3A_208 : vector<1x2048xf32> to vector<16x2048xf32>
    %sub3A_210 = arith.subf %slice3A, %sub3A_209 : vector<16x2048xf32>
    %slice3A_211 = vector.extract_strided_slice %slice3A_20 {offsets = [3, 0], sizes = [1, 2048], strides = [1, 1]} : vector<16x2048xf32> to vector<1x2048xf32>
    %sub3A_212 = vector.broadcast %slice3A_211 : vector<1x2048xf32> to vector<16x2048xf32>
    %sub3A_213 = arith.subf %slice3A_20, %sub3A_212 : vector<16x2048xf32>
    %slice3A_214 = vector.extract_strided_slice %slice3A_21 {offsets = [3, 0], sizes = [1, 2048], strides = [1, 1]} : vector<16x2048xf32> to vector<1x2048xf32>
    %sub3A_215 = vector.broadcast %slice3A_214 : vector<1x2048xf32> to vector<16x2048xf32>
    %sub3A_216 = arith.subf %slice3A_21, %sub3A_215 : vector<16x2048xf32>
    %mul3A_217 = arith.mulf %sub3A_210, %sub3A_210 : vector<16x2048xf32>
    %mul3A_218 = arith.mulf %sub3A_213, %sub3A_213 : vector<16x2048xf32>
    %add3A_219 = arith.addf %mul3A_217, %mul3A_218 : vector<16x2048xf32>
    %mul3A_220 = arith.mulf %sub3A_216, %sub3A_216 : vector<16x2048xf32>
    %add3A_221 = arith.addf %add3A_219, %mul3A_220 : vector<16x2048xf32>
    %slice3A_222 = vector.extract_strided_slice %mul3A_65 {offsets = [3, 0], sizes = [1, 2048], strides = [1, 1]} : vector<16x2048xf32> to vector<1x2048xf32>
    %add3A_223 = vector.broadcast %slice3A_222 : vector<1x2048xf32> to vector<16x2048xf32>
    %add3A_224 = arith.addf %add3A_223, %mul3A_65 : vector<16x2048xf32>
    %sub3A_225 = arith.subf %add3A_224, %add3A_221 : vector<16x2048xf32>
    %slice3A_226 = vector.extract_strided_slice %sqrt3A {offsets = [3, 0], sizes = [1, 2048], strides = [1, 1]} : vector<16x2048xf32> to vector<1x2048xf32>
    %mul3A_227 = arith.constant 2.000000e+00 : f32
    %mul3A_228 = vector.broadcast %mul3A_227 : f32 to vector<1x2048xf32>
    %mul3A_229 = arith.mulf %mul3A_228, %slice3A_226 : vector<1x2048xf32>
    %mul3A_230 = vector.broadcast %mul3A_229 : vector<1x2048xf32> to vector<16x2048xf32>
    %mul3A_231 = arith.mulf %mul3A_230, %sqrt3A : vector<16x2048xf32>
    %mul3A_232 = vector.broadcast %get3A_19 : f32 to vector<16x2048xf32>
    %mul3A_233 = arith.mulf %mul3A_232, %mul3A_231 : vector<16x2048xf32>
    %sub3A_234 = arith.subf %sub3A_225, %mul3A_233 : vector<16x2048xf32>
    %slice3A_235 = vector.extract_strided_slice %mul3A_73 {offsets = [3, 0], sizes = [1, 2048], strides = [1, 1]} : vector<16x2048xf32> to vector<1x2048xf32>
    %mul3A_236 = vector.broadcast %slice3A_235 : vector<1x2048xf32> to vector<16x2048xf32>
    %mul3A_237 = arith.mulf %mul3A_236, %div3A_71 : vector<16x2048xf32>
    %mul3A_238 = arith.mulf %sub3A_234, %sub3A_234 : vector<16x2048xf32>
    %mul3A_239 = arith.mulf %mul3A_237, %mul3A_238 : vector<16x2048xf32>
    %gt3A_240 = arith.constant 3 : i32
    %gt3A_241 = vector.broadcast %gt3A_240 : i32 to vector<16x1xi32>
    %gt3A_242 = arith.cmpi sgt, %iota3A_74, %gt3A_241 : vector<16x1xi32>
    %jit3A_243 = arith.constant 0.000000e+00 : f32
    %broadcast_in_dim3A_244 = vector.shape_cast %gt3A_242 : vector<16x1xi1> to vector<16x1xi1>
    %broadcast_in_dim3A_245 = vector.broadcast %broadcast_in_dim3A_244 : vector<16x1xi1> to vector<16x2048xi1>
    %broadcast_in_dim3A_246 = vector.broadcast %jit3A_243 : f32 to vector<16x2048xf32>
    %select_n3A_247 = arith.select %broadcast_in_dim3A_245, %mul3A_239, %broadcast_in_dim3A_246 : vector<16x2048xi1>, vector<16x2048xf32>
    %add3A_248 = arith.addf %add3A_207, %select_n3A_247 : vector<16x2048xf32>
    %slice3A_249 = vector.extract_strided_slice %slice3A {offsets = [4, 0], sizes = [1, 2048], strides = [1, 1]} : vector<16x2048xf32> to vector<1x2048xf32>
    %sub3A_250 = vector.broadcast %slice3A_249 : vector<1x2048xf32> to vector<16x2048xf32>
    %sub3A_251 = arith.subf %slice3A, %sub3A_250 : vector<16x2048xf32>
    %slice3A_252 = vector.extract_strided_slice %slice3A_20 {offsets = [4, 0], sizes = [1, 2048], strides = [1, 1]} : vector<16x2048xf32> to vector<1x2048xf32>
    %sub3A_253 = vector.broadcast %slice3A_252 : vector<1x2048xf32> to vector<16x2048xf32>
    %sub3A_254 = arith.subf %slice3A_20, %sub3A_253 : vector<16x2048xf32>
    %slice3A_255 = vector.extract_strided_slice %slice3A_21 {offsets = [4, 0], sizes = [1, 2048], strides = [1, 1]} : vector<16x2048xf32> to vector<1x2048xf32>
    %sub3A_256 = vector.broadcast %slice3A_255 : vector<1x2048xf32> to vector<16x2048xf32>
    %sub3A_257 = arith.subf %slice3A_21, %sub3A_256 : vector<16x2048xf32>
    %mul3A_258 = arith.mulf %sub3A_251, %sub3A_251 : vector<16x2048xf32>
    %mul3A_259 = arith.mulf %sub3A_254, %sub3A_254 : vector<16x2048xf32>
    %add3A_260 = arith.addf %mul3A_258, %mul3A_259 : vector<16x2048xf32>
    %mul3A_261 = arith.mulf %sub3A_257, %sub3A_257 : vector<16x2048xf32>
    %add3A_262 = arith.addf %add3A_260, %mul3A_261 : vector<16x2048xf32>
    %slice3A_263 = vector.extract_strided_slice %mul3A_65 {offsets = [4, 0], sizes = [1, 2048], strides = [1, 1]} : vector<16x2048xf32> to vector<1x2048xf32>
    %add3A_264 = vector.broadcast %slice3A_263 : vector<1x2048xf32> to vector<16x2048xf32>
    %add3A_265 = arith.addf %add3A_264, %mul3A_65 : vector<16x2048xf32>
    %sub3A_266 = arith.subf %add3A_265, %add3A_262 : vector<16x2048xf32>
    %slice3A_267 = vector.extract_strided_slice %sqrt3A {offsets = [4, 0], sizes = [1, 2048], strides = [1, 1]} : vector<16x2048xf32> to vector<1x2048xf32>
    %mul3A_268 = arith.constant 2.000000e+00 : f32
    %mul3A_269 = vector.broadcast %mul3A_268 : f32 to vector<1x2048xf32>
    %mul3A_270 = arith.mulf %mul3A_269, %slice3A_267 : vector<1x2048xf32>
    %mul3A_271 = vector.broadcast %mul3A_270 : vector<1x2048xf32> to vector<16x2048xf32>
    %mul3A_272 = arith.mulf %mul3A_271, %sqrt3A : vector<16x2048xf32>
    %mul3A_273 = vector.broadcast %get3A_19 : f32 to vector<16x2048xf32>
    %mul3A_274 = arith.mulf %mul3A_273, %mul3A_272 : vector<16x2048xf32>
    %sub3A_275 = arith.subf %sub3A_266, %mul3A_274 : vector<16x2048xf32>
    %slice3A_276 = vector.extract_strided_slice %mul3A_73 {offsets = [4, 0], sizes = [1, 2048], strides = [1, 1]} : vector<16x2048xf32> to vector<1x2048xf32>
    %mul3A_277 = vector.broadcast %slice3A_276 : vector<1x2048xf32> to vector<16x2048xf32>
    %mul3A_278 = arith.mulf %mul3A_277, %div3A_71 : vector<16x2048xf32>
    %mul3A_279 = arith.mulf %sub3A_275, %sub3A_275 : vector<16x2048xf32>
    %mul3A_280 = arith.mulf %mul3A_278, %mul3A_279 : vector<16x2048xf32>
    %gt3A_281 = arith.constant 4 : i32
    %gt3A_282 = vector.broadcast %gt3A_281 : i32 to vector<16x1xi32>
    %gt3A_283 = arith.cmpi sgt, %iota3A_74, %gt3A_282 : vector<16x1xi32>
    %jit3A_284 = arith.constant 0.000000e+00 : f32
    %broadcast_in_dim3A_285 = vector.shape_cast %gt3A_283 : vector<16x1xi1> to vector<16x1xi1>
    %broadcast_in_dim3A_286 = vector.broadcast %broadcast_in_dim3A_285 : vector<16x1xi1> to vector<16x2048xi1>
    %broadcast_in_dim3A_287 = vector.broadcast %jit3A_284 : f32 to vector<16x2048xf32>
    %select_n3A_288 = arith.select %broadcast_in_dim3A_286, %mul3A_280, %broadcast_in_dim3A_287 : vector<16x2048xi1>, vector<16x2048xf32>
    %add3A_289 = arith.addf %add3A_248, %select_n3A_288 : vector<16x2048xf32>
    %slice3A_290 = vector.extract_strided_slice %slice3A {offsets = [5, 0], sizes = [1, 2048], strides = [1, 1]} : vector<16x2048xf32> to vector<1x2048xf32>
    %sub3A_291 = vector.broadcast %slice3A_290 : vector<1x2048xf32> to vector<16x2048xf32>
    %sub3A_292 = arith.subf %slice3A, %sub3A_291 : vector<16x2048xf32>
    %slice3A_293 = vector.extract_strided_slice %slice3A_20 {offsets = [5, 0], sizes = [1, 2048], strides = [1, 1]} : vector<16x2048xf32> to vector<1x2048xf32>
    %sub3A_294 = vector.broadcast %slice3A_293 : vector<1x2048xf32> to vector<16x2048xf32>
    %sub3A_295 = arith.subf %slice3A_20, %sub3A_294 : vector<16x2048xf32>
    %slice3A_296 = vector.extract_strided_slice %slice3A_21 {offsets = [5, 0], sizes = [1, 2048], strides = [1, 1]} : vector<16x2048xf32> to vector<1x2048xf32>
    %sub3A_297 = vector.broadcast %slice3A_296 : vector<1x2048xf32> to vector<16x2048xf32>
    %sub3A_298 = arith.subf %slice3A_21, %sub3A_297 : vector<16x2048xf32>
    %mul3A_299 = arith.mulf %sub3A_292, %sub3A_292 : vector<16x2048xf32>
    %mul3A_300 = arith.mulf %sub3A_295, %sub3A_295 : vector<16x2048xf32>
    %add3A_301 = arith.addf %mul3A_299, %mul3A_300 : vector<16x2048xf32>
    %mul3A_302 = arith.mulf %sub3A_298, %sub3A_298 : vector<16x2048xf32>
    %add3A_303 = arith.addf %add3A_301, %mul3A_302 : vector<16x2048xf32>
    %slice3A_304 = vector.extract_strided_slice %mul3A_65 {offsets = [5, 0], sizes = [1, 2048], strides = [1, 1]} : vector<16x2048xf32> to vector<1x2048xf32>
    %add3A_305 = vector.broadcast %slice3A_304 : vector<1x2048xf32> to vector<16x2048xf32>
    %add3A_306 = arith.addf %add3A_305, %mul3A_65 : vector<16x2048xf32>
    %sub3A_307 = arith.subf %add3A_306, %add3A_303 : vector<16x2048xf32>
    %slice3A_308 = vector.extract_strided_slice %sqrt3A {offsets = [5, 0], sizes = [1, 2048], strides = [1, 1]} : vector<16x2048xf32> to vector<1x2048xf32>
    %mul3A_309 = arith.constant 2.000000e+00 : f32
    %mul3A_310 = vector.broadcast %mul3A_309 : f32 to vector<1x2048xf32>
    %mul3A_311 = arith.mulf %mul3A_310, %slice3A_308 : vector<1x2048xf32>
    %mul3A_312 = vector.broadcast %mul3A_311 : vector<1x2048xf32> to vector<16x2048xf32>
    %mul3A_313 = arith.mulf %mul3A_312, %sqrt3A : vector<16x2048xf32>
    %mul3A_314 = vector.broadcast %get3A_19 : f32 to vector<16x2048xf32>
    %mul3A_315 = arith.mulf %mul3A_314, %mul3A_313 : vector<16x2048xf32>
    %sub3A_316 = arith.subf %sub3A_307, %mul3A_315 : vector<16x2048xf32>
    %slice3A_317 = vector.extract_strided_slice %mul3A_73 {offsets = [5, 0], sizes = [1, 2048], strides = [1, 1]} : vector<16x2048xf32> to vector<1x2048xf32>
    %mul3A_318 = vector.broadcast %slice3A_317 : vector<1x2048xf32> to vector<16x2048xf32>
    %mul3A_319 = arith.mulf %mul3A_318, %div3A_71 : vector<16x2048xf32>
    %mul3A_320 = arith.mulf %sub3A_316, %sub3A_316 : vector<16x2048xf32>
    %mul3A_321 = arith.mulf %mul3A_319, %mul3A_320 : vector<16x2048xf32>
    %gt3A_322 = arith.constant 5 : i32
    %gt3A_323 = vector.broadcast %gt3A_322 : i32 to vector<16x1xi32>
    %gt3A_324 = arith.cmpi sgt, %iota3A_74, %gt3A_323 : vector<16x1xi32>
    %jit3A_325 = arith.constant 0.000000e+00 : f32
    %broadcast_in_dim3A_326 = vector.shape_cast %gt3A_324 : vector<16x1xi1> to vector<16x1xi1>
    %broadcast_in_dim3A_327 = vector.broadcast %broadcast_in_dim3A_326 : vector<16x1xi1> to vector<16x2048xi1>
    %broadcast_in_dim3A_328 = vector.broadcast %jit3A_325 : f32 to vector<16x2048xf32>
    %select_n3A_329 = arith.select %broadcast_in_dim3A_327, %mul3A_321, %broadcast_in_dim3A_328 : vector<16x2048xi1>, vector<16x2048xf32>
    %add3A_330 = arith.addf %add3A_289, %select_n3A_329 : vector<16x2048xf32>
    %slice3A_331 = vector.extract_strided_slice %slice3A {offsets = [6, 0], sizes = [1, 2048], strides = [1, 1]} : vector<16x2048xf32> to vector<1x2048xf32>
    %sub3A_332 = vector.broadcast %slice3A_331 : vector<1x2048xf32> to vector<16x2048xf32>
    %sub3A_333 = arith.subf %slice3A, %sub3A_332 : vector<16x2048xf32>
    %slice3A_334 = vector.extract_strided_slice %slice3A_20 {offsets = [6, 0], sizes = [1, 2048], strides = [1, 1]} : vector<16x2048xf32> to vector<1x2048xf32>
    %sub3A_335 = vector.broadcast %slice3A_334 : vector<1x2048xf32> to vector<16x2048xf32>
    %sub3A_336 = arith.subf %slice3A_20, %sub3A_335 : vector<16x2048xf32>
    %slice3A_337 = vector.extract_strided_slice %slice3A_21 {offsets = [6, 0], sizes = [1, 2048], strides = [1, 1]} : vector<16x2048xf32> to vector<1x2048xf32>
    %sub3A_338 = vector.broadcast %slice3A_337 : vector<1x2048xf32> to vector<16x2048xf32>
    %sub3A_339 = arith.subf %slice3A_21, %sub3A_338 : vector<16x2048xf32>
    %mul3A_340 = arith.mulf %sub3A_333, %sub3A_333 : vector<16x2048xf32>
    %mul3A_341 = arith.mulf %sub3A_336, %sub3A_336 : vector<16x2048xf32>
    %add3A_342 = arith.addf %mul3A_340, %mul3A_341 : vector<16x2048xf32>
    %mul3A_343 = arith.mulf %sub3A_339, %sub3A_339 : vector<16x2048xf32>
    %add3A_344 = arith.addf %add3A_342, %mul3A_343 : vector<16x2048xf32>
    %slice3A_345 = vector.extract_strided_slice %mul3A_65 {offsets = [6, 0], sizes = [1, 2048], strides = [1, 1]} : vector<16x2048xf32> to vector<1x2048xf32>
    %add3A_346 = vector.broadcast %slice3A_345 : vector<1x2048xf32> to vector<16x2048xf32>
    %add3A_347 = arith.addf %add3A_346, %mul3A_65 : vector<16x2048xf32>
    %sub3A_348 = arith.subf %add3A_347, %add3A_344 : vector<16x2048xf32>
    %slice3A_349 = vector.extract_strided_slice %sqrt3A {offsets = [6, 0], sizes = [1, 2048], strides = [1, 1]} : vector<16x2048xf32> to vector<1x2048xf32>
    %mul3A_350 = arith.constant 2.000000e+00 : f32
    %mul3A_351 = vector.broadcast %mul3A_350 : f32 to vector<1x2048xf32>
    %mul3A_352 = arith.mulf %mul3A_351, %slice3A_349 : vector<1x2048xf32>
    %mul3A_353 = vector.broadcast %mul3A_352 : vector<1x2048xf32> to vector<16x2048xf32>
    %mul3A_354 = arith.mulf %mul3A_353, %sqrt3A : vector<16x2048xf32>
    %mul3A_355 = vector.broadcast %get3A_19 : f32 to vector<16x2048xf32>
    %mul3A_356 = arith.mulf %mul3A_355, %mul3A_354 : vector<16x2048xf32>
    %sub3A_357 = arith.subf %sub3A_348, %mul3A_356 : vector<16x2048xf32>
    %slice3A_358 = vector.extract_strided_slice %mul3A_73 {offsets = [6, 0], sizes = [1, 2048], strides = [1, 1]} : vector<16x2048xf32> to vector<1x2048xf32>
    %mul3A_359 = vector.broadcast %slice3A_358 : vector<1x2048xf32> to vector<16x2048xf32>
    %mul3A_360 = arith.mulf %mul3A_359, %div3A_71 : vector<16x2048xf32>
    %mul3A_361 = arith.mulf %sub3A_357, %sub3A_357 : vector<16x2048xf32>
    %mul3A_362 = arith.mulf %mul3A_360, %mul3A_361 : vector<16x2048xf32>
    %gt3A_363 = arith.constant 6 : i32
    %gt3A_364 = vector.broadcast %gt3A_363 : i32 to vector<16x1xi32>
    %gt3A_365 = arith.cmpi sgt, %iota3A_74, %gt3A_364 : vector<16x1xi32>
    %jit3A_366 = arith.constant 0.000000e+00 : f32
    %broadcast_in_dim3A_367 = vector.shape_cast %gt3A_365 : vector<16x1xi1> to vector<16x1xi1>
    %broadcast_in_dim3A_368 = vector.broadcast %broadcast_in_dim3A_367 : vector<16x1xi1> to vector<16x2048xi1>
    %broadcast_in_dim3A_369 = vector.broadcast %jit3A_366 : f32 to vector<16x2048xf32>
    %select_n3A_370 = arith.select %broadcast_in_dim3A_368, %mul3A_362, %broadcast_in_dim3A_369 : vector<16x2048xi1>, vector<16x2048xf32>
    %add3A_371 = arith.addf %add3A_330, %select_n3A_370 : vector<16x2048xf32>
    %slice3A_372 = vector.extract_strided_slice %slice3A {offsets = [7, 0], sizes = [1, 2048], strides = [1, 1]} : vector<16x2048xf32> to vector<1x2048xf32>
    %sub3A_373 = vector.broadcast %slice3A_372 : vector<1x2048xf32> to vector<16x2048xf32>
    %sub3A_374 = arith.subf %slice3A, %sub3A_373 : vector<16x2048xf32>
    %slice3A_375 = vector.extract_strided_slice %slice3A_20 {offsets = [7, 0], sizes = [1, 2048], strides = [1, 1]} : vector<16x2048xf32> to vector<1x2048xf32>
    %sub3A_376 = vector.broadcast %slice3A_375 : vector<1x2048xf32> to vector<16x2048xf32>
    %sub3A_377 = arith.subf %slice3A_20, %sub3A_376 : vector<16x2048xf32>
    %slice3A_378 = vector.extract_strided_slice %slice3A_21 {offsets = [7, 0], sizes = [1, 2048], strides = [1, 1]} : vector<16x2048xf32> to vector<1x2048xf32>
    %sub3A_379 = vector.broadcast %slice3A_378 : vector<1x2048xf32> to vector<16x2048xf32>
    %sub3A_380 = arith.subf %slice3A_21, %sub3A_379 : vector<16x2048xf32>
    %mul3A_381 = arith.mulf %sub3A_374, %sub3A_374 : vector<16x2048xf32>
    %mul3A_382 = arith.mulf %sub3A_377, %sub3A_377 : vector<16x2048xf32>
    %add3A_383 = arith.addf %mul3A_381, %mul3A_382 : vector<16x2048xf32>
    %mul3A_384 = arith.mulf %sub3A_380, %sub3A_380 : vector<16x2048xf32>
    %add3A_385 = arith.addf %add3A_383, %mul3A_384 : vector<16x2048xf32>
    %slice3A_386 = vector.extract_strided_slice %mul3A_65 {offsets = [7, 0], sizes = [1, 2048], strides = [1, 1]} : vector<16x2048xf32> to vector<1x2048xf32>
    %add3A_387 = vector.broadcast %slice3A_386 : vector<1x2048xf32> to vector<16x2048xf32>
    %add3A_388 = arith.addf %add3A_387, %mul3A_65 : vector<16x2048xf32>
    %sub3A_389 = arith.subf %add3A_388, %add3A_385 : vector<16x2048xf32>
    %slice3A_390 = vector.extract_strided_slice %sqrt3A {offsets = [7, 0], sizes = [1, 2048], strides = [1, 1]} : vector<16x2048xf32> to vector<1x2048xf32>
    %mul3A_391 = arith.constant 2.000000e+00 : f32
    %mul3A_392 = vector.broadcast %mul3A_391 : f32 to vector<1x2048xf32>
    %mul3A_393 = arith.mulf %mul3A_392, %slice3A_390 : vector<1x2048xf32>
    %mul3A_394 = vector.broadcast %mul3A_393 : vector<1x2048xf32> to vector<16x2048xf32>
    %mul3A_395 = arith.mulf %mul3A_394, %sqrt3A : vector<16x2048xf32>
    %mul3A_396 = vector.broadcast %get3A_19 : f32 to vector<16x2048xf32>
    %mul3A_397 = arith.mulf %mul3A_396, %mul3A_395 : vector<16x2048xf32>
    %sub3A_398 = arith.subf %sub3A_389, %mul3A_397 : vector<16x2048xf32>
    %slice3A_399 = vector.extract_strided_slice %mul3A_73 {offsets = [7, 0], sizes = [1, 2048], strides = [1, 1]} : vector<16x2048xf32> to vector<1x2048xf32>
    %mul3A_400 = vector.broadcast %slice3A_399 : vector<1x2048xf32> to vector<16x2048xf32>
    %mul3A_401 = arith.mulf %mul3A_400, %div3A_71 : vector<16x2048xf32>
    %mul3A_402 = arith.mulf %sub3A_398, %sub3A_398 : vector<16x2048xf32>
    %mul3A_403 = arith.mulf %mul3A_401, %mul3A_402 : vector<16x2048xf32>
    %gt3A_404 = arith.constant 7 : i32
    %gt3A_405 = vector.broadcast %gt3A_404 : i32 to vector<16x1xi32>
    %gt3A_406 = arith.cmpi sgt, %iota3A_74, %gt3A_405 : vector<16x1xi32>
    %jit3A_407 = arith.constant 0.000000e+00 : f32
    %broadcast_in_dim3A_408 = vector.shape_cast %gt3A_406 : vector<16x1xi1> to vector<16x1xi1>
    %broadcast_in_dim3A_409 = vector.broadcast %broadcast_in_dim3A_408 : vector<16x1xi1> to vector<16x2048xi1>
    %broadcast_in_dim3A_410 = vector.broadcast %jit3A_407 : f32 to vector<16x2048xf32>
    %select_n3A_411 = arith.select %broadcast_in_dim3A_409, %mul3A_403, %broadcast_in_dim3A_410 : vector<16x2048xi1>, vector<16x2048xf32>
    %add3A_412 = arith.addf %add3A_371, %select_n3A_411 : vector<16x2048xf32>
    %slice3A_413 = vector.extract_strided_slice %slice3A {offsets = [8, 0], sizes = [1, 2048], strides = [1, 1]} : vector<16x2048xf32> to vector<1x2048xf32>
    %sub3A_414 = vector.broadcast %slice3A_413 : vector<1x2048xf32> to vector<8x2048xf32>
    %sub3A_415 = arith.subf %slice3A_75, %sub3A_414 : vector<8x2048xf32>
    %slice3A_416 = vector.extract_strided_slice %slice3A_20 {offsets = [8, 0], sizes = [1, 2048], strides = [1, 1]} : vector<16x2048xf32> to vector<1x2048xf32>
    %sub3A_417 = vector.broadcast %slice3A_416 : vector<1x2048xf32> to vector<8x2048xf32>
    %sub3A_418 = arith.subf %slice3A_76, %sub3A_417 : vector<8x2048xf32>
    %slice3A_419 = vector.extract_strided_slice %slice3A_21 {offsets = [8, 0], sizes = [1, 2048], strides = [1, 1]} : vector<16x2048xf32> to vector<1x2048xf32>
    %sub3A_420 = vector.broadcast %slice3A_419 : vector<1x2048xf32> to vector<8x2048xf32>
    %sub3A_421 = arith.subf %slice3A_77, %sub3A_420 : vector<8x2048xf32>
    %mul3A_422 = arith.mulf %sub3A_415, %sub3A_415 : vector<8x2048xf32>
    %mul3A_423 = arith.mulf %sub3A_418, %sub3A_418 : vector<8x2048xf32>
    %add3A_424 = arith.addf %mul3A_422, %mul3A_423 : vector<8x2048xf32>
    %mul3A_425 = arith.mulf %sub3A_421, %sub3A_421 : vector<8x2048xf32>
    %add3A_426 = arith.addf %add3A_424, %mul3A_425 : vector<8x2048xf32>
    %slice3A_427 = vector.extract_strided_slice %mul3A_65 {offsets = [8, 0], sizes = [1, 2048], strides = [1, 1]} : vector<16x2048xf32> to vector<1x2048xf32>
    %add3A_428 = vector.broadcast %slice3A_427 : vector<1x2048xf32> to vector<8x2048xf32>
    %add3A_429 = arith.addf %add3A_428, %slice3A_79 : vector<8x2048xf32>
    %sub3A_430 = arith.subf %add3A_429, %add3A_426 : vector<8x2048xf32>
    %slice3A_431 = vector.extract_strided_slice %sqrt3A {offsets = [8, 0], sizes = [1, 2048], strides = [1, 1]} : vector<16x2048xf32> to vector<1x2048xf32>
    %mul3A_432 = arith.constant 2.000000e+00 : f32
    %mul3A_433 = vector.broadcast %mul3A_432 : f32 to vector<1x2048xf32>
    %mul3A_434 = arith.mulf %mul3A_433, %slice3A_431 : vector<1x2048xf32>
    %mul3A_435 = vector.broadcast %mul3A_434 : vector<1x2048xf32> to vector<8x2048xf32>
    %mul3A_436 = arith.mulf %mul3A_435, %slice3A_78 : vector<8x2048xf32>
    %mul3A_437 = vector.broadcast %get3A_19 : f32 to vector<8x2048xf32>
    %mul3A_438 = arith.mulf %mul3A_437, %mul3A_436 : vector<8x2048xf32>
    %sub3A_439 = arith.subf %sub3A_430, %mul3A_438 : vector<8x2048xf32>
    %slice3A_440 = vector.extract_strided_slice %mul3A_73 {offsets = [8, 0], sizes = [1, 2048], strides = [1, 1]} : vector<16x2048xf32> to vector<1x2048xf32>
    %mul3A_441 = vector.broadcast %slice3A_440 : vector<1x2048xf32> to vector<8x2048xf32>
    %mul3A_442 = arith.mulf %mul3A_441, %slice3A_80 : vector<8x2048xf32>
    %mul3A_443 = arith.mulf %sub3A_439, %sub3A_439 : vector<8x2048xf32>
    %mul3A_444 = arith.mulf %mul3A_442, %mul3A_443 : vector<8x2048xf32>
    %gt3A_445 = arith.constant 8 : i32
    %gt3A_446 = vector.broadcast %gt3A_445 : i32 to vector<8x1xi32>
    %gt3A_447 = arith.cmpi sgt, %slice3A_81, %gt3A_446 : vector<8x1xi32>
    %jit3A_448 = arith.constant 0.000000e+00 : f32
    %broadcast_in_dim3A_449 = vector.shape_cast %gt3A_447 : vector<8x1xi1> to vector<8x1xi1>
    %broadcast_in_dim3A_450 = vector.broadcast %broadcast_in_dim3A_449 : vector<8x1xi1> to vector<8x2048xi1>
    %broadcast_in_dim3A_451 = vector.broadcast %jit3A_448 : f32 to vector<8x2048xf32>
    %select_n3A_452 = arith.select %broadcast_in_dim3A_450, %mul3A_444, %broadcast_in_dim3A_451 : vector<8x2048xi1>, vector<8x2048xf32>
    %add3A_453 = arith.addf %broadcast_in_dim3A_85, %select_n3A_452 : vector<8x2048xf32>
    %slice3A_454 = vector.extract_strided_slice %slice3A {offsets = [9, 0], sizes = [1, 2048], strides = [1, 1]} : vector<16x2048xf32> to vector<1x2048xf32>
    %sub3A_455 = vector.broadcast %slice3A_454 : vector<1x2048xf32> to vector<8x2048xf32>
    %sub3A_456 = arith.subf %slice3A_75, %sub3A_455 : vector<8x2048xf32>
    %slice3A_457 = vector.extract_strided_slice %slice3A_20 {offsets = [9, 0], sizes = [1, 2048], strides = [1, 1]} : vector<16x2048xf32> to vector<1x2048xf32>
    %sub3A_458 = vector.broadcast %slice3A_457 : vector<1x2048xf32> to vector<8x2048xf32>
    %sub3A_459 = arith.subf %slice3A_76, %sub3A_458 : vector<8x2048xf32>
    %slice3A_460 = vector.extract_strided_slice %slice3A_21 {offsets = [9, 0], sizes = [1, 2048], strides = [1, 1]} : vector<16x2048xf32> to vector<1x2048xf32>
    %sub3A_461 = vector.broadcast %slice3A_460 : vector<1x2048xf32> to vector<8x2048xf32>
    %sub3A_462 = arith.subf %slice3A_77, %sub3A_461 : vector<8x2048xf32>
    %mul3A_463 = arith.mulf %sub3A_456, %sub3A_456 : vector<8x2048xf32>
    %mul3A_464 = arith.mulf %sub3A_459, %sub3A_459 : vector<8x2048xf32>
    %add3A_465 = arith.addf %mul3A_463, %mul3A_464 : vector<8x2048xf32>
    %mul3A_466 = arith.mulf %sub3A_462, %sub3A_462 : vector<8x2048xf32>
    %add3A_467 = arith.addf %add3A_465, %mul3A_466 : vector<8x2048xf32>
    %slice3A_468 = vector.extract_strided_slice %mul3A_65 {offsets = [9, 0], sizes = [1, 2048], strides = [1, 1]} : vector<16x2048xf32> to vector<1x2048xf32>
    %add3A_469 = vector.broadcast %slice3A_468 : vector<1x2048xf32> to vector<8x2048xf32>
    %add3A_470 = arith.addf %add3A_469, %slice3A_79 : vector<8x2048xf32>
    %sub3A_471 = arith.subf %add3A_470, %add3A_467 : vector<8x2048xf32>
    %slice3A_472 = vector.extract_strided_slice %sqrt3A {offsets = [9, 0], sizes = [1, 2048], strides = [1, 1]} : vector<16x2048xf32> to vector<1x2048xf32>
    %mul3A_473 = arith.constant 2.000000e+00 : f32
    %mul3A_474 = vector.broadcast %mul3A_473 : f32 to vector<1x2048xf32>
    %mul3A_475 = arith.mulf %mul3A_474, %slice3A_472 : vector<1x2048xf32>
    %mul3A_476 = vector.broadcast %mul3A_475 : vector<1x2048xf32> to vector<8x2048xf32>
    %mul3A_477 = arith.mulf %mul3A_476, %slice3A_78 : vector<8x2048xf32>
    %mul3A_478 = vector.broadcast %get3A_19 : f32 to vector<8x2048xf32>
    %mul3A_479 = arith.mulf %mul3A_478, %mul3A_477 : vector<8x2048xf32>
    %sub3A_480 = arith.subf %sub3A_471, %mul3A_479 : vector<8x2048xf32>
    %slice3A_481 = vector.extract_strided_slice %mul3A_73 {offsets = [9, 0], sizes = [1, 2048], strides = [1, 1]} : vector<16x2048xf32> to vector<1x2048xf32>
    %mul3A_482 = vector.broadcast %slice3A_481 : vector<1x2048xf32> to vector<8x2048xf32>
    %mul3A_483 = arith.mulf %mul3A_482, %slice3A_80 : vector<8x2048xf32>
    %mul3A_484 = arith.mulf %sub3A_480, %sub3A_480 : vector<8x2048xf32>
    %mul3A_485 = arith.mulf %mul3A_483, %mul3A_484 : vector<8x2048xf32>
    %gt3A_486 = arith.constant 9 : i32
    %gt3A_487 = vector.broadcast %gt3A_486 : i32 to vector<8x1xi32>
    %gt3A_488 = arith.cmpi sgt, %slice3A_81, %gt3A_487 : vector<8x1xi32>
    %jit3A_489 = arith.constant 0.000000e+00 : f32
    %broadcast_in_dim3A_490 = vector.shape_cast %gt3A_488 : vector<8x1xi1> to vector<8x1xi1>
    %broadcast_in_dim3A_491 = vector.broadcast %broadcast_in_dim3A_490 : vector<8x1xi1> to vector<8x2048xi1>
    %broadcast_in_dim3A_492 = vector.broadcast %jit3A_489 : f32 to vector<8x2048xf32>
    %select_n3A_493 = arith.select %broadcast_in_dim3A_491, %mul3A_485, %broadcast_in_dim3A_492 : vector<8x2048xi1>, vector<8x2048xf32>
    %add3A_494 = arith.addf %add3A_453, %select_n3A_493 : vector<8x2048xf32>
    %slice3A_495 = vector.extract_strided_slice %slice3A {offsets = [10, 0], sizes = [1, 2048], strides = [1, 1]} : vector<16x2048xf32> to vector<1x2048xf32>
    %sub3A_496 = vector.broadcast %slice3A_495 : vector<1x2048xf32> to vector<8x2048xf32>
    %sub3A_497 = arith.subf %slice3A_75, %sub3A_496 : vector<8x2048xf32>
    %slice3A_498 = vector.extract_strided_slice %slice3A_20 {offsets = [10, 0], sizes = [1, 2048], strides = [1, 1]} : vector<16x2048xf32> to vector<1x2048xf32>
    %sub3A_499 = vector.broadcast %slice3A_498 : vector<1x2048xf32> to vector<8x2048xf32>
    %sub3A_500 = arith.subf %slice3A_76, %sub3A_499 : vector<8x2048xf32>
    %slice3A_501 = vector.extract_strided_slice %slice3A_21 {offsets = [10, 0], sizes = [1, 2048], strides = [1, 1]} : vector<16x2048xf32> to vector<1x2048xf32>
    %sub3A_502 = vector.broadcast %slice3A_501 : vector<1x2048xf32> to vector<8x2048xf32>
    %sub3A_503 = arith.subf %slice3A_77, %sub3A_502 : vector<8x2048xf32>
    %mul3A_504 = arith.mulf %sub3A_497, %sub3A_497 : vector<8x2048xf32>
    %mul3A_505 = arith.mulf %sub3A_500, %sub3A_500 : vector<8x2048xf32>
    %add3A_506 = arith.addf %mul3A_504, %mul3A_505 : vector<8x2048xf32>
    %mul3A_507 = arith.mulf %sub3A_503, %sub3A_503 : vector<8x2048xf32>
    %add3A_508 = arith.addf %add3A_506, %mul3A_507 : vector<8x2048xf32>
    %slice3A_509 = vector.extract_strided_slice %mul3A_65 {offsets = [10, 0], sizes = [1, 2048], strides = [1, 1]} : vector<16x2048xf32> to vector<1x2048xf32>
    %add3A_510 = vector.broadcast %slice3A_509 : vector<1x2048xf32> to vector<8x2048xf32>
    %add3A_511 = arith.addf %add3A_510, %slice3A_79 : vector<8x2048xf32>
    %sub3A_512 = arith.subf %add3A_511, %add3A_508 : vector<8x2048xf32>
    %slice3A_513 = vector.extract_strided_slice %sqrt3A {offsets = [10, 0], sizes = [1, 2048], strides = [1, 1]} : vector<16x2048xf32> to vector<1x2048xf32>
    %mul3A_514 = arith.constant 2.000000e+00 : f32
    %mul3A_515 = vector.broadcast %mul3A_514 : f32 to vector<1x2048xf32>
    %mul3A_516 = arith.mulf %mul3A_515, %slice3A_513 : vector<1x2048xf32>
    %mul3A_517 = vector.broadcast %mul3A_516 : vector<1x2048xf32> to vector<8x2048xf32>
    %mul3A_518 = arith.mulf %mul3A_517, %slice3A_78 : vector<8x2048xf32>
    %mul3A_519 = vector.broadcast %get3A_19 : f32 to vector<8x2048xf32>
    %mul3A_520 = arith.mulf %mul3A_519, %mul3A_518 : vector<8x2048xf32>
    %sub3A_521 = arith.subf %sub3A_512, %mul3A_520 : vector<8x2048xf32>
    %slice3A_522 = vector.extract_strided_slice %mul3A_73 {offsets = [10, 0], sizes = [1, 2048], strides = [1, 1]} : vector<16x2048xf32> to vector<1x2048xf32>
    %mul3A_523 = vector.broadcast %slice3A_522 : vector<1x2048xf32> to vector<8x2048xf32>
    %mul3A_524 = arith.mulf %mul3A_523, %slice3A_80 : vector<8x2048xf32>
    %mul3A_525 = arith.mulf %sub3A_521, %sub3A_521 : vector<8x2048xf32>
    %mul3A_526 = arith.mulf %mul3A_524, %mul3A_525 : vector<8x2048xf32>
    %gt3A_527 = arith.constant 10 : i32
    %gt3A_528 = vector.broadcast %gt3A_527 : i32 to vector<8x1xi32>
    %gt3A_529 = arith.cmpi sgt, %slice3A_81, %gt3A_528 : vector<8x1xi32>
    %jit3A_530 = arith.constant 0.000000e+00 : f32
    %broadcast_in_dim3A_531 = vector.shape_cast %gt3A_529 : vector<8x1xi1> to vector<8x1xi1>
    %broadcast_in_dim3A_532 = vector.broadcast %broadcast_in_dim3A_531 : vector<8x1xi1> to vector<8x2048xi1>
    %broadcast_in_dim3A_533 = vector.broadcast %jit3A_530 : f32 to vector<8x2048xf32>
    %select_n3A_534 = arith.select %broadcast_in_dim3A_532, %mul3A_526, %broadcast_in_dim3A_533 : vector<8x2048xi1>, vector<8x2048xf32>
    %add3A_535 = arith.addf %add3A_494, %select_n3A_534 : vector<8x2048xf32>
    %slice3A_536 = vector.extract_strided_slice %slice3A {offsets = [11, 0], sizes = [1, 2048], strides = [1, 1]} : vector<16x2048xf32> to vector<1x2048xf32>
    %sub3A_537 = vector.broadcast %slice3A_536 : vector<1x2048xf32> to vector<8x2048xf32>
    %sub3A_538 = arith.subf %slice3A_75, %sub3A_537 : vector<8x2048xf32>
    %slice3A_539 = vector.extract_strided_slice %slice3A_20 {offsets = [11, 0], sizes = [1, 2048], strides = [1, 1]} : vector<16x2048xf32> to vector<1x2048xf32>
    %sub3A_540 = vector.broadcast %slice3A_539 : vector<1x2048xf32> to vector<8x2048xf32>
    %sub3A_541 = arith.subf %slice3A_76, %sub3A_540 : vector<8x2048xf32>
    %slice3A_542 = vector.extract_strided_slice %slice3A_21 {offsets = [11, 0], sizes = [1, 2048], strides = [1, 1]} : vector<16x2048xf32> to vector<1x2048xf32>
    %sub3A_543 = vector.broadcast %slice3A_542 : vector<1x2048xf32> to vector<8x2048xf32>
    %sub3A_544 = arith.subf %slice3A_77, %sub3A_543 : vector<8x2048xf32>
    %mul3A_545 = arith.mulf %sub3A_538, %sub3A_538 : vector<8x2048xf32>
    %mul3A_546 = arith.mulf %sub3A_541, %sub3A_541 : vector<8x2048xf32>
    %add3A_547 = arith.addf %mul3A_545, %mul3A_546 : vector<8x2048xf32>
    %mul3A_548 = arith.mulf %sub3A_544, %sub3A_544 : vector<8x2048xf32>
    %add3A_549 = arith.addf %add3A_547, %mul3A_548 : vector<8x2048xf32>
    %slice3A_550 = vector.extract_strided_slice %mul3A_65 {offsets = [11, 0], sizes = [1, 2048], strides = [1, 1]} : vector<16x2048xf32> to vector<1x2048xf32>
    %add3A_551 = vector.broadcast %slice3A_550 : vector<1x2048xf32> to vector<8x2048xf32>
    %add3A_552 = arith.addf %add3A_551, %slice3A_79 : vector<8x2048xf32>
    %sub3A_553 = arith.subf %add3A_552, %add3A_549 : vector<8x2048xf32>
    %slice3A_554 = vector.extract_strided_slice %sqrt3A {offsets = [11, 0], sizes = [1, 2048], strides = [1, 1]} : vector<16x2048xf32> to vector<1x2048xf32>
    %mul3A_555 = arith.constant 2.000000e+00 : f32
    %mul3A_556 = vector.broadcast %mul3A_555 : f32 to vector<1x2048xf32>
    %mul3A_557 = arith.mulf %mul3A_556, %slice3A_554 : vector<1x2048xf32>
    %mul3A_558 = vector.broadcast %mul3A_557 : vector<1x2048xf32> to vector<8x2048xf32>
    %mul3A_559 = arith.mulf %mul3A_558, %slice3A_78 : vector<8x2048xf32>
    %mul3A_560 = vector.broadcast %get3A_19 : f32 to vector<8x2048xf32>
    %mul3A_561 = arith.mulf %mul3A_560, %mul3A_559 : vector<8x2048xf32>
    %sub3A_562 = arith.subf %sub3A_553, %mul3A_561 : vector<8x2048xf32>
    %slice3A_563 = vector.extract_strided_slice %mul3A_73 {offsets = [11, 0], sizes = [1, 2048], strides = [1, 1]} : vector<16x2048xf32> to vector<1x2048xf32>
    %mul3A_564 = vector.broadcast %slice3A_563 : vector<1x2048xf32> to vector<8x2048xf32>
    %mul3A_565 = arith.mulf %mul3A_564, %slice3A_80 : vector<8x2048xf32>
    %mul3A_566 = arith.mulf %sub3A_562, %sub3A_562 : vector<8x2048xf32>
    %mul3A_567 = arith.mulf %mul3A_565, %mul3A_566 : vector<8x2048xf32>
    %gt3A_568 = arith.constant 11 : i32
    %gt3A_569 = vector.broadcast %gt3A_568 : i32 to vector<8x1xi32>
    %gt3A_570 = arith.cmpi sgt, %slice3A_81, %gt3A_569 : vector<8x1xi32>
    %jit3A_571 = arith.constant 0.000000e+00 : f32
    %broadcast_in_dim3A_572 = vector.shape_cast %gt3A_570 : vector<8x1xi1> to vector<8x1xi1>
    %broadcast_in_dim3A_573 = vector.broadcast %broadcast_in_dim3A_572 : vector<8x1xi1> to vector<8x2048xi1>
    %broadcast_in_dim3A_574 = vector.broadcast %jit3A_571 : f32 to vector<8x2048xf32>
    %select_n3A_575 = arith.select %broadcast_in_dim3A_573, %mul3A_567, %broadcast_in_dim3A_574 : vector<8x2048xi1>, vector<8x2048xf32>
    %add3A_576 = arith.addf %add3A_535, %select_n3A_575 : vector<8x2048xf32>
    %slice3A_577 = vector.extract_strided_slice %slice3A {offsets = [12, 0], sizes = [1, 2048], strides = [1, 1]} : vector<16x2048xf32> to vector<1x2048xf32>
    %sub3A_578 = vector.broadcast %slice3A_577 : vector<1x2048xf32> to vector<8x2048xf32>
    %sub3A_579 = arith.subf %slice3A_75, %sub3A_578 : vector<8x2048xf32>
    %slice3A_580 = vector.extract_strided_slice %slice3A_20 {offsets = [12, 0], sizes = [1, 2048], strides = [1, 1]} : vector<16x2048xf32> to vector<1x2048xf32>
    %sub3A_581 = vector.broadcast %slice3A_580 : vector<1x2048xf32> to vector<8x2048xf32>
    %sub3A_582 = arith.subf %slice3A_76, %sub3A_581 : vector<8x2048xf32>
    %slice3A_583 = vector.extract_strided_slice %slice3A_21 {offsets = [12, 0], sizes = [1, 2048], strides = [1, 1]} : vector<16x2048xf32> to vector<1x2048xf32>
    %sub3A_584 = vector.broadcast %slice3A_583 : vector<1x2048xf32> to vector<8x2048xf32>
    %sub3A_585 = arith.subf %slice3A_77, %sub3A_584 : vector<8x2048xf32>
    %mul3A_586 = arith.mulf %sub3A_579, %sub3A_579 : vector<8x2048xf32>
    %mul3A_587 = arith.mulf %sub3A_582, %sub3A_582 : vector<8x2048xf32>
    %add3A_588 = arith.addf %mul3A_586, %mul3A_587 : vector<8x2048xf32>
    %mul3A_589 = arith.mulf %sub3A_585, %sub3A_585 : vector<8x2048xf32>
    %add3A_590 = arith.addf %add3A_588, %mul3A_589 : vector<8x2048xf32>
    %slice3A_591 = vector.extract_strided_slice %mul3A_65 {offsets = [12, 0], sizes = [1, 2048], strides = [1, 1]} : vector<16x2048xf32> to vector<1x2048xf32>
    %add3A_592 = vector.broadcast %slice3A_591 : vector<1x2048xf32> to vector<8x2048xf32>
    %add3A_593 = arith.addf %add3A_592, %slice3A_79 : vector<8x2048xf32>
    %sub3A_594 = arith.subf %add3A_593, %add3A_590 : vector<8x2048xf32>
    %slice3A_595 = vector.extract_strided_slice %sqrt3A {offsets = [12, 0], sizes = [1, 2048], strides = [1, 1]} : vector<16x2048xf32> to vector<1x2048xf32>
    %mul3A_596 = arith.constant 2.000000e+00 : f32
    %mul3A_597 = vector.broadcast %mul3A_596 : f32 to vector<1x2048xf32>
    %mul3A_598 = arith.mulf %mul3A_597, %slice3A_595 : vector<1x2048xf32>
    %mul3A_599 = vector.broadcast %mul3A_598 : vector<1x2048xf32> to vector<8x2048xf32>
    %mul3A_600 = arith.mulf %mul3A_599, %slice3A_78 : vector<8x2048xf32>
    %mul3A_601 = vector.broadcast %get3A_19 : f32 to vector<8x2048xf32>
    %mul3A_602 = arith.mulf %mul3A_601, %mul3A_600 : vector<8x2048xf32>
    %sub3A_603 = arith.subf %sub3A_594, %mul3A_602 : vector<8x2048xf32>
    %slice3A_604 = vector.extract_strided_slice %mul3A_73 {offsets = [12, 0], sizes = [1, 2048], strides = [1, 1]} : vector<16x2048xf32> to vector<1x2048xf32>
    %mul3A_605 = vector.broadcast %slice3A_604 : vector<1x2048xf32> to vector<8x2048xf32>
    %mul3A_606 = arith.mulf %mul3A_605, %slice3A_80 : vector<8x2048xf32>
    %mul3A_607 = arith.mulf %sub3A_603, %sub3A_603 : vector<8x2048xf32>
    %mul3A_608 = arith.mulf %mul3A_606, %mul3A_607 : vector<8x2048xf32>
    %gt3A_609 = arith.constant 12 : i32
    %gt3A_610 = vector.broadcast %gt3A_609 : i32 to vector<8x1xi32>
    %gt3A_611 = arith.cmpi sgt, %slice3A_81, %gt3A_610 : vector<8x1xi32>
    %jit3A_612 = arith.constant 0.000000e+00 : f32
    %broadcast_in_dim3A_613 = vector.shape_cast %gt3A_611 : vector<8x1xi1> to vector<8x1xi1>
    %broadcast_in_dim3A_614 = vector.broadcast %broadcast_in_dim3A_613 : vector<8x1xi1> to vector<8x2048xi1>
    %broadcast_in_dim3A_615 = vector.broadcast %jit3A_612 : f32 to vector<8x2048xf32>
    %select_n3A_616 = arith.select %broadcast_in_dim3A_614, %mul3A_608, %broadcast_in_dim3A_615 : vector<8x2048xi1>, vector<8x2048xf32>
    %add3A_617 = arith.addf %add3A_576, %select_n3A_616 : vector<8x2048xf32>
    %slice3A_618 = vector.extract_strided_slice %slice3A {offsets = [13, 0], sizes = [1, 2048], strides = [1, 1]} : vector<16x2048xf32> to vector<1x2048xf32>
    %sub3A_619 = vector.broadcast %slice3A_618 : vector<1x2048xf32> to vector<8x2048xf32>
    %sub3A_620 = arith.subf %slice3A_75, %sub3A_619 : vector<8x2048xf32>
    %slice3A_621 = vector.extract_strided_slice %slice3A_20 {offsets = [13, 0], sizes = [1, 2048], strides = [1, 1]} : vector<16x2048xf32> to vector<1x2048xf32>
    %sub3A_622 = vector.broadcast %slice3A_621 : vector<1x2048xf32> to vector<8x2048xf32>
    %sub3A_623 = arith.subf %slice3A_76, %sub3A_622 : vector<8x2048xf32>
    %slice3A_624 = vector.extract_strided_slice %slice3A_21 {offsets = [13, 0], sizes = [1, 2048], strides = [1, 1]} : vector<16x2048xf32> to vector<1x2048xf32>
    %sub3A_625 = vector.broadcast %slice3A_624 : vector<1x2048xf32> to vector<8x2048xf32>
    %sub3A_626 = arith.subf %slice3A_77, %sub3A_625 : vector<8x2048xf32>
    %mul3A_627 = arith.mulf %sub3A_620, %sub3A_620 : vector<8x2048xf32>
    %mul3A_628 = arith.mulf %sub3A_623, %sub3A_623 : vector<8x2048xf32>
    %add3A_629 = arith.addf %mul3A_627, %mul3A_628 : vector<8x2048xf32>
    %mul3A_630 = arith.mulf %sub3A_626, %sub3A_626 : vector<8x2048xf32>
    %add3A_631 = arith.addf %add3A_629, %mul3A_630 : vector<8x2048xf32>
    %slice3A_632 = vector.extract_strided_slice %mul3A_65 {offsets = [13, 0], sizes = [1, 2048], strides = [1, 1]} : vector<16x2048xf32> to vector<1x2048xf32>
    %add3A_633 = vector.broadcast %slice3A_632 : vector<1x2048xf32> to vector<8x2048xf32>
    %add3A_634 = arith.addf %add3A_633, %slice3A_79 : vector<8x2048xf32>
    %sub3A_635 = arith.subf %add3A_634, %add3A_631 : vector<8x2048xf32>
    %slice3A_636 = vector.extract_strided_slice %sqrt3A {offsets = [13, 0], sizes = [1, 2048], strides = [1, 1]} : vector<16x2048xf32> to vector<1x2048xf32>
    %mul3A_637 = arith.constant 2.000000e+00 : f32
    %mul3A_638 = vector.broadcast %mul3A_637 : f32 to vector<1x2048xf32>
    %mul3A_639 = arith.mulf %mul3A_638, %slice3A_636 : vector<1x2048xf32>
    %mul3A_640 = vector.broadcast %mul3A_639 : vector<1x2048xf32> to vector<8x2048xf32>
    %mul3A_641 = arith.mulf %mul3A_640, %slice3A_78 : vector<8x2048xf32>
    %mul3A_642 = vector.broadcast %get3A_19 : f32 to vector<8x2048xf32>
    %mul3A_643 = arith.mulf %mul3A_642, %mul3A_641 : vector<8x2048xf32>
    %sub3A_644 = arith.subf %sub3A_635, %mul3A_643 : vector<8x2048xf32>
    %slice3A_645 = vector.extract_strided_slice %mul3A_73 {offsets = [13, 0], sizes = [1, 2048], strides = [1, 1]} : vector<16x2048xf32> to vector<1x2048xf32>
    %mul3A_646 = vector.broadcast %slice3A_645 : vector<1x2048xf32> to vector<8x2048xf32>
    %mul3A_647 = arith.mulf %mul3A_646, %slice3A_80 : vector<8x2048xf32>
    %mul3A_648 = arith.mulf %sub3A_644, %sub3A_644 : vector<8x2048xf32>
    %mul3A_649 = arith.mulf %mul3A_647, %mul3A_648 : vector<8x2048xf32>
    %gt3A_650 = arith.constant 13 : i32
    %gt3A_651 = vector.broadcast %gt3A_650 : i32 to vector<8x1xi32>
    %gt3A_652 = arith.cmpi sgt, %slice3A_81, %gt3A_651 : vector<8x1xi32>
    %jit3A_653 = arith.constant 0.000000e+00 : f32
    %broadcast_in_dim3A_654 = vector.shape_cast %gt3A_652 : vector<8x1xi1> to vector<8x1xi1>
    %broadcast_in_dim3A_655 = vector.broadcast %broadcast_in_dim3A_654 : vector<8x1xi1> to vector<8x2048xi1>
    %broadcast_in_dim3A_656 = vector.broadcast %jit3A_653 : f32 to vector<8x2048xf32>
    %select_n3A_657 = arith.select %broadcast_in_dim3A_655, %mul3A_649, %broadcast_in_dim3A_656 : vector<8x2048xi1>, vector<8x2048xf32>
    %add3A_658 = arith.addf %add3A_617, %select_n3A_657 : vector<8x2048xf32>
    %slice3A_659 = vector.extract_strided_slice %slice3A {offsets = [14, 0], sizes = [1, 2048], strides = [1, 1]} : vector<16x2048xf32> to vector<1x2048xf32>
    %sub3A_660 = vector.broadcast %slice3A_659 : vector<1x2048xf32> to vector<8x2048xf32>
    %sub3A_661 = arith.subf %slice3A_75, %sub3A_660 : vector<8x2048xf32>
    %slice3A_662 = vector.extract_strided_slice %slice3A_20 {offsets = [14, 0], sizes = [1, 2048], strides = [1, 1]} : vector<16x2048xf32> to vector<1x2048xf32>
    %sub3A_663 = vector.broadcast %slice3A_662 : vector<1x2048xf32> to vector<8x2048xf32>
    %sub3A_664 = arith.subf %slice3A_76, %sub3A_663 : vector<8x2048xf32>
    %slice3A_665 = vector.extract_strided_slice %slice3A_21 {offsets = [14, 0], sizes = [1, 2048], strides = [1, 1]} : vector<16x2048xf32> to vector<1x2048xf32>
    %sub3A_666 = vector.broadcast %slice3A_665 : vector<1x2048xf32> to vector<8x2048xf32>
    %sub3A_667 = arith.subf %slice3A_77, %sub3A_666 : vector<8x2048xf32>
    %mul3A_668 = arith.mulf %sub3A_661, %sub3A_661 : vector<8x2048xf32>
    %mul3A_669 = arith.mulf %sub3A_664, %sub3A_664 : vector<8x2048xf32>
    %add3A_670 = arith.addf %mul3A_668, %mul3A_669 : vector<8x2048xf32>
    %mul3A_671 = arith.mulf %sub3A_667, %sub3A_667 : vector<8x2048xf32>
    %add3A_672 = arith.addf %add3A_670, %mul3A_671 : vector<8x2048xf32>
    %slice3A_673 = vector.extract_strided_slice %mul3A_65 {offsets = [14, 0], sizes = [1, 2048], strides = [1, 1]} : vector<16x2048xf32> to vector<1x2048xf32>
    %add3A_674 = vector.broadcast %slice3A_673 : vector<1x2048xf32> to vector<8x2048xf32>
    %add3A_675 = arith.addf %add3A_674, %slice3A_79 : vector<8x2048xf32>
    %sub3A_676 = arith.subf %add3A_675, %add3A_672 : vector<8x2048xf32>
    %slice3A_677 = vector.extract_strided_slice %sqrt3A {offsets = [14, 0], sizes = [1, 2048], strides = [1, 1]} : vector<16x2048xf32> to vector<1x2048xf32>
    %mul3A_678 = arith.constant 2.000000e+00 : f32
    %mul3A_679 = vector.broadcast %mul3A_678 : f32 to vector<1x2048xf32>
    %mul3A_680 = arith.mulf %mul3A_679, %slice3A_677 : vector<1x2048xf32>
    %mul3A_681 = vector.broadcast %mul3A_680 : vector<1x2048xf32> to vector<8x2048xf32>
    %mul3A_682 = arith.mulf %mul3A_681, %slice3A_78 : vector<8x2048xf32>
    %mul3A_683 = vector.broadcast %get3A_19 : f32 to vector<8x2048xf32>
    %mul3A_684 = arith.mulf %mul3A_683, %mul3A_682 : vector<8x2048xf32>
    %sub3A_685 = arith.subf %sub3A_676, %mul3A_684 : vector<8x2048xf32>
    %slice3A_686 = vector.extract_strided_slice %mul3A_73 {offsets = [14, 0], sizes = [1, 2048], strides = [1, 1]} : vector<16x2048xf32> to vector<1x2048xf32>
    %mul3A_687 = vector.broadcast %slice3A_686 : vector<1x2048xf32> to vector<8x2048xf32>
    %mul3A_688 = arith.mulf %mul3A_687, %slice3A_80 : vector<8x2048xf32>
    %mul3A_689 = arith.mulf %sub3A_685, %sub3A_685 : vector<8x2048xf32>
    %mul3A_690 = arith.mulf %mul3A_688, %mul3A_689 : vector<8x2048xf32>
    %gt3A_691 = arith.constant 14 : i32
    %gt3A_692 = vector.broadcast %gt3A_691 : i32 to vector<8x1xi32>
    %gt3A_693 = arith.cmpi sgt, %slice3A_81, %gt3A_692 : vector<8x1xi32>
    %jit3A_694 = arith.constant 0.000000e+00 : f32
    %broadcast_in_dim3A_695 = vector.shape_cast %gt3A_693 : vector<8x1xi1> to vector<8x1xi1>
    %broadcast_in_dim3A_696 = vector.broadcast %broadcast_in_dim3A_695 : vector<8x1xi1> to vector<8x2048xi1>
    %broadcast_in_dim3A_697 = vector.broadcast %jit3A_694 : f32 to vector<8x2048xf32>
    %select_n3A_698 = arith.select %broadcast_in_dim3A_696, %mul3A_690, %broadcast_in_dim3A_697 : vector<8x2048xi1>, vector<8x2048xf32>
    %add3A_699 = arith.addf %add3A_658, %select_n3A_698 : vector<8x2048xf32>
    %reduce_sum3A = vector.shape_cast %select_n3A_56 : vector<16x2048xf32> to vector<1x16x2048xf32>
    %reduce_sum3A_700 = arith.constant dense<0.000000e+00> : vector<1xf32>
    %reduce_sum3A_701 = vector.multi_reduction <add>, %reduce_sum3A, %reduce_sum3A_700 [1, 2] : vector<1x16x2048xf32> to vector<1xf32>
    %reduce_sum3A_702 = vector.shape_cast %reduce_sum3A_701 : vector<1xf32> to vector<1x1x1xf32>
    %reduce_sum3A_703 = vector.extract %reduce_sum3A_702[0, 0, 0] : f32 from vector<1x1x1xf32>
    %mul3A_704 = arith.constant 5.000000e-01 : f32
    %mul3A_705 = arith.mulf %mul3A_704, %reduce_sum3A_703 : f32
    %reduce_sum3A_706 = vector.shape_cast %add3A_412 : vector<16x2048xf32> to vector<1x16x2048xf32>
    %reduce_sum3A_707 = arith.constant dense<0.000000e+00> : vector<1xf32>
    %reduce_sum3A_708 = vector.multi_reduction <add>, %reduce_sum3A_706, %reduce_sum3A_707 [1, 2] : vector<1x16x2048xf32> to vector<1xf32>
    %reduce_sum3A_709 = vector.shape_cast %reduce_sum3A_708 : vector<1xf32> to vector<1x1x1xf32>
    %reduce_sum3A_710 = vector.extract %reduce_sum3A_709[0, 0, 0] : f32 from vector<1x1x1xf32>
    %add3A_711 = arith.addf %mul3A_705, %reduce_sum3A_710 : f32
    %reduce_sum3A_712 = vector.shape_cast %add3A_699 : vector<8x2048xf32> to vector<1x8x2048xf32>
    %reduce_sum3A_713 = arith.constant dense<0.000000e+00> : vector<1xf32>
    %reduce_sum3A_714 = vector.multi_reduction <add>, %reduce_sum3A_712, %reduce_sum3A_713 [1, 2] : vector<1x8x2048xf32> to vector<1xf32>
    %reduce_sum3A_715 = vector.shape_cast %reduce_sum3A_714 : vector<1xf32> to vector<1x1x1xf32>
    %reduce_sum3A_716 = vector.extract %reduce_sum3A_715[0, 0, 0] : f32 from vector<1x1x1xf32>
    %add3A_717 = arith.addf %add3A_711, %reduce_sum3A_716 : f32
    %eq3A = arith.constant 0 : i32
    %eq3A_718 = arith.cmpi eq, %arg0, %eq3A : i32
    %convert_element_type3A_719 = arith.extui %eq3A_718 : i1 to i32
    %cond3A = arith.constant 0 : i32
    %cond3A_720 = arith.cmpi ne, %convert_element_type3A_719, %cond3A : i32
    scf.if %cond3A_720 {
      %swap3A_725 = arith.constant 0.000000e+00 : f32
      %swap3A_726 = arith.constant 0 : index
      %swap3A_727 = memref.load %arg3[%swap3A_726] : memref<1xf32, #tpu.memory_space<smem>>
      memref.store %swap3A_725, %arg3[%swap3A_726] : memref<1xf32, #tpu.memory_space<smem>>
    } else {
    }
    %get3A_721 = arith.constant 0 : index
    %get3A_722 = memref.load %arg3[%get3A_721] : memref<1xf32, #tpu.memory_space<smem>>
    %add3A_723 = arith.addf %get3A_722, %add3A_717 : f32
    %swap3A = arith.constant 0 : index
    %swap3A_724 = memref.load %arg3[%swap3A] : memref<1xf32, #tpu.memory_space<smem>>
    memref.store %add3A_723, %arg3[%swap3A] : memref<1xf32, #tpu.memory_space<smem>>
    return
  }
  func.func @transform_0(%arg0: i32) -> (i32, i32) {
    %c0_i32 = arith.constant 0 : i32
    %c0_i32_0 = arith.constant 0 : i32
    return %c0_i32, %arg0 : i32, i32
  }
  func.func @transform_1(%arg0: i32) -> i32 {
    %c0_i32 = arith.constant 0 : i32
    %c0_i32_0 = arith.constant 0 : i32
    return %c0_i32 : i32
  }
  func.func @transform_2(%arg0: i32) -> i32 {
    %c0_i32 = arith.constant 0 : i32
    %c0_i32_0 = arith.constant 0 : i32
    return %c0_i32 : i32
  }
}

</mosaic_0001>

<sc_bundles>
// kernel: kernel.4.cloned.1.call-start
scs
__scs_entry_jumppad:
0x0: {  	(pc) =	sbr.rel $0x88, $3  }
0x1: {  	(tag) =	ssettag $0x0;
	lr =	simm.s32 $0x1  }
0x2: {  	[smem:$0x3F94] =	sst lr;
	_ =	strace $0xD0000000  }
0x3: {  	_ = 	snop  }
0x4: {  	_ = 	snop  }
0x5: {  	_ = 	snop  }
0x6: {  	_ = 	snop  }
0x7: {  	_ = 	snop  }
__scs_overlays_trampoline_lowered:
0x8: {  	[smem:$0x3FA3] =	sst s0  }
0x9: {  	[smem:$0x3FA4] =	sst s1  }
0xa: {  	[smem:$0x3FA5] =	sst s2  }
0xb: {  	[smem:$0x3FA6] =	sst s3  }
0xc: {  	[smem:$0x3FA7] =	sst s4  }
0xd: {  	[smem:$0x3FA8] =	sst s5  }
0xe: {  	[smem:$0x3FA9] =	sst s6  }
0xf: {  	[smem:$0x3FAA] =	sst s7  }
0x10: {  	[smem:$0x3FAB] =	sst s8  }
0x11: {  	[smem:$0x3FAC] =	sst s9;
	s0 =	simm.s32 @!p0 $0x0  }
0x12: {  	s1 =	sld [smem:$0x3F92];
	s0 =	simm.s32 @p0 $0x1  }
0x13: {  	[smem:$0x3FAD] =	sst s0;
	s0 =	simm.s32 @!p1 $0x0  }
0x14: {  	s2 =	sld [smem:$0x3F91];
	s0 =	simm.s32 @p1 $0x1  }
0x15: {  	[smem:$0x3FAE] =	sst s0;
	s0 =	simm.s32 @!p2 $0x0  }
0x16: {  	s3 =	sld [smem:$0x3FDB];
	s0 =	simm.s32 @p2 $0x1  }
0x17: {  	s4 =	simm.s32 $0x1BF5;
	[smem:$0x3FB0] =	sst s0  }
0x18: {  	s0 =	sld [smem:$0x3F93];
	_ =	swait.ge [sflag:s4], $0x0  }
0x19: {  	s7 =	sld [smem:$0x3F94]  }
0x1a: {  	s8 =	sadd.s32 $0xFFFFE003, lr  }
0x1b: {  	s9 =	sadd.s32 $0xFFFFFEF7, lr;
	s5 =	simm.s32 $0xFFFFFFFF;
	p2 =	slt.u32 s8, $0xFFFFF086  }
0x1c: {  	p1 =	slt.u32 s9, $0xF7A;
	s5 =	simm.s32 @!p2 $0x0  }
0x1d: {  	s5 =	simm.s32 @p1 $0x1;
	p0 =	seq.s32 s7, s2  }
0x1e: {  	s7 =	smul.u32 @!p0 $0xF7A, s2;
	p2 =	seq.s32 @!p0 s5, $0x0  }
0x1f: {  	s9 =	smul.u32 $0xF7A, s1;
	s8 =	simm.s32 @!p0 $0x1BF5;
	p2 =	por !p2, p0  }
0x20: {  	[sflag:s8] =	ssyncset.s32 @!p0 $0xFFFFF086;
	s6 =	sadd.s32 @!p0 s3, s7;
	s7 =	simm.s32 @!p0 $0x108  }
0x21: {  	s3 =	sadd.s32 s3, s9;
	s6 =	sadd.s32 @!p0 $0x88, s6;
	s7 =	simm.s32 @p2 $0x1082  }
0x22: {  	[simem:s7], [sflag:s8] =	dma.local @!p0 [hbm:s6], $0xF7A  }
0x23: {  	s9 =	sor.u32 $0xD0000000, s2;
	s6 =	simm.s32 $0x108;
	_ =	swait.ge @!p0 [sflag:s8], $0x0  }
0x24: {  	s3 =	sadd.s32 $0x88, s3;
	s6 =	simm.s32 @!p1 $0x1082;
	[sflag:s4] =	ssyncset.s32 $0xFFFFF086  }
0x25: {  	[simem:s6], [sflag:s4] =	dma.local [hbm:s3], $0xF7A  }
0x26: {  	[smem:$0x3F94] =	sst s1;
	(tag) =	ssettag s2;
	_ =	strace s9  }
0x27: {  	s1 =	sld [smem:$0x3FA4]  }
0x28: {  	s2 =	sld [smem:$0x3FA5]  }
0x29: {  	s4 =	sld [smem:$0x3FA7]  }
0x2a: {  	p0 =	seq.s32 s5, $0x0;
	s5 =	sld [smem:$0x3FA8]  }
0x2b: {  	s6 =	sld [smem:$0x3FA9]  }
0x2c: {  	s7 =	sld [smem:$0x3FAA]  }
0x2d: {  	s3 =	simm.s32 $0x108;
	s8 =	sld [smem:$0x3FAB]  }
0x2e: {  	s3 =	simm.s32 @!p0 $0x1082;
	s9 =	sld [smem:$0x3FAC]  }
0x2f: {  	lr =	sadd.s32 s0, s3;
	s0 =	sld [smem:$0x3FA3]  }
0x30: {  	s3 =	sld [smem:$0x3FA6]  }
0x31: {  	[smem:$0x3FAF] =	sst s10  }
0x32: {  	s10 =	sld [smem:$0x3FAD];
	_ =	sdelay $0x3  }
0x33: {  	p0 =	seq.s32 s10, $0x1;
	s10 =	sld [smem:$0x3FAF];
	_ =	sdelay $0x3  }
0x34: {  	[smem:$0x3FAF] =	sst s10  }
0x35: {  	s10 =	sld [smem:$0x3FAE];
	_ =	sdelay $0x3  }
0x36: {  	p1 =	seq.s32 s10, $0x1;
	s10 =	sld [smem:$0x3FAF];
	_ =	sdelay $0x3  }
0x37: {  	[smem:$0x3FAF] =	sst s10  }
0x38: {  	s10 =	sld [smem:$0x3FB0]  }
0x39: {  	_ = 	snop;
	(pc) =	sbr.ind lr, $3  }
0x3a: {  	_ = 	snop  }
0x3b: {  	_ = 	snop  }
0x3c: {  	p2 =	seq.s32 s10, $0x1;
	s10 =	sld [smem:$0x3FAF]  }
0x3d: {  	_ =	shalt  }
0x3e: {  	_ =	shalt  }
0x3f: {  	_ =	shalt  }
0x40: {  	_ =	shalt  }
0x41: {  	_ =	shalt  }
0x42: {  	_ =	shalt  }
0x43: {  	_ =	shalt  }
0x44: {  	_ =	shalt  }
0x45: {  	_ =	shalt  }
0x46: {  	_ =	shalt  }
0x47: {  	_ =	shalt  }
0x48: {  	_ =	shalt  }
0x49: {  	_ =	shalt  }
0x4a: {  	_ =	shalt  }
0x4b: {  	_ =	shalt  }
0x4c: {  	_ =	shalt  }
0x4d: {  	_ =	shalt  }
0x4e: {  	_ =	shalt  }
0x4f: {  	_ =	shalt  }
0x50: {  	_ =	shalt  }
0x51: {  	_ =	shalt  }
0x52: {  	_ =	shalt  }
0x53: {  	_ =	shalt  }
0x54: {  	_ =	shalt  }
0x55: {  	_ =	shalt  }
0x56: {  	_ =	shalt  }
0x57: {  	_ =	shalt  }
0x58: {  	_ =	shalt  }
0x59: {  	_ =	shalt  }
0x5a: {  	_ =	shalt  }
0x5b: {  	_ =	shalt  }
0x5c: {  	_ =	shalt  }
0x5d: {  	_ =	shalt  }
0x5e: {  	_ =	shalt  }
0x5f: {  	_ =	shalt  }
0x60: {  	_ =	shalt  }
0x61: {  	_ =	shalt  }
0x62: {  	_ =	shalt  }
0x63: {  	_ =	shalt  }
0x64: {  	_ =	shalt  }
0x65: {  	_ =	shalt  }
0x66: {  	_ =	shalt  }
0x67: {  	_ =	shalt  }
0x68: {  	_ =	shalt  }
0x69: {  	_ =	shalt  }
0x6a: {  	_ =	shalt  }
0x6b: {  	_ =	shalt  }
0x6c: {  	_ =	shalt  }
0x6d: {  	_ =	shalt  }
0x6e: {  	_ =	shalt  }
0x6f: {  	_ =	shalt  }
0x70: {  	_ =	shalt  }
0x71: {  	_ =	shalt  }
0x72: {  	_ =	shalt  }
0x73: {  	_ =	shalt  }
0x74: {  	_ =	shalt  }
0x75: {  	_ =	shalt  }
0x76: {  	_ =	shalt  }
0x77: {  	_ =	shalt  }
0x78: {  	_ =	shalt  }
0x79: {  	_ =	shalt  }
0x7a: {  	_ =	shalt  }
0x7b: {  	_ =	shalt  }
0x7c: {  	_ =	shalt  }
0x7d: {  	_ =	shalt  }
0x7e: {  	_ =	shalt  }
0x7f: {  	_ =	shalt  }
0x80: {  	_ =	shalt  }
0x81: {  	_ =	shalt  }
0x82: {  	_ =	shalt  }
0x83: {  	_ =	shalt  }
0x84: {  	_ =	shalt  }
0x85: {  	_ =	shalt  }
0x86: {  	_ =	shalt  }
0x87: {  	_ =	shalt  }
.Lfunc_end0:
.L_simem_size_0:
called_computation_lowered:
.L_overlay_start_0:
0x88: {  	s2 =	sld [smem:$0x3FD9]  }
0x89: {  	s3 =	sld [smem:$0x3FFE];
	_ =	sdelay $0x1  }
0x8a: {  	s1 =	srdreg.scid  }
0x8b: {  	s0 =	sand.u32 $0x1, s1  }
0x8c: {  	s17 =	sshll.u32 s0, $0xA;
	s2 =	sadd.s32 s3, s2  }
0x8d: {  	s2 =	sadd.s32 s2, s17  }
0x8e: {  	[smem:$0x3FBB] =	sst s2  }
0x8f: {  	_ = 	snop  }
0x90: {  	s2 =	sld [smem:$0x3FC8]  }
0x91: {  	s18 =	sld [smem:$0x3FC6];
	(tm) =	ssettm $0x1  }
0x92: {  	s4 =	sld [smem:$0x3FFB];
	_ =	sdelay $0x3  }
0x93: {  	_ =	strace s4  }
0x94: {  	s4 =	sld [smem:$0x3FFC];
	_ =	sdelay $0x3  }
0x95: {  	_ =	strace s4  }
0x96: {  	s4 =	sld [smem:$0x3FFD];
	_ =	sdelay $0x3  }
0x97: {  	_ =	strace s4  }
0x98: {  	_ =	strace $0x8FFFFFFF  }
0x99: {  	s19 =	sld [smem:$0x3FDB];
	_ =	sdelay $0x1  }
0x9a: {  	s5 =	simm.s32 $_scs_section_size  }
0x9b: {  	s6 =	simm.s32 $_size__tile_overlayer_lowered;
	s7 =	simm.s32 $_tile_overlayer_lowered  }
0x9c: {  	s22 =	simm.s32 $0x1BFF;
	s21 =	sshll.u32 s7, $0x1;
	s4 =	sadd.s32 s5, s19  }
0x9d: {  	s8 =	simm.s32 $0x0;
	s20 =	sshll.u32 s6, $0x1;
	s6 =	sadd.s32 s21, s4  }
0x9e: {  	[timem:s8], [sflag:s22] =	dma.local [hbm:s6], s20  }
0x9f: {  	_ =	swait.ge [sflag:s22], s20  }
0xa0: {  	s5 =	ssub.s32 $0x0, s20;
	[sflag:s22] =	ssyncset.done $0x0  }
0xa1: {  	[sflag:s22] =	ssyncadd.s32 s5;
	_ =	sdelay $0x1  }
0xa2: {  	s23 =	simm.s32 $0x1B8B  }
0xa3: {  	_ =	swait.ge [sflag:s23], $0x1  }
0xa4: {  	[sflag:s23] =	ssyncset.done $0x0  }
0xa5: {  	s25 =	simm.s32 $0x1B8E;
	s24 =	sld [smem:$0x3FFE];
	[sflag:s23] =	ssyncadd.s32 $0xFFFFFFFF  }
0xa6: {  	s26 =	simm.s32 $execute0_lowered;
	[smem:$0x3FD2] =	sst s25  }
0xa7: {  	s6 =	sshll.u32 s26, $0x1;
	_ =	strace $0x80000046;
	[dreg:$0x1] =	wrdreg $0xFFFFFFFF  }
0xa8: {  	s28 =	simm.s32 $_size_execute0_lowered;
	s4 =	sadd.s32 s4, s6;
	[dreg:$0x0] =	wrdreg $0x0  }
0xa9: {  	s6 =	sshll.u32 s28, $0x1;
	[dreg:$0x2] =	wrdreg s4  }
0xaa: {  	[dreg:$0x3] =	wrdreg s6  }
0xab: {  	[dreg:$0x4] =	wrdreg $0xC0  }
0xac: {  	_ =	task [dreg:s8], $0x5FFFF  }
0xad: {  	[dreg:$0x1] =	wrdreg $0xFFFFFFFF  }
0xae: {  	[dreg:$0x0] =	wrdreg $0x60  }
0xaf: {  	[dreg:$0x2] =	wrdreg s2  }
0xb0: {  	[dreg:$0x3] =	wrdreg s18  }
0xb1: {  	[dreg:$0x4] =	wrdreg s24  }
0xb2: {  	[dreg:$0x5] =	wrdreg $0x9  }
0xb3: {  	_ =	task.clear_ibuf [dreg:s8], $0x6FFFF;
	_ =	strace $0x90000046  }
0xb4: {  	s29 =	simm.s32 $0x9;
	_ =	strace $0x80000048  }
0xb5: {  	_ =	swait.ge [sflag:s29], $0x1  }
0xb6: {  	[sflag:s29] =	ssyncadd.s32 $0xFFFFFFFF  }
0xb7: {  	_ =	strace $0x90000048  }
0xb8: {  	_ =	sfence  }
0xb9: {  	s30 =	sld [smem:$0x0];
	_ =	sdelay $0x2  }
0xba: {  	s31 =	sshll.u32 s1, $0xD;
	s1 =	sshrl.u32 s1, $0x2  }
0xbb: {  	s3 =	sand.u32 $0x4000, s31;
	s1 =	sadd.s32 s1, s30  }
0xbc: {  	s0 =	sor.u32 s3, s0;
	s1 =	sshll.u32 s1, $0x11  }
0xbd: {  	s0 =	sor.u32 s1, s0  }
0xbe: {  	s0 =	sadd.s32 $0x8F2B, s0  }
0xbf: {  	[sflag:s0] =	ssyncadd.remote.s32 $0x1  }
0xc0: {  	_ =	sfence.sel $0xFFFF  }
0xc1: {  	[dreg:$0x0] =	wrdreg $0xFFFFFFFF;
	(pc) =	sbr.abs _section_cstart, $3  }
0xc2: {  	[dreg:$0x1] =	wrdreg $0xFFFFFFFF  }
0xc3: {  	_ =	task.clear_ibuf [dreg:s8], $0x2FFFF;
	_ =	strace $0x9FFFFFFF  }
0xc4: {  	(tm) =	ssettm $0x7FFFFFFF  }
0xc5: {  	_ =	shalt  }
tec
execute0_lowered:
.L_overlay_start_1:
0x0: {  	(tag) =	ssettag $0x1  }
0x1: {  	s1 =	rddreg [dreg:$0x0]  }
0x2: {  	s3 =	rddreg [dreg:$0x1]  }
0x3: {  	s6 =	rddreg [dreg:$0x2];
	s4 =	srdreg.scid  }
0x4: {  	s0 =	rddreg [dreg:$0x3];
	s2 =	stileid.u32;
	s12 =	simm.s32 $0xE200  }
0x5: {  	s13 =	simm.s32 $0x1;
	s14 =	simm.s32 $0xC000;
	s15 =	simm.s32 $0x1000  }
0x6: {  	s16 =	simm.s32 $0x20000;
	s17 =	simm.s32 $0xE400;
	s18 =	simm.s32 $0x0  }
0x7: {  	s7 =	sand.u32 $0x1, s4;
	s4 =	simm.s32 $0x0;
	s5 =	sshll.u32 s2, $0xA  }
0x8: {  	s8 =	sshll.u32 s7, $0x9;
	[smem:$0x7FF] =	sst s4;
	s7 =	ssub.s32 $0x2, s7  }
0x9: {  	v0 =	vlaneseq.u32;
	s5 =	sor.u32 s8, s5;
	_ =	strace $0x80000047;
	s31 =	sshrl.u32 s7, $0x1  }
0xa: {  	v0 =	vmul.u32 $0x3, v0;
	s9 =	sshrl.u32 s5, $0x3;
	s10 =	sadd.s32 s5, s6;
	s11 =	ssub.s32 s7, s31  }
0xb: {  	s6 =	sadd.s32 s6, s9;
	s8 =	sadd.s32 $0x1000, s10;
	s9 =	smax.u32 s11, $0x1  }
0xc: {  	v1 =	vadd.s32 $0x1, v0;
	v2 =	vadd.s32 $0x2, v0;
	s10 =	simm.s32 $0xE000;
	s11 =	simm.s32 $0x2;
	s7 =	sadd.s32 $0x800, s6  }
.LBB2_1:
0xd: {  	[tilespmem:s4], [sflag:$0x1] =	stream.linear.gather [hbm4b:s1+s4], $0xC000, $0x38;
	[tilespmem:$0x15400] =	vst v63  }
0xe: {  	_ = 	snop  }
0xf: {  	[tilespmem:s10], [sflag:$0x2] =	stream.linear.gather [hbm4b:s7+s4], $0x200, $0x38;
	[tilespmem:$0x15400] =	vst v63  }
0x10: {  	_ =	swait.ge [sflag:s11], $0x200  }
0x11: {  	[sflag:s11] =	ssyncset.done $0x0  }
0x12: {  	[sflag:s11] =	ssyncadd.s32 $0xFFFFFE00  }
0x13: {  	[tilespmem:s12], [sflag:$0x2] =	stream.linear.gather [hbm4b:s6+s4], $0x200, $0x38;
	[tilespmem:$0x15400] =	vst v63  }
0x14: {  	_ =	swait.ge [sflag:s11], $0x200  }
0x15: {  	[sflag:s11] =	ssyncset.done $0x0  }
0x16: {  	[sflag:s11] =	ssyncadd.s32 $0xFFFFFE00  }
0x17: {  	v3 =	vld [tilespmem:$0xE000];
	_ =	sdelay $0x4  }
0x18: {  	(v2sf) =	vpush v3, $0x0;
	_ =	sdelay $0xe  }
0x19: {  	s19 =	spop (v2sf)  }
0x1a: {  	s20 =	sand.u32 $0x7, s19  }
0x1b: {  	s30 =	sshra.s32 s19, $0x1F;
	p1 =	slt.s32 s19, $0x1;
	p0 =	sne.s32 s20, $0x0  }
0x1c: {  	s20 =	sshrl.u32 s30, $0x1D;
	p0 =	por !p1, !p0  }
0x1d: {  	s19 =	sadd.s32 s20, s19;
	s20 =	simm.s32 $0x1;
	p0 =	por !p0, !p0  }
0x1e: {  	s19 =	sshrl.u32 s19, $0x3;
	s20 =	simm.s32 @!p0 $0x0  }
0x1f: {  	s19 =	ssub.s32 s19, s20  }
0x20: {  	s19 =	sshll.u32 s19, $0x3  }
0x21: {  	p0 =	slt.s32 s19, $0x3E000  }
0x22: {  	s19 =	simm.s32 @!p0 $0x3E000  }
0x23: {  	s31 =	sshrl.u32 s19, $0x3  }
0x24: {  	s20 =	sadd.s32 s3, s31  }
0x25: {  	[tilespmem:s14], [sflag:$0x2] =	stream.linear.gather [hbm4b:s20+s4], $0x2000, $0x38;
	[tilespmem:$0x15400] =	vst v63  }
0x26: {  	_ =	swait.ge [sflag:s11], $0x2000  }
0x27: {  	[sflag:s11] =	ssyncset.done $0x0  }
0x28: {  	[sflag:s11] =	ssyncadd.s32 $0xFFFFE000  }
0x29: {  	_ =	swait.ge [sflag:s13], $0xC000  }
0x2a: {  	[sflag:s13] =	ssyncset.done $0x0  }
0x2b: {  	v3 =	vmov s19;
	s19 =	simm.s32 $0x0;
	[sflag:s13] =	ssyncadd.s32 $0xFFFF4000  }
.LBB2_2:
0x2c: {  	s21 =	sshll.u32 s19, $0x4  }
0x2d: {  	s22 =	sor.u32 s5, s21  }
0x2e: {  	v4 =	vmov s22  }
0x2f: {  	s20 =	sor.u32 $0x10, s22;
	v4 =	vmul.u32 $0x3, v4  }
0x30: {  	v5 =	vmov s20  }
0x31: {  	v5 =	vmul.u32 $0x3, v5;
	v4 =	vbroadcast v4, $0x0  }
0x32: {  	s25 =	sor.u32 $0x20, s22  }
0x33: {  	v6 =	vmov s25;
	v5 =	vbroadcast v5, $0x0;
	v7 =	vor.u32 v0, v4  }
0x34: {  	v6 =	vmul.u32 $0x3, v6  }
0x35: {  	v8 =	vadd.s32 v0, v5  }
0x36: {  	v6 =	vbroadcast v6, $0x0;
	_ =	sdelay $0x1  }
0x37: {  	v9 =	vadd.s32 v0, v6;
	v7 =	vld.idx.msk [tilespmem:v7+s4+$0x0], $0xffff  }
0x38: {  	v10 =	vor.u32 v1, v4  }
0x39: {  	v8 =	vld.idx.msk [tilespmem:v8+s4+$0x0], $0xffff  }
0x3a: {  	s26 =	sshll.u32 s19, $0x7;
	v11 =	vadd.s32 v1, v5  }
0x3b: {  	s20 =	sand.u32 $0x3FFFFF80, s26  }
0x3c: {  	v9 =	vld.idx.msk [tilespmem:v9+s4+$0x0], $0xffff;
	[tilespmem:s20+$0x14400] =	vst v7  }
0x3d: {  	v60 =	vadd.s32 v1, v6;
	v10 =	vld.idx.msk [tilespmem:v10+s4+$0x0], $0xffff  }
0x3e: {  	v4 =	vor.u32 v2, v4;
	[tilespmem:s20+$0x14410] =	vst v8  }
0x3f: {  	v8 =	vld.idx.msk [tilespmem:v11+s4+$0x0], $0xffff  }
0x40: {  	v5 =	vadd.s32 v2, v5  }
0x41: {  	[tilespmem:s20+$0x14420] =	vst v9  }
0x42: {  	v7 =	vld.idx.msk [tilespmem:v60+s4+$0x0], $0xffff;
	[tilespmem:s20+$0x14480] =	vst v10  }
0x43: {  	v6 =	vadd.s32 v2, v6;
	v4 =	vld.idx.msk [tilespmem:v4+s4+$0x0], $0xffff  }
0x44: {  	[tilespmem:s20+$0x14490] =	vst v8  }
0x45: {  	v5 =	vld.idx.msk [tilespmem:v5+s4+$0x0], $0xffff;
	_ =	sdelay $0x1  }
0x46: {  	[tilespmem:s20+$0x144A0] =	vst v7  }
0x47: {  	v6 =	vld.idx.msk [tilespmem:v6+s4+$0x0], $0xffff;
	[tilespmem:s20+$0x14500] =	vst v4  }
0x48: {  	v4 =	vld [tilespmem:s21+$0xE200]  }
0x49: {  	[tilespmem:s20+$0x14510] =	vst v5  }
0x4a: {  	v5 =	vld [tilespmem:s21+$0xE210];
	_ =	sdelay $0x1  }
0x4b: {  	[tilespmem:s20+$0x14520] =	vst v6  }
0x4c: {  	v6 =	vld [tilespmem:s21+$0xE220];
	v4 =	vcvt.s32.f32 v4;
	_ =	sdelay $0x1  }
0x4d: {  	v5 =	vcvt.s32.f32 v5;
	[tilespmem:s20+$0x14580] =	vst v4  }
0x4e: {  	v4 =	vld [tilespmem:s21+$0xE000]  }
0x4f: {  	[tilespmem:s20+$0x14590] =	vst v5  }
0x50: {  	v6 =	vcvt.s32.f32 v6;
	v5 =	vld [tilespmem:s21+$0xE010];
	_ =	sdelay $0x1  }
0x51: {  	[tilespmem:s20+$0x145A0] =	vst v6  }
0x52: {  	v7 =	vld [tilespmem:s21+$0xE020];
	v4 =	vsub.s32 v4, v3  }
0x53: {  	vm0 =	vgt.s32 v4, $0x0  }
0x54: {  	v5 =	vsub.s32 v5, v3;
	v4 =	vnsel vm0, $0x0, v4  }
0x55: {  	vm9 =	vgt.s32 v5, $0x0;
	v6 =	vmin.u32 v4, $0x1FF0  }
0x56: {  	v4 =	vnsel vm9, $0x0, v5  }
0x57: {  	v5 =	vmin.u32 v4, $0x1FF0;
	v4 =	vsub.s32 v7, v3  }
0x58: {  	vm10 =	vgt.s32 v4, $0x0  }
0x59: {  	v4 =	vnsel vm10, $0x0, v4  }
0x5a: {  	v7 =	vmin.u32 v4, $0x1FF0;
	v4 =	vld.idx.msk [tilespmem:v6+s14+$0x0], $0xffff;
	_ =	sdelay $0x2  }
0x5b: {  	v8 =	vld.idx.msk [tilespmem:v5+s14+$0x0], $0xffff;
	_ =	sdelay $0x1  }
0x5c: {  	v9 =	vld.idx.msk [tilespmem:v7+s14+$0x0], $0xffff;
	v4 =	vmul.u32 $0x3, v4;
	_ =	sdelay $0x2  }
0x5d: {  	v8 =	vmul.u32 $0x3, v8;
	_ =	sdelay $0x1  }
0x5e: {  	v9 =	vmul.u32 $0x3, v9  }
0x5f: {  	v10 =	vld.idx.msk [tilespmem:v4+s4+$0x0], $0xffff  }
0x60: {  	v61 =	vadd.s32 $0x1, v4;
	_ =	sdelay $0x1  }
0x61: {  	v12 =	vld.idx.msk [tilespmem:v8+s4+$0x0], $0xffff  }
0x62: {  	v13 =	vadd.s32 $0x1, v8  }
0x63: {  	v14 =	vld.idx.msk [tilespmem:v9+s4+$0x0], $0xffff;
	[tilespmem:s20+$0xE400] =	vst v10  }
0x64: {  	v62 =	vadd.s32 $0x1, v9;
	v11 =	vld.idx.msk [tilespmem:v61+s4+$0x0], $0xffff  }
0x65: {  	v4 =	vadd.s32 $0x2, v4  }
0x66: {  	s23 =	sor.u32 $0x30, s22;
	[tilespmem:s20+$0xE410] =	vst v12  }
0x67: {  	v63 =	vmov s23;
	v12 =	vld.idx.msk [tilespmem:v13+s4+$0x0], $0xffff  }
0x68: {  	v16 =	vmul.u32 $0x3, v63;
	v8 =	vadd.s32 $0x2, v8;
	[tilespmem:s20+$0xE420] =	vst v14  }
0x69: {  	v10 =	vld.idx.msk [tilespmem:v62+s4+$0x0], $0xffff;
	[tilespmem:s20+$0x10400] =	vst v11  }
0x6a: {  	v9 =	vadd.s32 $0x2, v9;
	v11 =	vbroadcast v16, $0x0;
	v4 =	vld.idx.msk [tilespmem:v4+s4+$0x0], $0xffff  }
0x6b: {  	v17 =	vadd.s32 $0x1, v6  }
0x6c: {  	[tilespmem:s20+$0x10410] =	vst v12;
	v19 =	vadd.s32 v0, v11  }
0x6d: {  	v8 =	vld.idx.msk [tilespmem:v8+s4+$0x0], $0xffff  }
0x6e: {  	v18 =	vadd.s32 $0x1, v5;
	[tilespmem:s20+$0x10420] =	vst v10  }
0x6f: {  	v9 =	vld.idx.msk [tilespmem:v9+s4+$0x0], $0xffff;
	[tilespmem:s20+$0x12400] =	vst v4  }
0x70: {  	v4 =	vadd.s32 $0x1, v7;
	v12 =	vld.idx.msk [tilespmem:v17+s14+$0x0], $0xffff  }
0x71: {  	v10 =	vld.idx.msk [tilespmem:v19+s4+$0x0], $0xffff  }
0x72: {  	v20 =	vadd.s32 v1, v11;
	[tilespmem:s20+$0x12410] =	vst v8  }
0x73: {  	v8 =	vld.idx.msk [tilespmem:v18+s14+$0x0], $0xffff  }
0x74: {  	[tilespmem:s20+$0x12420] =	vst v9  }
0x75: {  	v4 =	vld.idx.msk [tilespmem:v4+s14+$0x0], $0xffff  }
0x76: {  	v12 =	vmul.u32 $0x3, v12;
	[tilespmem:s20+$0x14430] =	vst v10  }
0x77: {  	v9 =	vld.idx.msk [tilespmem:v20+s4+$0x0], $0xffff  }
0x78: {  	v21 =	vadd.s32 v2, v11;
	v8 =	vmul.u32 $0x3, v8;
	_ =	sdelay $0x1  }
0x79: {  	v4 =	vmul.u32 $0x3, v4;
	_ =	sdelay $0x1  }
0x7a: {  	v22 =	vld.idx.msk [tilespmem:v12+s4+$0x0], $0xffff;
	[tilespmem:s20+$0x144B0] =	vst v9  }
0x7b: {  	v23 =	vadd.s32 $0x1, v12;
	v10 =	vld.idx.msk [tilespmem:v21+s4+$0x0], $0xffff  }
0x7c: {  	v24 =	vld.idx.msk [tilespmem:v8+s4+$0x0], $0xffff  }
0x7d: {  	v25 =	vadd.s32 $0x1, v8  }
0x7e: {  	v15 =	vld.idx.msk [tilespmem:v4+s4+$0x0], $0xffff  }
0x7f: {  	v16 =	vadd.s32 $0x1, v4;
	[tilespmem:s20+$0xE480] =	vst v22  }
0x80: {  	v11 =	vld.idx.msk [tilespmem:v23+s4+$0x0], $0xffff;
	[tilespmem:s20+$0x14530] =	vst v10  }
0x81: {  	[tilespmem:s20+$0xE490] =	vst v24;
	v27 =	vld [tilespmem:s21+$0xE230]  }
0x82: {  	v26 =	vadd.s32 $0x2, v12;
	v9 =	vld.idx.msk [tilespmem:v25+s4+$0x0], $0xffff  }
0x83: {  	v8 =	vadd.s32 $0x2, v8;
	[tilespmem:s20+$0xE4A0] =	vst v15  }
0x84: {  	v28 =	vld.idx.msk [tilespmem:v16+s4+$0x0], $0xffff  }
0x85: {  	v4 =	vadd.s32 $0x2, v4  }
0x86: {  	[tilespmem:s20+$0x10480] =	vst v11;
	v29 =	vcvt.s32.f32 v27  }
0x87: {  	v10 =	vld.idx.msk [tilespmem:v26+s4+$0x0], $0xffff;
	[tilespmem:s20+$0x10490] =	vst v9  }
0x88: {  	v8 =	vld.idx.msk [tilespmem:v8+s4+$0x0], $0xffff;
	[tilespmem:s20+$0x145B0] =	vst v29  }
0x89: {  	v30 =	vadd.s32 $0x2, v6;
	[tilespmem:s20+$0x104A0] =	vst v28;
	v32 =	vld [tilespmem:s21+$0xE030]  }
0x8a: {  	v31 =	vadd.s32 $0x2, v5;
	v4 =	vld.idx.msk [tilespmem:v4+s4+$0x0], $0xffff  }
0x8b: {  	v33 =	vadd.s32 $0x2, v7;
	_ =	sdelay $0x1  }
0x8c: {  	[tilespmem:s20+$0x12480] =	vst v10  }
0x8d: {  	v10 =	vld.idx.msk [tilespmem:v30+s14+$0x0], $0xffff;
	[tilespmem:s20+$0x12490] =	vst v8  }
0x8e: {  	v8 =	vld.idx.msk [tilespmem:v31+s14+$0x0], $0xffff;
	[tilespmem:s20+$0x124A0] =	vst v4;
	v4 =	vsub.s32 v32, v3  }
0x8f: {  	v34 =	vld.idx.msk [tilespmem:v33+s14+$0x0], $0xffff;
	vm11 =	vgt.s32 v4, $0x0  }
0x90: {  	v4 =	vnsel vm11, $0x0, v4  }
0x91: {  	v4 =	vmin.u32 v4, $0x1FF0  }
0x92: {  	v10 =	vmul.u32 $0x3, v10  }
0x93: {  	v8 =	vmul.u32 $0x3, v8  }
0x94: {  	v9 =	vmul.u32 $0x3, v34;
	_ =	sdelay $0x1  }
0x95: {  	v35 =	vld.idx.msk [tilespmem:v4+s14+$0x0], $0xffff;
	_ =	sdelay $0x1  }
0x96: {  	v36 =	vld.idx.msk [tilespmem:v10+s4+$0x0], $0xffff  }
0x97: {  	v37 =	vadd.s32 $0x1, v10;
	v14 =	vld.idx.msk [tilespmem:v8+s4+$0x0], $0xffff  }
0x98: {  	v38 =	vadd.s32 $0x1, v8;
	v39 =	vld.idx.msk [tilespmem:v9+s4+$0x0], $0xffff  }
0x99: {  	v17 =	vadd.s32 $0x1, v9;
	v11 =	vmul.u32 $0x3, v35;
	_ =	sdelay $0x1  }
0x9a: {  	[tilespmem:s20+$0xE500] =	vst v36  }
0x9b: {  	v12 =	vld.idx.msk [tilespmem:v37+s4+$0x0], $0xffff;
	[tilespmem:s20+$0xE510] =	vst v14  }
0x9c: {  	v10 =	vadd.s32 $0x2, v10;
	v40 =	vld.idx.msk [tilespmem:v38+s4+$0x0], $0xffff;
	[tilespmem:s20+$0xE520] =	vst v39  }
0x9d: {  	v8 =	vadd.s32 $0x2, v8;
	v41 =	vld.idx.msk [tilespmem:v17+s4+$0x0], $0xffff  }
0x9e: {  	v9 =	vadd.s32 $0x2, v9;
	v42 =	vld.idx.msk [tilespmem:v11+s4+$0x0], $0xffff  }
0x9f: {  	v43 =	vadd.s32 $0x1, v11  }
0xa0: {  	[tilespmem:s20+$0x10500] =	vst v12  }
0xa1: {  	v10 =	vld.idx.msk [tilespmem:v10+s4+$0x0], $0xffff;
	[tilespmem:s20+$0x10510] =	vst v40  }
0xa2: {  	v44 =	vadd.s32 $0x3, v6;
	v8 =	vld.idx.msk [tilespmem:v8+s4+$0x0], $0xffff;
	[tilespmem:s20+$0x10520] =	vst v41  }
0xa3: {  	v45 =	vadd.s32 $0x3, v5;
	v9 =	vld.idx.msk [tilespmem:v9+s4+$0x0], $0xffff;
	[tilespmem:s20+$0xE430] =	vst v42  }
0xa4: {  	v46 =	vadd.s32 $0x3, v7;
	v15 =	vld.idx.msk [tilespmem:v43+s4+$0x0], $0xffff  }
0xa5: {  	v11 =	vadd.s32 $0x2, v11  }
0xa6: {  	[tilespmem:s20+$0x12500] =	vst v10  }
0xa7: {  	v10 =	vld.idx.msk [tilespmem:v44+s14+$0x0], $0xffff;
	[tilespmem:s20+$0x12510] =	vst v8  }
0xa8: {  	v8 =	vld.idx.msk [tilespmem:v45+s14+$0x0], $0xffff;
	[tilespmem:s20+$0x12520] =	vst v9  }
0xa9: {  	v9 =	vld.idx.msk [tilespmem:v46+s14+$0x0], $0xffff;
	[tilespmem:s20+$0x10430] =	vst v15  }
0xaa: {  	v11 =	vld.idx.msk [tilespmem:v11+s4+$0x0], $0xffff  }
0xab: {  	v47 =	vadd.s32 $0x1, v4  }
0xac: {  	v10 =	vmul.u32 $0x3, v10  }
0xad: {  	v8 =	vmul.u32 $0x3, v8  }
0xae: {  	v9 =	vmul.u32 $0x3, v9  }
0xaf: {  	[tilespmem:s20+$0x12430] =	vst v11  }
0xb0: {  	v11 =	vld.idx.msk [tilespmem:v47+s14+$0x0], $0xffff;
	_ =	sdelay $0x1  }
0xb1: {  	v48 =	vld.idx.msk [tilespmem:v10+s4+$0x0], $0xffff  }
0xb2: {  	v49 =	vadd.s32 $0x1, v10;
	v50 =	vld.idx.msk [tilespmem:v8+s4+$0x0], $0xffff  }
0xb3: {  	v51 =	vadd.s32 $0x1, v8;
	v52 =	vld.idx.msk [tilespmem:v9+s4+$0x0], $0xffff  }
0xb4: {  	v53 =	vadd.s32 $0x1, v9;
	v11 =	vmul.u32 $0x3, v11;
	_ =	sdelay $0x1  }
0xb5: {  	[tilespmem:s20+$0xE580] =	vst v48  }
0xb6: {  	v12 =	vld.idx.msk [tilespmem:v49+s4+$0x0], $0xffff;
	[tilespmem:s20+$0xE590] =	vst v50  }
0xb7: {  	v10 =	vadd.s32 $0x2, v10;
	v54 =	vld.idx.msk [tilespmem:v51+s4+$0x0], $0xffff;
	[tilespmem:s20+$0xE5A0] =	vst v52  }
0xb8: {  	v8 =	vadd.s32 $0x2, v8;
	v55 =	vld.idx.msk [tilespmem:v53+s4+$0x0], $0xffff  }
0xb9: {  	v9 =	vadd.s32 $0x2, v9;
	v56 =	vld.idx.msk [tilespmem:v11+s4+$0x0], $0xffff  }
0xba: {  	v57 =	vadd.s32 $0x1, v11  }
0xbb: {  	[tilespmem:s20+$0x10580] =	vst v12  }
0xbc: {  	v10 =	vld.idx.msk [tilespmem:v10+s4+$0x0], $0xffff;
	[tilespmem:s20+$0x10590] =	vst v54  }
0xbd: {  	v58 =	vadd.s32 $0x4, v6;
	v8 =	vld.idx.msk [tilespmem:v8+s4+$0x0], $0xffff;
	[tilespmem:s20+$0x105A0] =	vst v55  }
0xbe: {  	v59 =	vadd.s32 $0x4, v5;
	v9 =	vld.idx.msk [tilespmem:v9+s4+$0x0], $0xffff;
	[tilespmem:s20+$0xE4B0] =	vst v56  }
0xbf: {  	v60 =	vadd.s32 $0x4, v7;
	v15 =	vld.idx.msk [tilespmem:v57+s4+$0x0], $0xffff  }
0xc0: {  	v11 =	vadd.s32 $0x2, v11  }
0xc1: {  	[tilespmem:s20+$0x12580] =	vst v10  }
0xc2: {  	v10 =	vld.idx.msk [tilespmem:v58+s14+$0x0], $0xffff;
	[tilespmem:s20+$0x12590] =	vst v8  }
0xc3: {  	v8 =	vld.idx.msk [tilespmem:v59+s14+$0x0], $0xffff;
	[tilespmem:s20+$0x125A0] =	vst v9  }
0xc4: {  	v9 =	vld.idx.msk [tilespmem:v60+s14+$0x0], $0xffff;
	[tilespmem:s20+$0x104B0] =	vst v15  }
0xc5: {  	v11 =	vld.idx.msk [tilespmem:v11+s4+$0x0], $0xffff  }
0xc6: {  	v61 =	vadd.s32 $0x2, v4  }
0xc7: {  	v10 =	vmul.u32 $0x3, v10  }
0xc8: {  	v8 =	vmul.u32 $0x3, v8  }
0xc9: {  	v9 =	vmul.u32 $0x3, v9  }
0xca: {  	[tilespmem:s20+$0x124B0] =	vst v11  }
0xcb: {  	v11 =	vld.idx.msk [tilespmem:v61+s14+$0x0], $0xffff;
	_ =	sdelay $0x1  }
0xcc: {  	v62 =	vld.idx.msk [tilespmem:v10+s4+$0x0], $0xffff  }
0xcd: {  	v63 =	vadd.s32 $0x1, v10;
	v20 =	vld.idx.msk [tilespmem:v8+s4+$0x0], $0xffff  }
0xce: {  	v21 =	vadd.s32 $0x1, v8;
	v22 =	vld.idx.msk [tilespmem:v9+s4+$0x0], $0xffff  }
0xcf: {  	v23 =	vadd.s32 $0x1, v9;
	v11 =	vmul.u32 $0x3, v11;
	_ =	sdelay $0x1  }
0xd0: {  	[tilespmem:s20+$0xE600] =	vst v62  }
0xd1: {  	v12 =	vld.idx.msk [tilespmem:v63+s4+$0x0], $0xffff;
	[tilespmem:s20+$0xE610] =	vst v20  }
0xd2: {  	v10 =	vadd.s32 $0x2, v10;
	v24 =	vld.idx.msk [tilespmem:v21+s4+$0x0], $0xffff;
	[tilespmem:s20+$0xE620] =	vst v22  }
0xd3: {  	v8 =	vadd.s32 $0x2, v8;
	v25 =	vld.idx.msk [tilespmem:v23+s4+$0x0], $0xffff  }
0xd4: {  	v9 =	vadd.s32 $0x2, v9;
	v26 =	vld.idx.msk [tilespmem:v11+s4+$0x0], $0xffff  }
0xd5: {  	v27 =	vadd.s32 $0x1, v11  }
0xd6: {  	[tilespmem:s20+$0x10600] =	vst v12  }
0xd7: {  	v10 =	vld.idx.msk [tilespmem:v10+s4+$0x0], $0xffff;
	[tilespmem:s20+$0x10610] =	vst v24  }
0xd8: {  	v28 =	vadd.s32 $0x5, v6;
	v8 =	vld.idx.msk [tilespmem:v8+s4+$0x0], $0xffff;
	[tilespmem:s20+$0x10620] =	vst v25  }
0xd9: {  	v29 =	vadd.s32 $0x5, v5;
	v9 =	vld.idx.msk [tilespmem:v9+s4+$0x0], $0xffff;
	[tilespmem:s20+$0xE530] =	vst v26  }
0xda: {  	v30 =	vadd.s32 $0x5, v7;
	v15 =	vld.idx.msk [tilespmem:v27+s4+$0x0], $0xffff  }
0xdb: {  	v11 =	vadd.s32 $0x2, v11  }
0xdc: {  	[tilespmem:s20+$0x12600] =	vst v10  }
0xdd: {  	v10 =	vld.idx.msk [tilespmem:v28+s14+$0x0], $0xffff;
	[tilespmem:s20+$0x12610] =	vst v8  }
0xde: {  	v8 =	vld.idx.msk [tilespmem:v29+s14+$0x0], $0xffff;
	[tilespmem:s20+$0x12620] =	vst v9  }
0xdf: {  	v9 =	vld.idx.msk [tilespmem:v30+s14+$0x0], $0xffff;
	[tilespmem:s20+$0x10530] =	vst v15  }
0xe0: {  	v11 =	vld.idx.msk [tilespmem:v11+s4+$0x0], $0xffff  }
0xe1: {  	v31 =	vadd.s32 $0x3, v4  }
0xe2: {  	v10 =	vmul.u32 $0x3, v10  }
0xe3: {  	v8 =	vmul.u32 $0x3, v8  }
0xe4: {  	v9 =	vmul.u32 $0x3, v9  }
0xe5: {  	[tilespmem:s20+$0x12530] =	vst v11  }
0xe6: {  	v11 =	vld.idx.msk [tilespmem:v31+s14+$0x0], $0xffff;
	_ =	sdelay $0x1  }
0xe7: {  	v32 =	vld.idx.msk [tilespmem:v10+s4+$0x0], $0xffff  }
0xe8: {  	v33 =	vadd.s32 $0x1, v10;
	v34 =	vld.idx.msk [tilespmem:v8+s4+$0x0], $0xffff  }
0xe9: {  	v35 =	vadd.s32 $0x1, v8;
	v36 =	vld.idx.msk [tilespmem:v9+s4+$0x0], $0xffff  }
0xea: {  	v37 =	vadd.s32 $0x1, v9;
	v11 =	vmul.u32 $0x3, v11;
	_ =	sdelay $0x1  }
0xeb: {  	[tilespmem:s20+$0xE680] =	vst v32  }
0xec: {  	v12 =	vld.idx.msk [tilespmem:v33+s4+$0x0], $0xffff;
	[tilespmem:s20+$0xE690] =	vst v34  }
0xed: {  	v10 =	vadd.s32 $0x2, v10;
	v38 =	vld.idx.msk [tilespmem:v35+s4+$0x0], $0xffff;
	[tilespmem:s20+$0xE6A0] =	vst v36  }
0xee: {  	v8 =	vadd.s32 $0x2, v8;
	v39 =	vld.idx.msk [tilespmem:v37+s4+$0x0], $0xffff  }
0xef: {  	v9 =	vadd.s32 $0x2, v9;
	v40 =	vld.idx.msk [tilespmem:v11+s4+$0x0], $0xffff  }
0xf0: {  	v41 =	vadd.s32 $0x1, v11  }
0xf1: {  	[tilespmem:s20+$0x10680] =	vst v12  }
0xf2: {  	v10 =	vld.idx.msk [tilespmem:v10+s4+$0x0], $0xffff;
	[tilespmem:s20+$0x10690] =	vst v38  }
0xf3: {  	v42 =	vadd.s32 $0x6, v6;
	v8 =	vld.idx.msk [tilespmem:v8+s4+$0x0], $0xffff;
	[tilespmem:s20+$0x106A0] =	vst v39  }
0xf4: {  	v43 =	vadd.s32 $0x6, v5;
	v9 =	vld.idx.msk [tilespmem:v9+s4+$0x0], $0xffff;
	[tilespmem:s20+$0xE5B0] =	vst v40  }
0xf5: {  	v44 =	vadd.s32 $0x6, v7;
	v15 =	vld.idx.msk [tilespmem:v41+s4+$0x0], $0xffff  }
0xf6: {  	v11 =	vadd.s32 $0x2, v11  }
0xf7: {  	[tilespmem:s20+$0x12680] =	vst v10  }
0xf8: {  	v10 =	vld.idx.msk [tilespmem:v42+s14+$0x0], $0xffff;
	[tilespmem:s20+$0x12690] =	vst v8  }
0xf9: {  	v8 =	vld.idx.msk [tilespmem:v43+s14+$0x0], $0xffff;
	[tilespmem:s20+$0x126A0] =	vst v9  }
0xfa: {  	v9 =	vld.idx.msk [tilespmem:v44+s14+$0x0], $0xffff;
	[tilespmem:s20+$0x105B0] =	vst v15  }
0xfb: {  	v11 =	vld.idx.msk [tilespmem:v11+s4+$0x0], $0xffff  }
0xfc: {  	v45 =	vadd.s32 $0x4, v4  }
0xfd: {  	v10 =	vmul.u32 $0x3, v10  }
0xfe: {  	v8 =	vmul.u32 $0x3, v8  }
0xff: {  	v9 =	vmul.u32 $0x3, v9  }
0x100: {  	[tilespmem:s20+$0x125B0] =	vst v11  }
0x101: {  	v11 =	vld.idx.msk [tilespmem:v45+s14+$0x0], $0xffff;
	_ =	sdelay $0x1  }
0x102: {  	v46 =	vld.idx.msk [tilespmem:v10+s4+$0x0], $0xffff  }
0x103: {  	v47 =	vadd.s32 $0x1, v10;
	v48 =	vld.idx.msk [tilespmem:v8+s4+$0x0], $0xffff  }
0x104: {  	v49 =	vadd.s32 $0x1, v8;
	v50 =	vld.idx.msk [tilespmem:v9+s4+$0x0], $0xffff  }
0x105: {  	v51 =	vadd.s32 $0x1, v9;
	v11 =	vmul.u32 $0x3, v11;
	_ =	sdelay $0x1  }
0x106: {  	[tilespmem:s20+$0xE700] =	vst v46  }
0x107: {  	v12 =	vld.idx.msk [tilespmem:v47+s4+$0x0], $0xffff;
	[tilespmem:s20+$0xE710] =	vst v48  }
0x108: {  	v10 =	vadd.s32 $0x2, v10;
	v52 =	vld.idx.msk [tilespmem:v49+s4+$0x0], $0xffff;
	[tilespmem:s20+$0xE720] =	vst v50  }
0x109: {  	v8 =	vadd.s32 $0x2, v8;
	v53 =	vld.idx.msk [tilespmem:v51+s4+$0x0], $0xffff  }
0x10a: {  	v9 =	vadd.s32 $0x2, v9;
	v54 =	vld.idx.msk [tilespmem:v11+s4+$0x0], $0xffff  }
0x10b: {  	v55 =	vadd.s32 $0x1, v11  }
0x10c: {  	[tilespmem:s20+$0x10700] =	vst v12  }
0x10d: {  	v10 =	vld.idx.msk [tilespmem:v10+s4+$0x0], $0xffff;
	[tilespmem:s20+$0x10710] =	vst v52  }
0x10e: {  	v56 =	vadd.s32 $0x7, v6;
	v8 =	vld.idx.msk [tilespmem:v8+s4+$0x0], $0xffff;
	[tilespmem:s20+$0x10720] =	vst v53  }
0x10f: {  	v57 =	vadd.s32 $0x7, v5;
	v9 =	vld.idx.msk [tilespmem:v9+s4+$0x0], $0xffff;
	[tilespmem:s20+$0xE630] =	vst v54  }
0x110: {  	v58 =	vadd.s32 $0x7, v7;
	v15 =	vld.idx.msk [tilespmem:v55+s4+$0x0], $0xffff  }
0x111: {  	v11 =	vadd.s32 $0x2, v11  }
0x112: {  	[tilespmem:s20+$0x12700] =	vst v10  }
0x113: {  	v10 =	vld.idx.msk [tilespmem:v56+s14+$0x0], $0xffff;
	[tilespmem:s20+$0x12710] =	vst v8  }
0x114: {  	v8 =	vld.idx.msk [tilespmem:v57+s14+$0x0], $0xffff;
	[tilespmem:s20+$0x12720] =	vst v9  }
0x115: {  	v9 =	vld.idx.msk [tilespmem:v58+s14+$0x0], $0xffff;
	[tilespmem:s20+$0x10630] =	vst v15  }
0x116: {  	v11 =	vld.idx.msk [tilespmem:v11+s4+$0x0], $0xffff  }
0x117: {  	v59 =	vadd.s32 $0x5, v4  }
0x118: {  	v10 =	vmul.u32 $0x3, v10  }
0x119: {  	v8 =	vmul.u32 $0x3, v8  }
0x11a: {  	v9 =	vmul.u32 $0x3, v9  }
0x11b: {  	[tilespmem:s20+$0x12630] =	vst v11  }
0x11c: {  	v11 =	vld.idx.msk [tilespmem:v59+s14+$0x0], $0xffff;
	_ =	sdelay $0x1  }
0x11d: {  	v60 =	vld.idx.msk [tilespmem:v10+s4+$0x0], $0xffff  }
0x11e: {  	v61 =	vadd.s32 $0x1, v10;
	v62 =	vld.idx.msk [tilespmem:v8+s4+$0x0], $0xffff  }
0x11f: {  	v63 =	vadd.s32 $0x1, v8;
	v20 =	vld.idx.msk [tilespmem:v9+s4+$0x0], $0xffff  }
0x120: {  	v21 =	vadd.s32 $0x1, v9;
	v11 =	vmul.u32 $0x3, v11;
	_ =	sdelay $0x1  }
0x121: {  	[tilespmem:s20+$0xE780] =	vst v60  }
0x122: {  	v12 =	vld.idx.msk [tilespmem:v61+s4+$0x0], $0xffff;
	[tilespmem:s20+$0xE790] =	vst v62  }
0x123: {  	v10 =	vadd.s32 $0x2, v10;
	v22 =	vld.idx.msk [tilespmem:v63+s4+$0x0], $0xffff;
	[tilespmem:s20+$0xE7A0] =	vst v20  }
0x124: {  	v8 =	vadd.s32 $0x2, v8;
	v23 =	vld.idx.msk [tilespmem:v21+s4+$0x0], $0xffff  }
0x125: {  	v9 =	vadd.s32 $0x2, v9;
	v24 =	vld.idx.msk [tilespmem:v11+s4+$0x0], $0xffff  }
0x126: {  	v25 =	vadd.s32 $0x1, v11  }
0x127: {  	[tilespmem:s20+$0x10780] =	vst v12  }
0x128: {  	v10 =	vld.idx.msk [tilespmem:v10+s4+$0x0], $0xffff;
	[tilespmem:s20+$0x10790] =	vst v22  }
0x129: {  	v26 =	vadd.s32 $0x8, v6;
	v8 =	vld.idx.msk [tilespmem:v8+s4+$0x0], $0xffff;
	[tilespmem:s20+$0x107A0] =	vst v23  }
0x12a: {  	v27 =	vadd.s32 $0x8, v5;
	v9 =	vld.idx.msk [tilespmem:v9+s4+$0x0], $0xffff;
	[tilespmem:s20+$0xE6B0] =	vst v24  }
0x12b: {  	v28 =	vadd.s32 $0x8, v7;
	v15 =	vld.idx.msk [tilespmem:v25+s4+$0x0], $0xffff  }
0x12c: {  	v11 =	vadd.s32 $0x2, v11  }
0x12d: {  	[tilespmem:s20+$0x12780] =	vst v10  }
0x12e: {  	v10 =	vld.idx.msk [tilespmem:v26+s14+$0x0], $0xffff;
	[tilespmem:s20+$0x12790] =	vst v8  }
0x12f: {  	v8 =	vld.idx.msk [tilespmem:v27+s14+$0x0], $0xffff;
	[tilespmem:s20+$0x127A0] =	vst v9  }
0x130: {  	v9 =	vld.idx.msk [tilespmem:v28+s14+$0x0], $0xffff;
	[tilespmem:s20+$0x106B0] =	vst v15  }
0x131: {  	v11 =	vld.idx.msk [tilespmem:v11+s4+$0x0], $0xffff  }
0x132: {  	v29 =	vadd.s32 $0x6, v4  }
0x133: {  	v10 =	vmul.u32 $0x3, v10  }
0x134: {  	v8 =	vmul.u32 $0x3, v8  }
0x135: {  	v9 =	vmul.u32 $0x3, v9  }
0x136: {  	[tilespmem:s20+$0x126B0] =	vst v11  }
0x137: {  	v11 =	vld.idx.msk [tilespmem:v29+s14+$0x0], $0xffff;
	_ =	sdelay $0x1  }
0x138: {  	v30 =	vld.idx.msk [tilespmem:v10+s4+$0x0], $0xffff  }
0x139: {  	v31 =	vadd.s32 $0x1, v10;
	v32 =	vld.idx.msk [tilespmem:v8+s4+$0x0], $0xffff  }
0x13a: {  	v33 =	vadd.s32 $0x1, v8;
	v34 =	vld.idx.msk [tilespmem:v9+s4+$0x0], $0xffff  }
0x13b: {  	v35 =	vadd.s32 $0x1, v9;
	v11 =	vmul.u32 $0x3, v11;
	_ =	sdelay $0x1  }
0x13c: {  	[tilespmem:s20+$0xF400] =	vst v30  }
0x13d: {  	v12 =	vld.idx.msk [tilespmem:v31+s4+$0x0], $0xffff;
	[tilespmem:s20+$0xF410] =	vst v32  }
0x13e: {  	v10 =	vadd.s32 $0x2, v10;
	v36 =	vld.idx.msk [tilespmem:v33+s4+$0x0], $0xffff;
	[tilespmem:s20+$0xF420] =	vst v34  }
0x13f: {  	v8 =	vadd.s32 $0x2, v8;
	v37 =	vld.idx.msk [tilespmem:v35+s4+$0x0], $0xffff  }
0x140: {  	v9 =	vadd.s32 $0x2, v9;
	v38 =	vld.idx.msk [tilespmem:v11+s4+$0x0], $0xffff  }
0x141: {  	v39 =	vadd.s32 $0x1, v11  }
0x142: {  	[tilespmem:s20+$0x11400] =	vst v12  }
0x143: {  	v10 =	vld.idx.msk [tilespmem:v10+s4+$0x0], $0xffff;
	[tilespmem:s20+$0x11410] =	vst v36  }
0x144: {  	v40 =	vadd.s32 $0x9, v6;
	v8 =	vld.idx.msk [tilespmem:v8+s4+$0x0], $0xffff;
	[tilespmem:s20+$0x11420] =	vst v37  }
0x145: {  	v41 =	vadd.s32 $0x9, v5;
	v9 =	vld.idx.msk [tilespmem:v9+s4+$0x0], $0xffff;
	[tilespmem:s20+$0xE730] =	vst v38  }
0x146: {  	v42 =	vadd.s32 $0x9, v7;
	v15 =	vld.idx.msk [tilespmem:v39+s4+$0x0], $0xffff  }
0x147: {  	v11 =	vadd.s32 $0x2, v11  }
0x148: {  	[tilespmem:s20+$0x13400] =	vst v10  }
0x149: {  	v10 =	vld.idx.msk [tilespmem:v40+s14+$0x0], $0xffff;
	[tilespmem:s20+$0x13410] =	vst v8  }
0x14a: {  	v8 =	vld.idx.msk [tilespmem:v41+s14+$0x0], $0xffff;
	[tilespmem:s20+$0x13420] =	vst v9  }
0x14b: {  	v9 =	vld.idx.msk [tilespmem:v42+s14+$0x0], $0xffff;
	[tilespmem:s20+$0x10730] =	vst v15  }
0x14c: {  	v11 =	vld.idx.msk [tilespmem:v11+s4+$0x0], $0xffff  }
0x14d: {  	v43 =	vadd.s32 $0x7, v4  }
0x14e: {  	v10 =	vmul.u32 $0x3, v10  }
0x14f: {  	v8 =	vmul.u32 $0x3, v8  }
0x150: {  	v9 =	vmul.u32 $0x3, v9  }
0x151: {  	[tilespmem:s20+$0x12730] =	vst v11  }
0x152: {  	v11 =	vld.idx.msk [tilespmem:v43+s14+$0x0], $0xffff;
	_ =	sdelay $0x1  }
0x153: {  	v44 =	vld.idx.msk [tilespmem:v10+s4+$0x0], $0xffff  }
0x154: {  	v45 =	vadd.s32 $0x1, v10;
	v46 =	vld.idx.msk [tilespmem:v8+s4+$0x0], $0xffff  }
0x155: {  	v47 =	vadd.s32 $0x1, v8;
	v48 =	vld.idx.msk [tilespmem:v9+s4+$0x0], $0xffff  }
0x156: {  	v49 =	vadd.s32 $0x1, v9;
	v11 =	vmul.u32 $0x3, v11;
	_ =	sdelay $0x1  }
0x157: {  	[tilespmem:s20+$0xF480] =	vst v44  }
0x158: {  	v12 =	vld.idx.msk [tilespmem:v45+s4+$0x0], $0xffff;
	[tilespmem:s20+$0xF490] =	vst v46  }
0x159: {  	v10 =	vadd.s32 $0x2, v10;
	v50 =	vld.idx.msk [tilespmem:v47+s4+$0x0], $0xffff;
	[tilespmem:s20+$0xF4A0] =	vst v48  }
0x15a: {  	v8 =	vadd.s32 $0x2, v8;
	v51 =	vld.idx.msk [tilespmem:v49+s4+$0x0], $0xffff  }
0x15b: {  	v9 =	vadd.s32 $0x2, v9;
	v52 =	vld.idx.msk [tilespmem:v11+s4+$0x0], $0xffff  }
0x15c: {  	v53 =	vadd.s32 $0x1, v11  }
0x15d: {  	[tilespmem:s20+$0x11480] =	vst v12  }
0x15e: {  	v10 =	vld.idx.msk [tilespmem:v10+s4+$0x0], $0xffff;
	[tilespmem:s20+$0x11490] =	vst v50  }
0x15f: {  	v54 =	vadd.s32 $0xA, v6;
	v8 =	vld.idx.msk [tilespmem:v8+s4+$0x0], $0xffff;
	[tilespmem:s20+$0x114A0] =	vst v51  }
0x160: {  	v55 =	vadd.s32 $0xA, v5;
	v9 =	vld.idx.msk [tilespmem:v9+s4+$0x0], $0xffff;
	[tilespmem:s20+$0xE7B0] =	vst v52  }
0x161: {  	v56 =	vadd.s32 $0xA, v7;
	v15 =	vld.idx.msk [tilespmem:v53+s4+$0x0], $0xffff  }
0x162: {  	v11 =	vadd.s32 $0x2, v11  }
0x163: {  	[tilespmem:s20+$0x13480] =	vst v10  }
0x164: {  	v10 =	vld.idx.msk [tilespmem:v54+s14+$0x0], $0xffff;
	[tilespmem:s20+$0x13490] =	vst v8  }
0x165: {  	v8 =	vld.idx.msk [tilespmem:v55+s14+$0x0], $0xffff;
	[tilespmem:s20+$0x134A0] =	vst v9  }
0x166: {  	v9 =	vld.idx.msk [tilespmem:v56+s14+$0x0], $0xffff;
	[tilespmem:s20+$0x107B0] =	vst v15  }
0x167: {  	v11 =	vld.idx.msk [tilespmem:v11+s4+$0x0], $0xffff  }
0x168: {  	v57 =	vadd.s32 $0x8, v4  }
0x169: {  	v10 =	vmul.u32 $0x3, v10  }
0x16a: {  	v8 =	vmul.u32 $0x3, v8  }
0x16b: {  	v9 =	vmul.u32 $0x3, v9  }
0x16c: {  	[tilespmem:s20+$0x127B0] =	vst v11  }
0x16d: {  	v11 =	vld.idx.msk [tilespmem:v57+s14+$0x0], $0xffff;
	_ =	sdelay $0x1  }
0x16e: {  	v58 =	vld.idx.msk [tilespmem:v10+s4+$0x0], $0xffff  }
0x16f: {  	v59 =	vadd.s32 $0x1, v10;
	v60 =	vld.idx.msk [tilespmem:v8+s4+$0x0], $0xffff  }
0x170: {  	v61 =	vadd.s32 $0x1, v8;
	v62 =	vld.idx.msk [tilespmem:v9+s4+$0x0], $0xffff  }
0x171: {  	v63 =	vadd.s32 $0x1, v9;
	v11 =	vmul.u32 $0x3, v11;
	_ =	sdelay $0x1  }
0x172: {  	[tilespmem:s20+$0xF500] =	vst v58  }
0x173: {  	v12 =	vld.idx.msk [tilespmem:v59+s4+$0x0], $0xffff;
	[tilespmem:s20+$0xF510] =	vst v60  }
0x174: {  	v10 =	vadd.s32 $0x2, v10;
	v20 =	vld.idx.msk [tilespmem:v61+s4+$0x0], $0xffff;
	[tilespmem:s20+$0xF520] =	vst v62  }
0x175: {  	v8 =	vadd.s32 $0x2, v8;
	v21 =	vld.idx.msk [tilespmem:v63+s4+$0x0], $0xffff  }
0x176: {  	v9 =	vadd.s32 $0x2, v9;
	v22 =	vld.idx.msk [tilespmem:v11+s4+$0x0], $0xffff  }
0x177: {  	v23 =	vadd.s32 $0x1, v11  }
0x178: {  	[tilespmem:s20+$0x11500] =	vst v12  }
0x179: {  	v10 =	vld.idx.msk [tilespmem:v10+s4+$0x0], $0xffff;
	[tilespmem:s20+$0x11510] =	vst v20  }
0x17a: {  	v24 =	vadd.s32 $0xB, v6;
	v8 =	vld.idx.msk [tilespmem:v8+s4+$0x0], $0xffff;
	[tilespmem:s20+$0x11520] =	vst v21  }
0x17b: {  	v25 =	vadd.s32 $0xB, v5;
	v9 =	vld.idx.msk [tilespmem:v9+s4+$0x0], $0xffff;
	[tilespmem:s20+$0xF430] =	vst v22  }
0x17c: {  	v26 =	vadd.s32 $0xB, v7;
	v15 =	vld.idx.msk [tilespmem:v23+s4+$0x0], $0xffff  }
0x17d: {  	v11 =	vadd.s32 $0x2, v11  }
0x17e: {  	[tilespmem:s20+$0x13500] =	vst v10  }
0x17f: {  	v10 =	vld.idx.msk [tilespmem:v24+s14+$0x0], $0xffff;
	[tilespmem:s20+$0x13510] =	vst v8  }
0x180: {  	v8 =	vld.idx.msk [tilespmem:v25+s14+$0x0], $0xffff;
	[tilespmem:s20+$0x13520] =	vst v9  }
0x181: {  	v9 =	vld.idx.msk [tilespmem:v26+s14+$0x0], $0xffff;
	[tilespmem:s20+$0x11430] =	vst v15  }
0x182: {  	v11 =	vld.idx.msk [tilespmem:v11+s4+$0x0], $0xffff  }
0x183: {  	v27 =	vadd.s32 $0x9, v4  }
0x184: {  	v10 =	vmul.u32 $0x3, v10  }
0x185: {  	v8 =	vmul.u32 $0x3, v8  }
0x186: {  	v9 =	vmul.u32 $0x3, v9  }
0x187: {  	[tilespmem:s20+$0x13430] =	vst v11  }
0x188: {  	v11 =	vld.idx.msk [tilespmem:v27+s14+$0x0], $0xffff;
	_ =	sdelay $0x1  }
0x189: {  	v28 =	vld.idx.msk [tilespmem:v10+s4+$0x0], $0xffff  }
0x18a: {  	v29 =	vadd.s32 $0x1, v10;
	v30 =	vld.idx.msk [tilespmem:v8+s4+$0x0], $0xffff  }
0x18b: {  	v31 =	vadd.s32 $0x1, v8;
	v32 =	vld.idx.msk [tilespmem:v9+s4+$0x0], $0xffff  }
0x18c: {  	v33 =	vadd.s32 $0x1, v9;
	v11 =	vmul.u32 $0x3, v11;
	_ =	sdelay $0x1  }
0x18d: {  	[tilespmem:s20+$0xF580] =	vst v28  }
0x18e: {  	v12 =	vld.idx.msk [tilespmem:v29+s4+$0x0], $0xffff;
	[tilespmem:s20+$0xF590] =	vst v30  }
0x18f: {  	v10 =	vadd.s32 $0x2, v10;
	v34 =	vld.idx.msk [tilespmem:v31+s4+$0x0], $0xffff;
	[tilespmem:s20+$0xF5A0] =	vst v32  }
0x190: {  	v8 =	vadd.s32 $0x2, v8;
	v35 =	vld.idx.msk [tilespmem:v33+s4+$0x0], $0xffff  }
0x191: {  	v9 =	vadd.s32 $0x2, v9;
	v36 =	vld.idx.msk [tilespmem:v11+s4+$0x0], $0xffff  }
0x192: {  	v37 =	vadd.s32 $0x1, v11  }
0x193: {  	[tilespmem:s20+$0x11580] =	vst v12  }
0x194: {  	v10 =	vld.idx.msk [tilespmem:v10+s4+$0x0], $0xffff;
	[tilespmem:s20+$0x11590] =	vst v34  }
0x195: {  	v38 =	vadd.s32 $0xC, v6;
	v8 =	vld.idx.msk [tilespmem:v8+s4+$0x0], $0xffff;
	[tilespmem:s20+$0x115A0] =	vst v35  }
0x196: {  	v39 =	vadd.s32 $0xC, v5;
	v9 =	vld.idx.msk [tilespmem:v9+s4+$0x0], $0xffff;
	[tilespmem:s20+$0xF4B0] =	vst v36  }
0x197: {  	v40 =	vadd.s32 $0xC, v7;
	v15 =	vld.idx.msk [tilespmem:v37+s4+$0x0], $0xffff  }
0x198: {  	v11 =	vadd.s32 $0x2, v11  }
0x199: {  	[tilespmem:s20+$0x13580] =	vst v10  }
0x19a: {  	v10 =	vld.idx.msk [tilespmem:v38+s14+$0x0], $0xffff;
	[tilespmem:s20+$0x13590] =	vst v8  }
0x19b: {  	v8 =	vld.idx.msk [tilespmem:v39+s14+$0x0], $0xffff;
	[tilespmem:s20+$0x135A0] =	vst v9  }
0x19c: {  	v9 =	vld.idx.msk [tilespmem:v40+s14+$0x0], $0xffff;
	[tilespmem:s20+$0x114B0] =	vst v15  }
0x19d: {  	v11 =	vld.idx.msk [tilespmem:v11+s4+$0x0], $0xffff  }
0x19e: {  	v41 =	vadd.s32 $0xA, v4  }
0x19f: {  	v10 =	vmul.u32 $0x3, v10  }
0x1a0: {  	v8 =	vmul.u32 $0x3, v8  }
0x1a1: {  	v9 =	vmul.u32 $0x3, v9  }
0x1a2: {  	[tilespmem:s20+$0x134B0] =	vst v11  }
0x1a3: {  	v11 =	vld.idx.msk [tilespmem:v41+s14+$0x0], $0xffff;
	_ =	sdelay $0x1  }
0x1a4: {  	v42 =	vld.idx.msk [tilespmem:v10+s4+$0x0], $0xffff  }
0x1a5: {  	v43 =	vadd.s32 $0x1, v10;
	v44 =	vld.idx.msk [tilespmem:v8+s4+$0x0], $0xffff  }
0x1a6: {  	v45 =	vadd.s32 $0x1, v8;
	v46 =	vld.idx.msk [tilespmem:v9+s4+$0x0], $0xffff  }
0x1a7: {  	v47 =	vadd.s32 $0x1, v9;
	v11 =	vmul.u32 $0x3, v11;
	_ =	sdelay $0x1  }
0x1a8: {  	[tilespmem:s20+$0xF600] =	vst v42  }
0x1a9: {  	v12 =	vld.idx.msk [tilespmem:v43+s4+$0x0], $0xffff;
	[tilespmem:s20+$0xF610] =	vst v44  }
0x1aa: {  	v10 =	vadd.s32 $0x2, v10;
	v48 =	vld.idx.msk [tilespmem:v45+s4+$0x0], $0xffff;
	[tilespmem:s20+$0xF620] =	vst v46  }
0x1ab: {  	v8 =	vadd.s32 $0x2, v8;
	v49 =	vld.idx.msk [tilespmem:v47+s4+$0x0], $0xffff  }
0x1ac: {  	v9 =	vadd.s32 $0x2, v9;
	v50 =	vld.idx.msk [tilespmem:v11+s4+$0x0], $0xffff  }
0x1ad: {  	v51 =	vadd.s32 $0x1, v11  }
0x1ae: {  	[tilespmem:s20+$0x11600] =	vst v12  }
0x1af: {  	v10 =	vld.idx.msk [tilespmem:v10+s4+$0x0], $0xffff;
	[tilespmem:s20+$0x11610] =	vst v48  }
0x1b0: {  	v52 =	vadd.s32 $0xD, v6;
	v8 =	vld.idx.msk [tilespmem:v8+s4+$0x0], $0xffff;
	[tilespmem:s20+$0x11620] =	vst v49  }
0x1b1: {  	v53 =	vadd.s32 $0xD, v5;
	v9 =	vld.idx.msk [tilespmem:v9+s4+$0x0], $0xffff;
	[tilespmem:s20+$0xF530] =	vst v50  }
0x1b2: {  	v54 =	vadd.s32 $0xD, v7;
	v15 =	vld.idx.msk [tilespmem:v51+s4+$0x0], $0xffff  }
0x1b3: {  	v11 =	vadd.s32 $0x2, v11  }
0x1b4: {  	[tilespmem:s20+$0x13600] =	vst v10  }
0x1b5: {  	v10 =	vld.idx.msk [tilespmem:v52+s14+$0x0], $0xffff;
	[tilespmem:s20+$0x13610] =	vst v8  }
0x1b6: {  	v8 =	vld.idx.msk [tilespmem:v53+s14+$0x0], $0xffff;
	[tilespmem:s20+$0x13620] =	vst v9  }
0x1b7: {  	v9 =	vld.idx.msk [tilespmem:v54+s14+$0x0], $0xffff;
	[tilespmem:s20+$0x11530] =	vst v15  }
0x1b8: {  	v11 =	vld.idx.msk [tilespmem:v11+s4+$0x0], $0xffff  }
0x1b9: {  	v55 =	vadd.s32 $0xB, v4  }
0x1ba: {  	v10 =	vmul.u32 $0x3, v10  }
0x1bb: {  	v8 =	vmul.u32 $0x3, v8  }
0x1bc: {  	v9 =	vmul.u32 $0x3, v9  }
0x1bd: {  	[tilespmem:s20+$0x13530] =	vst v11  }
0x1be: {  	v11 =	vld.idx.msk [tilespmem:v55+s14+$0x0], $0xffff;
	_ =	sdelay $0x1  }
0x1bf: {  	v56 =	vld.idx.msk [tilespmem:v10+s4+$0x0], $0xffff  }
0x1c0: {  	v57 =	vadd.s32 $0x1, v10;
	v58 =	vld.idx.msk [tilespmem:v8+s4+$0x0], $0xffff  }
0x1c1: {  	v59 =	vadd.s32 $0x1, v8;
	v60 =	vld.idx.msk [tilespmem:v9+s4+$0x0], $0xffff  }
0x1c2: {  	v61 =	vadd.s32 $0x1, v9;
	v11 =	vmul.u32 $0x3, v11;
	_ =	sdelay $0x1  }
0x1c3: {  	[tilespmem:s20+$0xF680] =	vst v56  }
0x1c4: {  	v12 =	vld.idx.msk [tilespmem:v57+s4+$0x0], $0xffff;
	[tilespmem:s20+$0xF690] =	vst v58  }
0x1c5: {  	v10 =	vadd.s32 $0x2, v10;
	v62 =	vld.idx.msk [tilespmem:v59+s4+$0x0], $0xffff;
	[tilespmem:s20+$0xF6A0] =	vst v60  }
0x1c6: {  	v8 =	vadd.s32 $0x2, v8;
	v63 =	vld.idx.msk [tilespmem:v61+s4+$0x0], $0xffff  }
0x1c7: {  	v9 =	vadd.s32 $0x2, v9;
	v20 =	vld.idx.msk [tilespmem:v11+s4+$0x0], $0xffff  }
0x1c8: {  	v21 =	vadd.s32 $0x1, v11  }
0x1c9: {  	[tilespmem:s20+$0x11680] =	vst v12  }
0x1ca: {  	v10 =	vld.idx.msk [tilespmem:v10+s4+$0x0], $0xffff;
	[tilespmem:s20+$0x11690] =	vst v62  }
0x1cb: {  	v22 =	vadd.s32 $0xE, v6;
	v8 =	vld.idx.msk [tilespmem:v8+s4+$0x0], $0xffff;
	[tilespmem:s20+$0x116A0] =	vst v63  }
0x1cc: {  	v23 =	vadd.s32 $0xE, v5;
	v9 =	vld.idx.msk [tilespmem:v9+s4+$0x0], $0xffff;
	[tilespmem:s20+$0xF5B0] =	vst v20  }
0x1cd: {  	v24 =	vadd.s32 $0xE, v7;
	v15 =	vld.idx.msk [tilespmem:v21+s4+$0x0], $0xffff  }
0x1ce: {  	v11 =	vadd.s32 $0x2, v11  }
0x1cf: {  	[tilespmem:s20+$0x13680] =	vst v10  }
0x1d0: {  	v10 =	vld.idx.msk [tilespmem:v22+s14+$0x0], $0xffff;
	[tilespmem:s20+$0x13690] =	vst v8  }
0x1d1: {  	v8 =	vld.idx.msk [tilespmem:v23+s14+$0x0], $0xffff;
	[tilespmem:s20+$0x136A0] =	vst v9  }
0x1d2: {  	v9 =	vld.idx.msk [tilespmem:v24+s14+$0x0], $0xffff;
	[tilespmem:s20+$0x115B0] =	vst v15  }
0x1d3: {  	v11 =	vld.idx.msk [tilespmem:v11+s4+$0x0], $0xffff  }
0x1d4: {  	v25 =	vadd.s32 $0xC, v4  }
0x1d5: {  	v10 =	vmul.u32 $0x3, v10  }
0x1d6: {  	v8 =	vmul.u32 $0x3, v8  }
0x1d7: {  	v9 =	vmul.u32 $0x3, v9  }
0x1d8: {  	[tilespmem:s20+$0x135B0] =	vst v11  }
0x1d9: {  	v11 =	vld.idx.msk [tilespmem:v25+s14+$0x0], $0xffff;
	_ =	sdelay $0x1  }
0x1da: {  	v26 =	vld.idx.msk [tilespmem:v10+s4+$0x0], $0xffff  }
0x1db: {  	v27 =	vadd.s32 $0x1, v10;
	v28 =	vld.idx.msk [tilespmem:v8+s4+$0x0], $0xffff  }
0x1dc: {  	v29 =	vadd.s32 $0x1, v8;
	v30 =	vld.idx.msk [tilespmem:v9+s4+$0x0], $0xffff  }
0x1dd: {  	v31 =	vadd.s32 $0x1, v9;
	v11 =	vmul.u32 $0x3, v11;
	_ =	sdelay $0x1  }
0x1de: {  	[tilespmem:s20+$0xF700] =	vst v26  }
0x1df: {  	v12 =	vld.idx.msk [tilespmem:v27+s4+$0x0], $0xffff;
	[tilespmem:s20+$0xF710] =	vst v28  }
0x1e0: {  	v10 =	vadd.s32 $0x2, v10;
	v32 =	vld.idx.msk [tilespmem:v29+s4+$0x0], $0xffff;
	[tilespmem:s20+$0xF720] =	vst v30  }
0x1e1: {  	v8 =	vadd.s32 $0x2, v8;
	v33 =	vld.idx.msk [tilespmem:v31+s4+$0x0], $0xffff  }
0x1e2: {  	v9 =	vadd.s32 $0x2, v9;
	v34 =	vld.idx.msk [tilespmem:v11+s4+$0x0], $0xffff  }
0x1e3: {  	v35 =	vadd.s32 $0x1, v11  }
0x1e4: {  	[tilespmem:s20+$0x11700] =	vst v12  }
0x1e5: {  	v10 =	vld.idx.msk [tilespmem:v10+s4+$0x0], $0xffff;
	[tilespmem:s20+$0x11710] =	vst v32  }
0x1e6: {  	v6 =	vadd.s32 $0xF, v6;
	v8 =	vld.idx.msk [tilespmem:v8+s4+$0x0], $0xffff;
	[tilespmem:s20+$0x11720] =	vst v33  }
0x1e7: {  	v5 =	vadd.s32 $0xF, v5;
	v9 =	vld.idx.msk [tilespmem:v9+s4+$0x0], $0xffff;
	[tilespmem:s20+$0xF630] =	vst v34  }
0x1e8: {  	v7 =	vadd.s32 $0xF, v7;
	v36 =	vld.idx.msk [tilespmem:v35+s4+$0x0], $0xffff  }
0x1e9: {  	v11 =	vadd.s32 $0x2, v11  }
0x1ea: {  	[tilespmem:s20+$0x13700] =	vst v10  }
0x1eb: {  	v6 =	vld.idx.msk [tilespmem:v6+s14+$0x0], $0xffff;
	[tilespmem:s20+$0x13710] =	vst v8  }
0x1ec: {  	v5 =	vld.idx.msk [tilespmem:v5+s14+$0x0], $0xffff;
	[tilespmem:s20+$0x13720] =	vst v9  }
0x1ed: {  	v7 =	vld.idx.msk [tilespmem:v7+s14+$0x0], $0xffff;
	[tilespmem:s20+$0x11630] =	vst v36  }
0x1ee: {  	v37 =	vld.idx.msk [tilespmem:v11+s4+$0x0], $0xffff  }
0x1ef: {  	v38 =	vadd.s32 $0xD, v4  }
0x1f0: {  	v6 =	vmul.u32 $0x3, v6  }
0x1f1: {  	v5 =	vmul.u32 $0x3, v5  }
0x1f2: {  	v7 =	vmul.u32 $0x3, v7  }
0x1f3: {  	[tilespmem:s20+$0x13630] =	vst v37  }
0x1f4: {  	v8 =	vld.idx.msk [tilespmem:v38+s14+$0x0], $0xffff;
	_ =	sdelay $0x1  }
0x1f5: {  	v39 =	vld.idx.msk [tilespmem:v6+s4+$0x0], $0xffff  }
0x1f6: {  	v40 =	vadd.s32 $0x1, v6;
	v41 =	vld.idx.msk [tilespmem:v5+s4+$0x0], $0xffff  }
0x1f7: {  	v42 =	vadd.s32 $0x1, v5;
	v43 =	vld.idx.msk [tilespmem:v7+s4+$0x0], $0xffff  }
0x1f8: {  	v44 =	vadd.s32 $0x1, v7;
	v8 =	vmul.u32 $0x3, v8;
	_ =	sdelay $0x1  }
0x1f9: {  	[tilespmem:s20+$0xF780] =	vst v39  }
0x1fa: {  	v9 =	vld.idx.msk [tilespmem:v40+s4+$0x0], $0xffff;
	[tilespmem:s20+$0xF790] =	vst v41  }
0x1fb: {  	v6 =	vadd.s32 $0x2, v6;
	v45 =	vld.idx.msk [tilespmem:v42+s4+$0x0], $0xffff;
	[tilespmem:s20+$0xF7A0] =	vst v43  }
0x1fc: {  	v5 =	vadd.s32 $0x2, v5;
	v46 =	vld.idx.msk [tilespmem:v44+s4+$0x0], $0xffff  }
0x1fd: {  	v7 =	vadd.s32 $0x2, v7;
	v47 =	vld.idx.msk [tilespmem:v8+s4+$0x0], $0xffff  }
0x1fe: {  	v48 =	vadd.s32 $0x1, v8  }
0x1ff: {  	s28 =	sor.u32 $0x40, s22;
	[tilespmem:s20+$0x11780] =	vst v9  }
0x200: {  	s29 =	sor.u32 $0x50, s22;
	v49 =	vmov s28;
	v6 =	vld.idx.msk [tilespmem:v6+s4+$0x0], $0xffff;
	[tilespmem:s20+$0x11790] =	vst v45  }
0x201: {  	s30 =	sor.u32 $0x60, s22;
	v50 =	vmov s29;
	v9 =	vmul.u32 $0x3, v49;
	v5 =	vld.idx.msk [tilespmem:v5+s4+$0x0], $0xffff;
	[tilespmem:s20+$0x117A0] =	vst v46  }
0x202: {  	s22 =	sor.u32 $0x70, s22;
	v52 =	vmov s30;
	v10 =	vmul.u32 $0x3, v50;
	v7 =	vld.idx.msk [tilespmem:v7+s4+$0x0], $0xffff;
	[tilespmem:s20+$0xF6B0] =	vst v47  }
0x203: {  	v53 =	vmov s22;
	v12 =	vmul.u32 $0x3, v52;
	v9 =	vbroadcast v9, $0x0;
	v51 =	vld.idx.msk [tilespmem:v48+s4+$0x0], $0xffff  }
0x204: {  	v13 =	vmul.u32 $0x3, v53;
	v10 =	vbroadcast v10, $0x0;
	v8 =	vadd.s32 $0x2, v8  }
0x205: {  	v12 =	vbroadcast v12, $0x0;
	v54 =	vadd.s32 v0, v9;
	[tilespmem:s20+$0x13780] =	vst v6  }
0x206: {  	v13 =	vbroadcast v13, $0x0;
	v55 =	vadd.s32 v0, v10;
	[tilespmem:s20+$0x13790] =	vst v5  }
0x207: {  	v56 =	vadd.s32 v0, v12;
	[tilespmem:s20+$0x137A0] =	vst v7  }
0x208: {  	v57 =	vadd.s32 v0, v13;
	[tilespmem:s20+$0x116B0] =	vst v51  }
0x209: {  	v5 =	vld.idx.msk [tilespmem:v8+s4+$0x0], $0xffff  }
0x20a: {  	v6 =	vld.idx.msk [tilespmem:v54+s4+$0x0], $0xffff  }
0x20b: {  	v58 =	vadd.s32 v1, v9;
	v7 =	vld.idx.msk [tilespmem:v55+s4+$0x0], $0xffff  }
0x20c: {  	v59 =	vadd.s32 v1, v10;
	v11 =	vld.idx.msk [tilespmem:v56+s4+$0x0], $0xffff  }
0x20d: {  	v60 =	vadd.s32 v1, v12;
	v8 =	vld.idx.msk [tilespmem:v57+s4+$0x0], $0xffff  }
0x20e: {  	v61 =	vadd.s32 v1, v13  }
0x20f: {  	[tilespmem:s20+$0x14440] =	vst v6  }
0x210: {  	[tilespmem:s20+$0x14450] =	vst v7;
	v14 =	vld.idx.msk [tilespmem:v58+s4+$0x0], $0xffff  }
0x211: {  	v9 =	vadd.s32 v2, v9;
	[tilespmem:s20+$0x14460] =	vst v11;
	v7 =	vld.idx.msk [tilespmem:v59+s4+$0x0], $0xffff  }
0x212: {  	v10 =	vadd.s32 v2, v10;
	[tilespmem:s20+$0x14470] =	vst v8;
	v11 =	vld.idx.msk [tilespmem:v60+s4+$0x0], $0xffff  }
0x213: {  	v62 =	vadd.s32 v2, v12;
	v6 =	vld.idx.msk [tilespmem:v61+s4+$0x0], $0xffff  }
0x214: {  	v63 =	vadd.s32 v2, v13  }
0x215: {  	[tilespmem:s20+$0x144C0] =	vst v14  }
0x216: {  	[tilespmem:s20+$0x144D0] =	vst v7;
	v9 =	vld.idx.msk [tilespmem:v9+s4+$0x0], $0xffff  }
0x217: {  	[tilespmem:s20+$0x144E0] =	vst v11;
	v7 =	vld.idx.msk [tilespmem:v10+s4+$0x0], $0xffff  }
0x218: {  	[tilespmem:s20+$0x144F0] =	vst v6;
	v8 =	vld.idx.msk [tilespmem:v62+s4+$0x0], $0xffff  }
0x219: {  	v6 =	vld.idx.msk [tilespmem:v63+s4+$0x0], $0xffff;
	_ =	sdelay $0x1  }
0x21a: {  	[tilespmem:s20+$0x14540] =	vst v9  }
0x21b: {  	[tilespmem:s20+$0x14550] =	vst v7;
	v9 =	vld [tilespmem:s21+$0xE240]  }
0x21c: {  	[tilespmem:s20+$0x14560] =	vst v8;
	v7 =	vld [tilespmem:s21+$0xE250]  }
0x21d: {  	[tilespmem:s20+$0x14570] =	vst v6;
	v8 =	vld [tilespmem:s21+$0xE260]  }
0x21e: {  	v6 =	vld [tilespmem:s21+$0xE270];
	_ =	sdelay $0x1  }
0x21f: {  	v9 =	vcvt.s32.f32 v9  }
0x220: {  	v7 =	vcvt.s32.f32 v7  }
0x221: {  	v8 =	vcvt.s32.f32 v8;
	[tilespmem:s20+$0x145C0] =	vst v9  }
0x222: {  	v6 =	vcvt.s32.f32 v6;
	[tilespmem:s20+$0x145D0] =	vst v7;
	v9 =	vld [tilespmem:s21+$0xE040]  }
0x223: {  	[tilespmem:s20+$0x145E0] =	vst v8;
	v7 =	vld [tilespmem:s21+$0xE050]  }
0x224: {  	[tilespmem:s20+$0x145F0] =	vst v6;
	v8 =	vld [tilespmem:s21+$0xE060]  }
0x225: {  	v15 =	vld [tilespmem:s21+$0xE070];
	_ =	sdelay $0x2  }
0x226: {  	v16 =	vsub.s32 v9, v3  }
0x227: {  	v7 =	vsub.s32 v7, v3;
	v17 =	vsub.s32 v8, v3;
	vm12 =	vgt.s32 v16, $0x0  }
0x228: {  	v10 =	vsub.s32 v15, v3;
	vm13 =	vgt.s32 v7, $0x0;
	v6 =	vnsel vm12, $0x0, v16  }
0x229: {  	vm14 =	vgt.s32 v17, $0x0;
	v7 =	vnsel vm13, $0x0, v7;
	v6 =	vmin.u32 v6, $0x1FF0  }
0x22a: {  	vm15 =	vgt.s32 v10, $0x0;
	v18 =	vnsel vm14, $0x0, v17;
	v8 =	vmin.u32 v7, $0x1FF0  }
0x22b: {  	v19 =	vnsel vm15, $0x0, v10;
	v9 =	vmin.u32 v18, $0x1FF0  }
0x22c: {  	v7 =	vmin.u32 v19, $0x1FF0;
	_ =	sdelay $0x1  }
0x22d: {  	v20 =	vld.idx.msk [tilespmem:v6+s14+$0x0], $0xffff  }
0x22e: {  	v21 =	vld.idx.msk [tilespmem:v8+s14+$0x0], $0xffff  }
0x22f: {  	v22 =	vld.idx.msk [tilespmem:v9+s14+$0x0], $0xffff  }
0x230: {  	v23 =	vld.idx.msk [tilespmem:v7+s14+$0x0], $0xffff;
	_ =	sdelay $0x1  }
0x231: {  	v10 =	vmul.u32 $0x3, v20  }
0x232: {  	v11 =	vmul.u32 $0x3, v21  }
0x233: {  	v12 =	vmul.u32 $0x3, v22  }
0x234: {  	v13 =	vmul.u32 $0x3, v23;
	_ =	sdelay $0x2  }
0x235: {  	v14 =	vld.idx.msk [tilespmem:v10+s4+$0x0], $0xffff  }
0x236: {  	v24 =	vadd.s32 $0x1, v10;
	v25 =	vld.idx.msk [tilespmem:v11+s4+$0x0], $0xffff  }
0x237: {  	v26 =	vadd.s32 $0x1, v11;
	v18 =	vld.idx.msk [tilespmem:v12+s4+$0x0], $0xffff  }
0x238: {  	v19 =	vadd.s32 $0x1, v12;
	v20 =	vld.idx.msk [tilespmem:v13+s4+$0x0], $0xffff  }
0x239: {  	v21 =	vadd.s32 $0x1, v13  }
0x23a: {  	[tilespmem:s20+$0xE440] =	vst v14  }
0x23b: {  	[tilespmem:s20+$0xE450] =	vst v25;
	v14 =	vld.idx.msk [tilespmem:v24+s4+$0x0], $0xffff  }
0x23c: {  	v10 =	vadd.s32 $0x2, v10;
	[tilespmem:s20+$0xE460] =	vst v18;
	v27 =	vld.idx.msk [tilespmem:v26+s4+$0x0], $0xffff  }
0x23d: {  	v11 =	vadd.s32 $0x2, v11;
	[tilespmem:s20+$0xE470] =	vst v20;
	v28 =	vld.idx.msk [tilespmem:v19+s4+$0x0], $0xffff  }
0x23e: {  	v12 =	vadd.s32 $0x2, v12;
	v29 =	vld.idx.msk [tilespmem:v21+s4+$0x0], $0xffff  }
0x23f: {  	v13 =	vadd.s32 $0x2, v13  }
0x240: {  	[tilespmem:s20+$0x10440] =	vst v14  }
0x241: {  	[tilespmem:s20+$0x10450] =	vst v27;
	v10 =	vld.idx.msk [tilespmem:v10+s4+$0x0], $0xffff  }
0x242: {  	v30 =	vadd.s32 $0x1, v6;
	[tilespmem:s20+$0x10460] =	vst v28;
	v11 =	vld.idx.msk [tilespmem:v11+s4+$0x0], $0xffff  }
0x243: {  	v31 =	vadd.s32 $0x1, v8;
	[tilespmem:s20+$0x10470] =	vst v29;
	v12 =	vld.idx.msk [tilespmem:v12+s4+$0x0], $0xffff  }
0x244: {  	v32 =	vadd.s32 $0x1, v9;
	v13 =	vld.idx.msk [tilespmem:v13+s4+$0x0], $0xffff  }
0x245: {  	v33 =	vadd.s32 $0x1, v7  }
0x246: {  	[tilespmem:s20+$0x12440] =	vst v10  }
0x247: {  	[tilespmem:s20+$0x12450] =	vst v11;
	v10 =	vld.idx.msk [tilespmem:v30+s14+$0x0], $0xffff  }
0x248: {  	[tilespmem:s20+$0x12460] =	vst v12;
	v11 =	vld.idx.msk [tilespmem:v31+s14+$0x0], $0xffff  }
0x249: {  	[tilespmem:s20+$0x12470] =	vst v13;
	v12 =	vld.idx.msk [tilespmem:v32+s14+$0x0], $0xffff  }
0x24a: {  	v13 =	vld.idx.msk [tilespmem:v33+s14+$0x0], $0xffff;
	_ =	sdelay $0x1  }
0x24b: {  	v10 =	vmul.u32 $0x3, v10  }
0x24c: {  	v11 =	vmul.u32 $0x3, v11  }
0x24d: {  	v12 =	vmul.u32 $0x3, v12  }
0x24e: {  	v13 =	vmul.u32 $0x3, v13;
	_ =	sdelay $0x2  }
0x24f: {  	v34 =	vld.idx.msk [tilespmem:v10+s4+$0x0], $0xffff  }
0x250: {  	v35 =	vadd.s32 $0x1, v10;
	v36 =	vld.idx.msk [tilespmem:v11+s4+$0x0], $0xffff  }
0x251: {  	v37 =	vadd.s32 $0x1, v11;
	v18 =	vld.idx.msk [tilespmem:v12+s4+$0x0], $0xffff  }
0x252: {  	v38 =	vadd.s32 $0x1, v12;
	v20 =	vld.idx.msk [tilespmem:v13+s4+$0x0], $0xffff  }
0x253: {  	v39 =	vadd.s32 $0x1, v13  }
0x254: {  	[tilespmem:s20+$0xE4C0] =	vst v34  }
0x255: {  	[tilespmem:s20+$0xE4D0] =	vst v36;
	v14 =	vld.idx.msk [tilespmem:v35+s4+$0x0], $0xffff  }
0x256: {  	v10 =	vadd.s32 $0x2, v10;
	[tilespmem:s20+$0xE4E0] =	vst v18;
	v40 =	vld.idx.msk [tilespmem:v37+s4+$0x0], $0xffff  }
0x257: {  	v11 =	vadd.s32 $0x2, v11;
	[tilespmem:s20+$0xE4F0] =	vst v20;
	v41 =	vld.idx.msk [tilespmem:v38+s4+$0x0], $0xffff  }
0x258: {  	v12 =	vadd.s32 $0x2, v12;
	v42 =	vld.idx.msk [tilespmem:v39+s4+$0x0], $0xffff  }
0x259: {  	v13 =	vadd.s32 $0x2, v13  }
0x25a: {  	[tilespmem:s20+$0x104C0] =	vst v14  }
0x25b: {  	[tilespmem:s20+$0x104D0] =	vst v40;
	v10 =	vld.idx.msk [tilespmem:v10+s4+$0x0], $0xffff  }
0x25c: {  	v43 =	vadd.s32 $0x2, v6;
	[tilespmem:s20+$0x104E0] =	vst v41;
	v11 =	vld.idx.msk [tilespmem:v11+s4+$0x0], $0xffff  }
0x25d: {  	v44 =	vadd.s32 $0x2, v8;
	[tilespmem:s20+$0x104F0] =	vst v42;
	v12 =	vld.idx.msk [tilespmem:v12+s4+$0x0], $0xffff  }
0x25e: {  	v45 =	vadd.s32 $0x2, v9;
	v13 =	vld.idx.msk [tilespmem:v13+s4+$0x0], $0xffff  }
0x25f: {  	v46 =	vadd.s32 $0x2, v7  }
0x260: {  	[tilespmem:s20+$0x124C0] =	vst v10  }
0x261: {  	[tilespmem:s20+$0x124D0] =	vst v11;
	v10 =	vld.idx.msk [tilespmem:v43+s14+$0x0], $0xffff  }
0x262: {  	[tilespmem:s20+$0x124E0] =	vst v12;
	v11 =	vld.idx.msk [tilespmem:v44+s14+$0x0], $0xffff  }
0x263: {  	[tilespmem:s20+$0x124F0] =	vst v13;
	v12 =	vld.idx.msk [tilespmem:v45+s14+$0x0], $0xffff  }
0x264: {  	v13 =	vld.idx.msk [tilespmem:v46+s14+$0x0], $0xffff;
	_ =	sdelay $0x1  }
0x265: {  	v10 =	vmul.u32 $0x3, v10  }
0x266: {  	v11 =	vmul.u32 $0x3, v11  }
0x267: {  	v12 =	vmul.u32 $0x3, v12  }
0x268: {  	v13 =	vmul.u32 $0x3, v13;
	_ =	sdelay $0x2  }
0x269: {  	v47 =	vld.idx.msk [tilespmem:v10+s4+$0x0], $0xffff  }
0x26a: {  	v48 =	vadd.s32 $0x1, v10;
	v49 =	vld.idx.msk [tilespmem:v11+s4+$0x0], $0xffff  }
0x26b: {  	v50 =	vadd.s32 $0x1, v11;
	v18 =	vld.idx.msk [tilespmem:v12+s4+$0x0], $0xffff  }
0x26c: {  	v51 =	vadd.s32 $0x1, v12;
	v20 =	vld.idx.msk [tilespmem:v13+s4+$0x0], $0xffff  }
0x26d: {  	v52 =	vadd.s32 $0x1, v13  }
0x26e: {  	[tilespmem:s20+$0xE540] =	vst v47  }
0x26f: {  	[tilespmem:s20+$0xE550] =	vst v49;
	v14 =	vld.idx.msk [tilespmem:v48+s4+$0x0], $0xffff  }
0x270: {  	v10 =	vadd.s32 $0x2, v10;
	[tilespmem:s20+$0xE560] =	vst v18;
	v53 =	vld.idx.msk [tilespmem:v50+s4+$0x0], $0xffff  }
0x271: {  	v11 =	vadd.s32 $0x2, v11;
	[tilespmem:s20+$0xE570] =	vst v20;
	v54 =	vld.idx.msk [tilespmem:v51+s4+$0x0], $0xffff  }
0x272: {  	v12 =	vadd.s32 $0x2, v12;
	v55 =	vld.idx.msk [tilespmem:v52+s4+$0x0], $0xffff  }
0x273: {  	v13 =	vadd.s32 $0x2, v13  }
0x274: {  	[tilespmem:s20+$0x10540] =	vst v14  }
0x275: {  	[tilespmem:s20+$0x10550] =	vst v53;
	v10 =	vld.idx.msk [tilespmem:v10+s4+$0x0], $0xffff  }
0x276: {  	v56 =	vadd.s32 $0x3, v6;
	[tilespmem:s20+$0x10560] =	vst v54;
	v11 =	vld.idx.msk [tilespmem:v11+s4+$0x0], $0xffff  }
0x277: {  	v57 =	vadd.s32 $0x3, v8;
	[tilespmem:s20+$0x10570] =	vst v55;
	v12 =	vld.idx.msk [tilespmem:v12+s4+$0x0], $0xffff  }
0x278: {  	v58 =	vadd.s32 $0x3, v9;
	v13 =	vld.idx.msk [tilespmem:v13+s4+$0x0], $0xffff  }
0x279: {  	v59 =	vadd.s32 $0x3, v7  }
0x27a: {  	[tilespmem:s20+$0x12540] =	vst v10  }
0x27b: {  	[tilespmem:s20+$0x12550] =	vst v11;
	v10 =	vld.idx.msk [tilespmem:v56+s14+$0x0], $0xffff  }
0x27c: {  	[tilespmem:s20+$0x12560] =	vst v12;
	v11 =	vld.idx.msk [tilespmem:v57+s14+$0x0], $0xffff  }
0x27d: {  	[tilespmem:s20+$0x12570] =	vst v13;
	v12 =	vld.idx.msk [tilespmem:v58+s14+$0x0], $0xffff  }
0x27e: {  	v13 =	vld.idx.msk [tilespmem:v59+s14+$0x0], $0xffff;
	_ =	sdelay $0x1  }
0x27f: {  	v10 =	vmul.u32 $0x3, v10  }
0x280: {  	v11 =	vmul.u32 $0x3, v11  }
0x281: {  	v12 =	vmul.u32 $0x3, v12  }
0x282: {  	v13 =	vmul.u32 $0x3, v13;
	_ =	sdelay $0x2  }
0x283: {  	v60 =	vld.idx.msk [tilespmem:v10+s4+$0x0], $0xffff  }
0x284: {  	v61 =	vadd.s32 $0x1, v10;
	v62 =	vld.idx.msk [tilespmem:v11+s4+$0x0], $0xffff  }
0x285: {  	v63 =	vadd.s32 $0x1, v11;
	v18 =	vld.idx.msk [tilespmem:v12+s4+$0x0], $0xffff  }
0x286: {  	v24 =	vadd.s32 $0x1, v12;
	v20 =	vld.idx.msk [tilespmem:v13+s4+$0x0], $0xffff  }
0x287: {  	v25 =	vadd.s32 $0x1, v13  }
0x288: {  	[tilespmem:s20+$0xE5C0] =	vst v60  }
0x289: {  	[tilespmem:s20+$0xE5D0] =	vst v62;
	v14 =	vld.idx.msk [tilespmem:v61+s4+$0x0], $0xffff  }
0x28a: {  	v10 =	vadd.s32 $0x2, v10;
	[tilespmem:s20+$0xE5E0] =	vst v18;
	v26 =	vld.idx.msk [tilespmem:v63+s4+$0x0], $0xffff  }
0x28b: {  	v11 =	vadd.s32 $0x2, v11;
	[tilespmem:s20+$0xE5F0] =	vst v20;
	v27 =	vld.idx.msk [tilespmem:v24+s4+$0x0], $0xffff  }
0x28c: {  	v12 =	vadd.s32 $0x2, v12;
	v28 =	vld.idx.msk [tilespmem:v25+s4+$0x0], $0xffff  }
0x28d: {  	v13 =	vadd.s32 $0x2, v13  }
0x28e: {  	[tilespmem:s20+$0x105C0] =	vst v14  }
0x28f: {  	[tilespmem:s20+$0x105D0] =	vst v26;
	v10 =	vld.idx.msk [tilespmem:v10+s4+$0x0], $0xffff  }
0x290: {  	v29 =	vadd.s32 $0x4, v6;
	[tilespmem:s20+$0x105E0] =	vst v27;
	v11 =	vld.idx.msk [tilespmem:v11+s4+$0x0], $0xffff  }
0x291: {  	v30 =	vadd.s32 $0x4, v8;
	[tilespmem:s20+$0x105F0] =	vst v28;
	v12 =	vld.idx.msk [tilespmem:v12+s4+$0x0], $0xffff  }
0x292: {  	v31 =	vadd.s32 $0x4, v9;
	v13 =	vld.idx.msk [tilespmem:v13+s4+$0x0], $0xffff  }
0x293: {  	v32 =	vadd.s32 $0x4, v7  }
0x294: {  	[tilespmem:s20+$0x125C0] =	vst v10  }
0x295: {  	[tilespmem:s20+$0x125D0] =	vst v11;
	v10 =	vld.idx.msk [tilespmem:v29+s14+$0x0], $0xffff  }
0x296: {  	[tilespmem:s20+$0x125E0] =	vst v12;
	v11 =	vld.idx.msk [tilespmem:v30+s14+$0x0], $0xffff  }
0x297: {  	[tilespmem:s20+$0x125F0] =	vst v13;
	v12 =	vld.idx.msk [tilespmem:v31+s14+$0x0], $0xffff  }
0x298: {  	v13 =	vld.idx.msk [tilespmem:v32+s14+$0x0], $0xffff;
	_ =	sdelay $0x1  }
0x299: {  	v10 =	vmul.u32 $0x3, v10  }
0x29a: {  	v11 =	vmul.u32 $0x3, v11  }
0x29b: {  	v12 =	vmul.u32 $0x3, v12  }
0x29c: {  	v13 =	vmul.u32 $0x3, v13;
	_ =	sdelay $0x2  }
0x29d: {  	v33 =	vld.idx.msk [tilespmem:v10+s4+$0x0], $0xffff  }
0x29e: {  	v34 =	vadd.s32 $0x1, v10;
	v35 =	vld.idx.msk [tilespmem:v11+s4+$0x0], $0xffff  }
0x29f: {  	v36 =	vadd.s32 $0x1, v11;
	v18 =	vld.idx.msk [tilespmem:v12+s4+$0x0], $0xffff  }
0x2a0: {  	v37 =	vadd.s32 $0x1, v12;
	v20 =	vld.idx.msk [tilespmem:v13+s4+$0x0], $0xffff  }
0x2a1: {  	v38 =	vadd.s32 $0x1, v13  }
0x2a2: {  	[tilespmem:s20+$0xE640] =	vst v33  }
0x2a3: {  	[tilespmem:s20+$0xE650] =	vst v35;
	v14 =	vld.idx.msk [tilespmem:v34+s4+$0x0], $0xffff  }
0x2a4: {  	v10 =	vadd.s32 $0x2, v10;
	[tilespmem:s20+$0xE660] =	vst v18;
	v39 =	vld.idx.msk [tilespmem:v36+s4+$0x0], $0xffff  }
0x2a5: {  	v11 =	vadd.s32 $0x2, v11;
	[tilespmem:s20+$0xE670] =	vst v20;
	v40 =	vld.idx.msk [tilespmem:v37+s4+$0x0], $0xffff  }
0x2a6: {  	v12 =	vadd.s32 $0x2, v12;
	v41 =	vld.idx.msk [tilespmem:v38+s4+$0x0], $0xffff  }
0x2a7: {  	v13 =	vadd.s32 $0x2, v13  }
0x2a8: {  	[tilespmem:s20+$0x10640] =	vst v14  }
0x2a9: {  	[tilespmem:s20+$0x10650] =	vst v39;
	v10 =	vld.idx.msk [tilespmem:v10+s4+$0x0], $0xffff  }
0x2aa: {  	v42 =	vadd.s32 $0x5, v6;
	[tilespmem:s20+$0x10660] =	vst v40;
	v11 =	vld.idx.msk [tilespmem:v11+s4+$0x0], $0xffff  }
0x2ab: {  	v43 =	vadd.s32 $0x5, v8;
	[tilespmem:s20+$0x10670] =	vst v41;
	v12 =	vld.idx.msk [tilespmem:v12+s4+$0x0], $0xffff  }
0x2ac: {  	v44 =	vadd.s32 $0x5, v9;
	v13 =	vld.idx.msk [tilespmem:v13+s4+$0x0], $0xffff  }
0x2ad: {  	v45 =	vadd.s32 $0x5, v7  }
0x2ae: {  	[tilespmem:s20+$0x12640] =	vst v10  }
0x2af: {  	[tilespmem:s20+$0x12650] =	vst v11;
	v10 =	vld.idx.msk [tilespmem:v42+s14+$0x0], $0xffff  }
0x2b0: {  	[tilespmem:s20+$0x12660] =	vst v12;
	v11 =	vld.idx.msk [tilespmem:v43+s14+$0x0], $0xffff  }
0x2b1: {  	[tilespmem:s20+$0x12670] =	vst v13;
	v12 =	vld.idx.msk [tilespmem:v44+s14+$0x0], $0xffff  }
0x2b2: {  	v13 =	vld.idx.msk [tilespmem:v45+s14+$0x0], $0xffff;
	_ =	sdelay $0x1  }
0x2b3: {  	v10 =	vmul.u32 $0x3, v10  }
0x2b4: {  	v11 =	vmul.u32 $0x3, v11  }
0x2b5: {  	v12 =	vmul.u32 $0x3, v12  }
0x2b6: {  	v13 =	vmul.u32 $0x3, v13;
	_ =	sdelay $0x2  }
0x2b7: {  	v46 =	vld.idx.msk [tilespmem:v10+s4+$0x0], $0xffff  }
0x2b8: {  	v47 =	vadd.s32 $0x1, v10;
	v48 =	vld.idx.msk [tilespmem:v11+s4+$0x0], $0xffff  }
0x2b9: {  	v49 =	vadd.s32 $0x1, v11;
	v18 =	vld.idx.msk [tilespmem:v12+s4+$0x0], $0xffff  }
0x2ba: {  	v50 =	vadd.s32 $0x1, v12;
	v20 =	vld.idx.msk [tilespmem:v13+s4+$0x0], $0xffff  }
0x2bb: {  	v51 =	vadd.s32 $0x1, v13  }
0x2bc: {  	[tilespmem:s20+$0xE6C0] =	vst v46  }
0x2bd: {  	[tilespmem:s20+$0xE6D0] =	vst v48;
	v14 =	vld.idx.msk [tilespmem:v47+s4+$0x0], $0xffff  }
0x2be: {  	v10 =	vadd.s32 $0x2, v10;
	[tilespmem:s20+$0xE6E0] =	vst v18;
	v52 =	vld.idx.msk [tilespmem:v49+s4+$0x0], $0xffff  }
0x2bf: {  	v11 =	vadd.s32 $0x2, v11;
	[tilespmem:s20+$0xE6F0] =	vst v20;
	v53 =	vld.idx.msk [tilespmem:v50+s4+$0x0], $0xffff  }
0x2c0: {  	v12 =	vadd.s32 $0x2, v12;
	v54 =	vld.idx.msk [tilespmem:v51+s4+$0x0], $0xffff  }
0x2c1: {  	v13 =	vadd.s32 $0x2, v13  }
0x2c2: {  	[tilespmem:s20+$0x106C0] =	vst v14  }
0x2c3: {  	[tilespmem:s20+$0x106D0] =	vst v52;
	v10 =	vld.idx.msk [tilespmem:v10+s4+$0x0], $0xffff  }
0x2c4: {  	v55 =	vadd.s32 $0x6, v6;
	[tilespmem:s20+$0x106E0] =	vst v53;
	v11 =	vld.idx.msk [tilespmem:v11+s4+$0x0], $0xffff  }
0x2c5: {  	v56 =	vadd.s32 $0x6, v8;
	[tilespmem:s20+$0x106F0] =	vst v54;
	v12 =	vld.idx.msk [tilespmem:v12+s4+$0x0], $0xffff  }
0x2c6: {  	v57 =	vadd.s32 $0x6, v9;
	v13 =	vld.idx.msk [tilespmem:v13+s4+$0x0], $0xffff  }
0x2c7: {  	v58 =	vadd.s32 $0x6, v7  }
0x2c8: {  	[tilespmem:s20+$0x126C0] =	vst v10  }
0x2c9: {  	[tilespmem:s20+$0x126D0] =	vst v11;
	v10 =	vld.idx.msk [tilespmem:v55+s14+$0x0], $0xffff  }
0x2ca: {  	[tilespmem:s20+$0x126E0] =	vst v12;
	v11 =	vld.idx.msk [tilespmem:v56+s14+$0x0], $0xffff  }
0x2cb: {  	[tilespmem:s20+$0x126F0] =	vst v13;
	v12 =	vld.idx.msk [tilespmem:v57+s14+$0x0], $0xffff  }
0x2cc: {  	v13 =	vld.idx.msk [tilespmem:v58+s14+$0x0], $0xffff;
	_ =	sdelay $0x1  }
0x2cd: {  	v10 =	vmul.u32 $0x3, v10  }
0x2ce: {  	v11 =	vmul.u32 $0x3, v11  }
0x2cf: {  	v12 =	vmul.u32 $0x3, v12  }
0x2d0: {  	v13 =	vmul.u32 $0x3, v13;
	_ =	sdelay $0x2  }
0x2d1: {  	v59 =	vld.idx.msk [tilespmem:v10+s4+$0x0], $0xffff  }
0x2d2: {  	v60 =	vadd.s32 $0x1, v10;
	v61 =	vld.idx.msk [tilespmem:v11+s4+$0x0], $0xffff  }
0x2d3: {  	v62 =	vadd.s32 $0x1, v11;
	v18 =	vld.idx.msk [tilespmem:v12+s4+$0x0], $0xffff  }
0x2d4: {  	v63 =	vadd.s32 $0x1, v12;
	v20 =	vld.idx.msk [tilespmem:v13+s4+$0x0], $0xffff  }
0x2d5: {  	v24 =	vadd.s32 $0x1, v13  }
0x2d6: {  	[tilespmem:s20+$0xE740] =	vst v59  }
0x2d7: {  	[tilespmem:s20+$0xE750] =	vst v61;
	v14 =	vld.idx.msk [tilespmem:v60+s4+$0x0], $0xffff  }
0x2d8: {  	v10 =	vadd.s32 $0x2, v10;
	[tilespmem:s20+$0xE760] =	vst v18;
	v25 =	vld.idx.msk [tilespmem:v62+s4+$0x0], $0xffff  }
0x2d9: {  	v11 =	vadd.s32 $0x2, v11;
	[tilespmem:s20+$0xE770] =	vst v20;
	v26 =	vld.idx.msk [tilespmem:v63+s4+$0x0], $0xffff  }
0x2da: {  	v12 =	vadd.s32 $0x2, v12;
	v27 =	vld.idx.msk [tilespmem:v24+s4+$0x0], $0xffff  }
0x2db: {  	v13 =	vadd.s32 $0x2, v13  }
0x2dc: {  	[tilespmem:s20+$0x10740] =	vst v14  }
0x2dd: {  	[tilespmem:s20+$0x10750] =	vst v25;
	v10 =	vld.idx.msk [tilespmem:v10+s4+$0x0], $0xffff  }
0x2de: {  	v28 =	vadd.s32 $0x7, v6;
	[tilespmem:s20+$0x10760] =	vst v26;
	v11 =	vld.idx.msk [tilespmem:v11+s4+$0x0], $0xffff  }
0x2df: {  	v29 =	vadd.s32 $0x7, v8;
	[tilespmem:s20+$0x10770] =	vst v27;
	v12 =	vld.idx.msk [tilespmem:v12+s4+$0x0], $0xffff  }
0x2e0: {  	v30 =	vadd.s32 $0x7, v9;
	v13 =	vld.idx.msk [tilespmem:v13+s4+$0x0], $0xffff  }
0x2e1: {  	v31 =	vadd.s32 $0x7, v7  }
0x2e2: {  	[tilespmem:s20+$0x12740] =	vst v10  }
0x2e3: {  	[tilespmem:s20+$0x12750] =	vst v11;
	v10 =	vld.idx.msk [tilespmem:v28+s14+$0x0], $0xffff  }
0x2e4: {  	[tilespmem:s20+$0x12760] =	vst v12;
	v11 =	vld.idx.msk [tilespmem:v29+s14+$0x0], $0xffff  }
0x2e5: {  	[tilespmem:s20+$0x12770] =	vst v13;
	v12 =	vld.idx.msk [tilespmem:v30+s14+$0x0], $0xffff  }
0x2e6: {  	v13 =	vld.idx.msk [tilespmem:v31+s14+$0x0], $0xffff;
	_ =	sdelay $0x1  }
0x2e7: {  	v10 =	vmul.u32 $0x3, v10  }
0x2e8: {  	v11 =	vmul.u32 $0x3, v11  }
0x2e9: {  	v12 =	vmul.u32 $0x3, v12  }
0x2ea: {  	v13 =	vmul.u32 $0x3, v13;
	_ =	sdelay $0x2  }
0x2eb: {  	v32 =	vld.idx.msk [tilespmem:v10+s4+$0x0], $0xffff  }
0x2ec: {  	v33 =	vadd.s32 $0x1, v10;
	v34 =	vld.idx.msk [tilespmem:v11+s4+$0x0], $0xffff  }
0x2ed: {  	v35 =	vadd.s32 $0x1, v11;
	v18 =	vld.idx.msk [tilespmem:v12+s4+$0x0], $0xffff  }
0x2ee: {  	v36 =	vadd.s32 $0x1, v12;
	v20 =	vld.idx.msk [tilespmem:v13+s4+$0x0], $0xffff  }
0x2ef: {  	v37 =	vadd.s32 $0x1, v13  }
0x2f0: {  	[tilespmem:s20+$0xE7C0] =	vst v32  }
0x2f1: {  	[tilespmem:s20+$0xE7D0] =	vst v34;
	v14 =	vld.idx.msk [tilespmem:v33+s4+$0x0], $0xffff  }
0x2f2: {  	v10 =	vadd.s32 $0x2, v10;
	[tilespmem:s20+$0xE7E0] =	vst v18;
	v38 =	vld.idx.msk [tilespmem:v35+s4+$0x0], $0xffff  }
0x2f3: {  	v11 =	vadd.s32 $0x2, v11;
	[tilespmem:s20+$0xE7F0] =	vst v20;
	v39 =	vld.idx.msk [tilespmem:v36+s4+$0x0], $0xffff  }
0x2f4: {  	v12 =	vadd.s32 $0x2, v12;
	v40 =	vld.idx.msk [tilespmem:v37+s4+$0x0], $0xffff  }
0x2f5: {  	v13 =	vadd.s32 $0x2, v13  }
0x2f6: {  	[tilespmem:s20+$0x107C0] =	vst v14  }
0x2f7: {  	[tilespmem:s20+$0x107D0] =	vst v38;
	v10 =	vld.idx.msk [tilespmem:v10+s4+$0x0], $0xffff  }
0x2f8: {  	v41 =	vadd.s32 $0x8, v6;
	[tilespmem:s20+$0x107E0] =	vst v39;
	v11 =	vld.idx.msk [tilespmem:v11+s4+$0x0], $0xffff  }
0x2f9: {  	v42 =	vadd.s32 $0x8, v8;
	[tilespmem:s20+$0x107F0] =	vst v40;
	v12 =	vld.idx.msk [tilespmem:v12+s4+$0x0], $0xffff  }
0x2fa: {  	v43 =	vadd.s32 $0x8, v9;
	v13 =	vld.idx.msk [tilespmem:v13+s4+$0x0], $0xffff  }
0x2fb: {  	v44 =	vadd.s32 $0x8, v7  }
0x2fc: {  	[tilespmem:s20+$0x127C0] =	vst v10  }
0x2fd: {  	[tilespmem:s20+$0x127D0] =	vst v11;
	v10 =	vld.idx.msk [tilespmem:v41+s14+$0x0], $0xffff  }
0x2fe: {  	[tilespmem:s20+$0x127E0] =	vst v12;
	v11 =	vld.idx.msk [tilespmem:v42+s14+$0x0], $0xffff  }
0x2ff: {  	[tilespmem:s20+$0x127F0] =	vst v13;
	v12 =	vld.idx.msk [tilespmem:v43+s14+$0x0], $0xffff  }
0x300: {  	v13 =	vld.idx.msk [tilespmem:v44+s14+$0x0], $0xffff;
	_ =	sdelay $0x1  }
0x301: {  	v10 =	vmul.u32 $0x3, v10  }
0x302: {  	v11 =	vmul.u32 $0x3, v11  }
0x303: {  	v12 =	vmul.u32 $0x3, v12  }
0x304: {  	v13 =	vmul.u32 $0x3, v13;
	_ =	sdelay $0x2  }
0x305: {  	v45 =	vld.idx.msk [tilespmem:v10+s4+$0x0], $0xffff  }
0x306: {  	v46 =	vadd.s32 $0x1, v10;
	v47 =	vld.idx.msk [tilespmem:v11+s4+$0x0], $0xffff  }
0x307: {  	v48 =	vadd.s32 $0x1, v11;
	v18 =	vld.idx.msk [tilespmem:v12+s4+$0x0], $0xffff  }
0x308: {  	v49 =	vadd.s32 $0x1, v12;
	v20 =	vld.idx.msk [tilespmem:v13+s4+$0x0], $0xffff  }
0x309: {  	v50 =	vadd.s32 $0x1, v13  }
0x30a: {  	[tilespmem:s20+$0xF440] =	vst v45  }
0x30b: {  	[tilespmem:s20+$0xF450] =	vst v47;
	v14 =	vld.idx.msk [tilespmem:v46+s4+$0x0], $0xffff  }
0x30c: {  	v10 =	vadd.s32 $0x2, v10;
	[tilespmem:s20+$0xF460] =	vst v18;
	v51 =	vld.idx.msk [tilespmem:v48+s4+$0x0], $0xffff  }
0x30d: {  	v11 =	vadd.s32 $0x2, v11;
	[tilespmem:s20+$0xF470] =	vst v20;
	v52 =	vld.idx.msk [tilespmem:v49+s4+$0x0], $0xffff  }
0x30e: {  	v12 =	vadd.s32 $0x2, v12;
	v53 =	vld.idx.msk [tilespmem:v50+s4+$0x0], $0xffff  }
0x30f: {  	v13 =	vadd.s32 $0x2, v13  }
0x310: {  	[tilespmem:s20+$0x11440] =	vst v14  }
0x311: {  	[tilespmem:s20+$0x11450] =	vst v51;
	v10 =	vld.idx.msk [tilespmem:v10+s4+$0x0], $0xffff  }
0x312: {  	v54 =	vadd.s32 $0x9, v6;
	[tilespmem:s20+$0x11460] =	vst v52;
	v11 =	vld.idx.msk [tilespmem:v11+s4+$0x0], $0xffff  }
0x313: {  	v55 =	vadd.s32 $0x9, v8;
	[tilespmem:s20+$0x11470] =	vst v53;
	v12 =	vld.idx.msk [tilespmem:v12+s4+$0x0], $0xffff  }
0x314: {  	v56 =	vadd.s32 $0x9, v9;
	v13 =	vld.idx.msk [tilespmem:v13+s4+$0x0], $0xffff  }
0x315: {  	v57 =	vadd.s32 $0x9, v7  }
0x316: {  	[tilespmem:s20+$0x13440] =	vst v10  }
0x317: {  	[tilespmem:s20+$0x13450] =	vst v11;
	v10 =	vld.idx.msk [tilespmem:v54+s14+$0x0], $0xffff  }
0x318: {  	[tilespmem:s20+$0x13460] =	vst v12;
	v11 =	vld.idx.msk [tilespmem:v55+s14+$0x0], $0xffff  }
0x319: {  	[tilespmem:s20+$0x13470] =	vst v13;
	v12 =	vld.idx.msk [tilespmem:v56+s14+$0x0], $0xffff  }
0x31a: {  	v13 =	vld.idx.msk [tilespmem:v57+s14+$0x0], $0xffff;
	_ =	sdelay $0x1  }
0x31b: {  	v10 =	vmul.u32 $0x3, v10  }
0x31c: {  	v11 =	vmul.u32 $0x3, v11  }
0x31d: {  	v12 =	vmul.u32 $0x3, v12  }
0x31e: {  	v13 =	vmul.u32 $0x3, v13;
	_ =	sdelay $0x2  }
0x31f: {  	v58 =	vld.idx.msk [tilespmem:v10+s4+$0x0], $0xffff  }
0x320: {  	v59 =	vadd.s32 $0x1, v10;
	v60 =	vld.idx.msk [tilespmem:v11+s4+$0x0], $0xffff  }
0x321: {  	v61 =	vadd.s32 $0x1, v11;
	v18 =	vld.idx.msk [tilespmem:v12+s4+$0x0], $0xffff  }
0x322: {  	v62 =	vadd.s32 $0x1, v12;
	v20 =	vld.idx.msk [tilespmem:v13+s4+$0x0], $0xffff  }
0x323: {  	v63 =	vadd.s32 $0x1, v13  }
0x324: {  	[tilespmem:s20+$0xF4C0] =	vst v58  }
0x325: {  	[tilespmem:s20+$0xF4D0] =	vst v60;
	v14 =	vld.idx.msk [tilespmem:v59+s4+$0x0], $0xffff  }
0x326: {  	v10 =	vadd.s32 $0x2, v10;
	[tilespmem:s20+$0xF4E0] =	vst v18;
	v23 =	vld.idx.msk [tilespmem:v61+s4+$0x0], $0xffff  }
0x327: {  	v11 =	vadd.s32 $0x2, v11;
	[tilespmem:s20+$0xF4F0] =	vst v20;
	v24 =	vld.idx.msk [tilespmem:v62+s4+$0x0], $0xffff  }
0x328: {  	v12 =	vadd.s32 $0x2, v12;
	v25 =	vld.idx.msk [tilespmem:v63+s4+$0x0], $0xffff  }
0x329: {  	v13 =	vadd.s32 $0x2, v13  }
0x32a: {  	[tilespmem:s20+$0x114C0] =	vst v14  }
0x32b: {  	[tilespmem:s20+$0x114D0] =	vst v23;
	v10 =	vld.idx.msk [tilespmem:v10+s4+$0x0], $0xffff  }
0x32c: {  	v26 =	vadd.s32 $0xA, v6;
	[tilespmem:s20+$0x114E0] =	vst v24;
	v11 =	vld.idx.msk [tilespmem:v11+s4+$0x0], $0xffff  }
0x32d: {  	v27 =	vadd.s32 $0xA, v8;
	[tilespmem:s20+$0x114F0] =	vst v25;
	v12 =	vld.idx.msk [tilespmem:v12+s4+$0x0], $0xffff  }
0x32e: {  	v28 =	vadd.s32 $0xA, v9;
	v13 =	vld.idx.msk [tilespmem:v13+s4+$0x0], $0xffff  }
0x32f: {  	v29 =	vadd.s32 $0xA, v7  }
0x330: {  	[tilespmem:s20+$0x134C0] =	vst v10  }
0x331: {  	[tilespmem:s20+$0x134D0] =	vst v11;
	v10 =	vld.idx.msk [tilespmem:v26+s14+$0x0], $0xffff  }
0x332: {  	[tilespmem:s20+$0x134E0] =	vst v12;
	v11 =	vld.idx.msk [tilespmem:v27+s14+$0x0], $0xffff  }
0x333: {  	[tilespmem:s20+$0x134F0] =	vst v13;
	v12 =	vld.idx.msk [tilespmem:v28+s14+$0x0], $0xffff  }
0x334: {  	v13 =	vld.idx.msk [tilespmem:v29+s14+$0x0], $0xffff;
	_ =	sdelay $0x1  }
0x335: {  	v10 =	vmul.u32 $0x3, v10  }
0x336: {  	v11 =	vmul.u32 $0x3, v11  }
0x337: {  	v12 =	vmul.u32 $0x3, v12  }
0x338: {  	v13 =	vmul.u32 $0x3, v13;
	_ =	sdelay $0x2  }
0x339: {  	v30 =	vld.idx.msk [tilespmem:v10+s4+$0x0], $0xffff  }
0x33a: {  	v31 =	vadd.s32 $0x1, v10;
	v32 =	vld.idx.msk [tilespmem:v11+s4+$0x0], $0xffff  }
0x33b: {  	v33 =	vadd.s32 $0x1, v11;
	v18 =	vld.idx.msk [tilespmem:v12+s4+$0x0], $0xffff  }
0x33c: {  	v34 =	vadd.s32 $0x1, v12;
	v20 =	vld.idx.msk [tilespmem:v13+s4+$0x0], $0xffff  }
0x33d: {  	v35 =	vadd.s32 $0x1, v13  }
0x33e: {  	[tilespmem:s20+$0xF540] =	vst v30  }
0x33f: {  	[tilespmem:s20+$0xF550] =	vst v32;
	v14 =	vld.idx.msk [tilespmem:v31+s4+$0x0], $0xffff  }
0x340: {  	v10 =	vadd.s32 $0x2, v10;
	[tilespmem:s20+$0xF560] =	vst v18;
	v36 =	vld.idx.msk [tilespmem:v33+s4+$0x0], $0xffff  }
0x341: {  	v11 =	vadd.s32 $0x2, v11;
	[tilespmem:s20+$0xF570] =	vst v20;
	v37 =	vld.idx.msk [tilespmem:v34+s4+$0x0], $0xffff  }
0x342: {  	v12 =	vadd.s32 $0x2, v12;
	v38 =	vld.idx.msk [tilespmem:v35+s4+$0x0], $0xffff  }
0x343: {  	v13 =	vadd.s32 $0x2, v13  }
0x344: {  	[tilespmem:s20+$0x11540] =	vst v14  }
0x345: {  	[tilespmem:s20+$0x11550] =	vst v36;
	v10 =	vld.idx.msk [tilespmem:v10+s4+$0x0], $0xffff  }
0x346: {  	v39 =	vadd.s32 $0xB, v6;
	[tilespmem:s20+$0x11560] =	vst v37;
	v11 =	vld.idx.msk [tilespmem:v11+s4+$0x0], $0xffff  }
0x347: {  	v40 =	vadd.s32 $0xB, v8;
	[tilespmem:s20+$0x11570] =	vst v38;
	v12 =	vld.idx.msk [tilespmem:v12+s4+$0x0], $0xffff  }
0x348: {  	v41 =	vadd.s32 $0xB, v9;
	v13 =	vld.idx.msk [tilespmem:v13+s4+$0x0], $0xffff  }
0x349: {  	v42 =	vadd.s32 $0xB, v7  }
0x34a: {  	[tilespmem:s20+$0x13540] =	vst v10  }
0x34b: {  	[tilespmem:s20+$0x13550] =	vst v11;
	v10 =	vld.idx.msk [tilespmem:v39+s14+$0x0], $0xffff  }
0x34c: {  	[tilespmem:s20+$0x13560] =	vst v12;
	v11 =	vld.idx.msk [tilespmem:v40+s14+$0x0], $0xffff  }
0x34d: {  	[tilespmem:s20+$0x13570] =	vst v13;
	v12 =	vld.idx.msk [tilespmem:v41+s14+$0x0], $0xffff  }
0x34e: {  	v13 =	vld.idx.msk [tilespmem:v42+s14+$0x0], $0xffff;
	_ =	sdelay $0x1  }
0x34f: {  	v10 =	vmul.u32 $0x3, v10  }
0x350: {  	v11 =	vmul.u32 $0x3, v11  }
0x351: {  	v12 =	vmul.u32 $0x3, v12  }
0x352: {  	v13 =	vmul.u32 $0x3, v13;
	_ =	sdelay $0x2  }
0x353: {  	v43 =	vld.idx.msk [tilespmem:v10+s4+$0x0], $0xffff  }
0x354: {  	v44 =	vadd.s32 $0x1, v10;
	v45 =	vld.idx.msk [tilespmem:v11+s4+$0x0], $0xffff  }
0x355: {  	v46 =	vadd.s32 $0x1, v11;
	v18 =	vld.idx.msk [tilespmem:v12+s4+$0x0], $0xffff  }
0x356: {  	v47 =	vadd.s32 $0x1, v12;
	v20 =	vld.idx.msk [tilespmem:v13+s4+$0x0], $0xffff  }
0x357: {  	v48 =	vadd.s32 $0x1, v13  }
0x358: {  	[tilespmem:s20+$0xF5C0] =	vst v43  }
0x359: {  	[tilespmem:s20+$0xF5D0] =	vst v45;
	v14 =	vld.idx.msk [tilespmem:v44+s4+$0x0], $0xffff  }
0x35a: {  	v10 =	vadd.s32 $0x2, v10;
	[tilespmem:s20+$0xF5E0] =	vst v18;
	v49 =	vld.idx.msk [tilespmem:v46+s4+$0x0], $0xffff  }
0x35b: {  	v11 =	vadd.s32 $0x2, v11;
	[tilespmem:s20+$0xF5F0] =	vst v20;
	v50 =	vld.idx.msk [tilespmem:v47+s4+$0x0], $0xffff  }
0x35c: {  	v12 =	vadd.s32 $0x2, v12;
	v51 =	vld.idx.msk [tilespmem:v48+s4+$0x0], $0xffff  }
0x35d: {  	v13 =	vadd.s32 $0x2, v13  }
0x35e: {  	[tilespmem:s20+$0x115C0] =	vst v14  }
0x35f: {  	[tilespmem:s20+$0x115D0] =	vst v49;
	v10 =	vld.idx.msk [tilespmem:v10+s4+$0x0], $0xffff  }
0x360: {  	v52 =	vadd.s32 $0xC, v6;
	[tilespmem:s20+$0x115E0] =	vst v50;
	v11 =	vld.idx.msk [tilespmem:v11+s4+$0x0], $0xffff  }
0x361: {  	v53 =	vadd.s32 $0xC, v8;
	[tilespmem:s20+$0x115F0] =	vst v51;
	v12 =	vld.idx.msk [tilespmem:v12+s4+$0x0], $0xffff  }
0x362: {  	v54 =	vadd.s32 $0xC, v9;
	v13 =	vld.idx.msk [tilespmem:v13+s4+$0x0], $0xffff  }
0x363: {  	v55 =	vadd.s32 $0xC, v7  }
0x364: {  	[tilespmem:s20+$0x135C0] =	vst v10  }
0x365: {  	[tilespmem:s20+$0x135D0] =	vst v11;
	v10 =	vld.idx.msk [tilespmem:v52+s14+$0x0], $0xffff  }
0x366: {  	[tilespmem:s20+$0x135E0] =	vst v12;
	v11 =	vld.idx.msk [tilespmem:v53+s14+$0x0], $0xffff  }
0x367: {  	[tilespmem:s20+$0x135F0] =	vst v13;
	v12 =	vld.idx.msk [tilespmem:v54+s14+$0x0], $0xffff  }
0x368: {  	v13 =	vld.idx.msk [tilespmem:v55+s14+$0x0], $0xffff;
	_ =	sdelay $0x1  }
0x369: {  	v10 =	vmul.u32 $0x3, v10  }
0x36a: {  	v11 =	vmul.u32 $0x3, v11  }
0x36b: {  	v12 =	vmul.u32 $0x3, v12  }
0x36c: {  	v13 =	vmul.u32 $0x3, v13;
	_ =	sdelay $0x2  }
0x36d: {  	v56 =	vld.idx.msk [tilespmem:v10+s4+$0x0], $0xffff  }
0x36e: {  	v57 =	vadd.s32 $0x1, v10;
	v58 =	vld.idx.msk [tilespmem:v11+s4+$0x0], $0xffff  }
0x36f: {  	v59 =	vadd.s32 $0x1, v11;
	v18 =	vld.idx.msk [tilespmem:v12+s4+$0x0], $0xffff  }
0x370: {  	v60 =	vadd.s32 $0x1, v12;
	v20 =	vld.idx.msk [tilespmem:v13+s4+$0x0], $0xffff  }
0x371: {  	v61 =	vadd.s32 $0x1, v13  }
0x372: {  	[tilespmem:s20+$0xF640] =	vst v56  }
0x373: {  	[tilespmem:s20+$0xF650] =	vst v58;
	v14 =	vld.idx.msk [tilespmem:v57+s4+$0x0], $0xffff  }
0x374: {  	v10 =	vadd.s32 $0x2, v10;
	[tilespmem:s20+$0xF660] =	vst v18;
	v62 =	vld.idx.msk [tilespmem:v59+s4+$0x0], $0xffff  }
0x375: {  	v11 =	vadd.s32 $0x2, v11;
	[tilespmem:s20+$0xF670] =	vst v20;
	v63 =	vld.idx.msk [tilespmem:v60+s4+$0x0], $0xffff  }
0x376: {  	v12 =	vadd.s32 $0x2, v12;
	v21 =	vld.idx.msk [tilespmem:v61+s4+$0x0], $0xffff  }
0x377: {  	v13 =	vadd.s32 $0x2, v13  }
0x378: {  	[tilespmem:s20+$0x11640] =	vst v14  }
0x379: {  	[tilespmem:s20+$0x11650] =	vst v62;
	v10 =	vld.idx.msk [tilespmem:v10+s4+$0x0], $0xffff  }
0x37a: {  	v22 =	vadd.s32 $0xD, v6;
	[tilespmem:s20+$0x11660] =	vst v63;
	v11 =	vld.idx.msk [tilespmem:v11+s4+$0x0], $0xffff  }
0x37b: {  	v23 =	vadd.s32 $0xD, v8;
	[tilespmem:s20+$0x11670] =	vst v21;
	v12 =	vld.idx.msk [tilespmem:v12+s4+$0x0], $0xffff  }
0x37c: {  	v24 =	vadd.s32 $0xD, v9;
	v13 =	vld.idx.msk [tilespmem:v13+s4+$0x0], $0xffff  }
0x37d: {  	v25 =	vadd.s32 $0xD, v7  }
0x37e: {  	[tilespmem:s20+$0x13640] =	vst v10  }
0x37f: {  	[tilespmem:s20+$0x13650] =	vst v11;
	v10 =	vld.idx.msk [tilespmem:v22+s14+$0x0], $0xffff  }
0x380: {  	[tilespmem:s20+$0x13660] =	vst v12;
	v11 =	vld.idx.msk [tilespmem:v23+s14+$0x0], $0xffff  }
0x381: {  	[tilespmem:s20+$0x13670] =	vst v13;
	v12 =	vld.idx.msk [tilespmem:v24+s14+$0x0], $0xffff  }
0x382: {  	v13 =	vld.idx.msk [tilespmem:v25+s14+$0x0], $0xffff;
	_ =	sdelay $0x1  }
0x383: {  	v10 =	vmul.u32 $0x3, v10  }
0x384: {  	v11 =	vmul.u32 $0x3, v11  }
0x385: {  	v12 =	vmul.u32 $0x3, v12  }
0x386: {  	v13 =	vmul.u32 $0x3, v13;
	_ =	sdelay $0x2  }
0x387: {  	v26 =	vld.idx.msk [tilespmem:v10+s4+$0x0], $0xffff  }
0x388: {  	v27 =	vadd.s32 $0x1, v10;
	v28 =	vld.idx.msk [tilespmem:v11+s4+$0x0], $0xffff  }
0x389: {  	v29 =	vadd.s32 $0x1, v11;
	v18 =	vld.idx.msk [tilespmem:v12+s4+$0x0], $0xffff  }
0x38a: {  	v30 =	vadd.s32 $0x1, v12;
	v20 =	vld.idx.msk [tilespmem:v13+s4+$0x0], $0xffff  }
0x38b: {  	v31 =	vadd.s32 $0x1, v13  }
0x38c: {  	[tilespmem:s20+$0xF6C0] =	vst v26  }
0x38d: {  	[tilespmem:s20+$0xF6D0] =	vst v28;
	v14 =	vld.idx.msk [tilespmem:v27+s4+$0x0], $0xffff  }
0x38e: {  	v10 =	vadd.s32 $0x2, v10;
	[tilespmem:s20+$0xF6E0] =	vst v18;
	v32 =	vld.idx.msk [tilespmem:v29+s4+$0x0], $0xffff  }
0x38f: {  	v11 =	vadd.s32 $0x2, v11;
	[tilespmem:s20+$0xF6F0] =	vst v20;
	v33 =	vld.idx.msk [tilespmem:v30+s4+$0x0], $0xffff  }
0x390: {  	v12 =	vadd.s32 $0x2, v12;
	v34 =	vld.idx.msk [tilespmem:v31+s4+$0x0], $0xffff  }
0x391: {  	v13 =	vadd.s32 $0x2, v13  }
0x392: {  	[tilespmem:s20+$0x116C0] =	vst v14  }
0x393: {  	v35 =	vadd.s32 $0xE, v4;
	[tilespmem:s20+$0x116D0] =	vst v32;
	v10 =	vld.idx.msk [tilespmem:v10+s4+$0x0], $0xffff  }
0x394: {  	v36 =	vadd.s32 $0xE, v6;
	[tilespmem:s20+$0x116E0] =	vst v33;
	v11 =	vld.idx.msk [tilespmem:v11+s4+$0x0], $0xffff  }
0x395: {  	v37 =	vadd.s32 $0xE, v8;
	[tilespmem:s20+$0x116F0] =	vst v34;
	v12 =	vld.idx.msk [tilespmem:v12+s4+$0x0], $0xffff  }
0x396: {  	v38 =	vadd.s32 $0xE, v9;
	v13 =	vld.idx.msk [tilespmem:v13+s4+$0x0], $0xffff  }
0x397: {  	[tilespmem:s20+$0x136B0] =	vst v5;
	v5 =	vadd.s32 $0xE, v7  }
0x398: {  	v14 =	vld.idx.msk [tilespmem:v35+s14+$0x0], $0xffff;
	[tilespmem:s20+$0x136C0] =	vst v10  }
0x399: {  	[tilespmem:s20+$0x136D0] =	vst v11;
	v10 =	vld.idx.msk [tilespmem:v36+s14+$0x0], $0xffff  }
0x39a: {  	[tilespmem:s20+$0x136E0] =	vst v12;
	v11 =	vld.idx.msk [tilespmem:v37+s14+$0x0], $0xffff  }
0x39b: {  	[tilespmem:s20+$0x136F0] =	vst v13;
	v12 =	vld.idx.msk [tilespmem:v38+s14+$0x0], $0xffff  }
0x39c: {  	v5 =	vld.idx.msk [tilespmem:v5+s14+$0x0], $0xffff  }
0x39d: {  	v39 =	vmul.u32 $0x3, v14  }
0x39e: {  	v10 =	vmul.u32 $0x3, v10  }
0x39f: {  	v11 =	vmul.u32 $0x3, v11  }
0x3a0: {  	v12 =	vmul.u32 $0x3, v12  }
0x3a1: {  	v5 =	vmul.u32 $0x3, v5;
	_ =	sdelay $0x1  }
0x3a2: {  	v14 =	vld.idx.msk [tilespmem:v39+s4+$0x0], $0xffff  }
0x3a3: {  	v40 =	vadd.s32 $0x1, v39;
	v41 =	vld.idx.msk [tilespmem:v10+s4+$0x0], $0xffff  }
0x3a4: {  	v42 =	vadd.s32 $0x1, v10;
	v43 =	vld.idx.msk [tilespmem:v11+s4+$0x0], $0xffff  }
0x3a5: {  	v44 =	vadd.s32 $0x1, v11;
	v45 =	vld.idx.msk [tilespmem:v12+s4+$0x0], $0xffff  }
0x3a6: {  	v46 =	vadd.s32 $0x1, v12;
	v22 =	vld.idx.msk [tilespmem:v5+s4+$0x0], $0xffff  }
0x3a7: {  	v47 =	vadd.s32 $0x1, v5;
	[tilespmem:s20+$0xF730] =	vst v14  }
0x3a8: {  	v15 =	vld.idx.msk [tilespmem:v40+s4+$0x0], $0xffff;
	[tilespmem:s20+$0xF740] =	vst v41  }
0x3a9: {  	v13 =	vadd.s32 $0x2, v39;
	[tilespmem:s20+$0xF750] =	vst v43;
	v16 =	vld.idx.msk [tilespmem:v42+s4+$0x0], $0xffff  }
0x3aa: {  	v10 =	vadd.s32 $0x2, v10;
	[tilespmem:s20+$0xF760] =	vst v45;
	v48 =	vld.idx.msk [tilespmem:v44+s4+$0x0], $0xffff  }
0x3ab: {  	v11 =	vadd.s32 $0x2, v11;
	[tilespmem:s20+$0xF770] =	vst v22;
	v49 =	vld.idx.msk [tilespmem:v46+s4+$0x0], $0xffff  }
0x3ac: {  	v12 =	vadd.s32 $0x2, v12;
	v14 =	vld.idx.msk [tilespmem:v47+s4+$0x0], $0xffff  }
0x3ad: {  	v5 =	vadd.s32 $0x2, v5;
	[tilespmem:s20+$0x11730] =	vst v15  }
0x3ae: {  	v13 =	vld.idx.msk [tilespmem:v13+s4+$0x0], $0xffff;
	[tilespmem:s20+$0x11740] =	vst v16  }
0x3af: {  	v4 =	vadd.s32 $0xF, v4;
	[tilespmem:s20+$0x11750] =	vst v48;
	v10 =	vld.idx.msk [tilespmem:v10+s4+$0x0], $0xffff  }
0x3b0: {  	v6 =	vadd.s32 $0xF, v6;
	[tilespmem:s20+$0x11760] =	vst v49;
	v11 =	vld.idx.msk [tilespmem:v11+s4+$0x0], $0xffff  }
0x3b1: {  	v8 =	vadd.s32 $0xF, v8;
	[tilespmem:s20+$0x11770] =	vst v14;
	v12 =	vld.idx.msk [tilespmem:v12+s4+$0x0], $0xffff  }
0x3b2: {  	v9 =	vadd.s32 $0xF, v9;
	v5 =	vld.idx.msk [tilespmem:v5+s4+$0x0], $0xffff  }
0x3b3: {  	v7 =	vadd.s32 $0xF, v7;
	[tilespmem:s20+$0x13730] =	vst v13  }
0x3b4: {  	v4 =	vld.idx.msk [tilespmem:v4+s14+$0x0], $0xffff;
	[tilespmem:s20+$0x13740] =	vst v10  }
0x3b5: {  	[tilespmem:s20+$0x13750] =	vst v11;
	v6 =	vld.idx.msk [tilespmem:v6+s14+$0x0], $0xffff  }
0x3b6: {  	[tilespmem:s20+$0x13760] =	vst v12;
	v8 =	vld.idx.msk [tilespmem:v8+s14+$0x0], $0xffff  }
0x3b7: {  	[tilespmem:s20+$0x13770] =	vst v5;
	v9 =	vld.idx.msk [tilespmem:v9+s14+$0x0], $0xffff  }
0x3b8: {  	v5 =	vld.idx.msk [tilespmem:v7+s14+$0x0], $0xffff  }
0x3b9: {  	v4 =	vmul.u32 $0x3, v4  }
0x3ba: {  	v6 =	vmul.u32 $0x3, v6  }
0x3bb: {  	v50 =	vmul.u32 $0x3, v8  }
0x3bc: {  	v51 =	vmul.u32 $0x3, v9  }
0x3bd: {  	v5 =	vmul.u32 $0x3, v5;
	_ =	sdelay $0x1  }
0x3be: {  	v52 =	vld.idx.msk [tilespmem:v4+s4+$0x0], $0xffff  }
0x3bf: {  	v53 =	vadd.s32 $0x1, v4;
	v54 =	vld.idx.msk [tilespmem:v6+s4+$0x0], $0xffff  }
0x3c0: {  	v55 =	vadd.s32 $0x1, v6;
	v56 =	vld.idx.msk [tilespmem:v50+s4+$0x0], $0xffff  }
0x3c1: {  	v57 =	vadd.s32 $0x1, v50;
	v58 =	vld.idx.msk [tilespmem:v51+s4+$0x0], $0xffff  }
0x3c2: {  	v59 =	vadd.s32 $0x1, v51;
	v60 =	vld.idx.msk [tilespmem:v5+s4+$0x0], $0xffff  }
0x3c3: {  	v61 =	vadd.s32 $0x1, v5;
	[tilespmem:s20+$0xF7B0] =	vst v52  }
0x3c4: {  	v10 =	vld.idx.msk [tilespmem:v53+s4+$0x0], $0xffff;
	[tilespmem:s20+$0xF7C0] =	vst v54  }
0x3c5: {  	v4 =	vadd.s32 $0x2, v4;
	[tilespmem:s20+$0xF7D0] =	vst v56;
	v11 =	vld.idx.msk [tilespmem:v55+s4+$0x0], $0xffff  }
0x3c6: {  	v6 =	vadd.s32 $0x2, v6;
	[tilespmem:s20+$0xF7E0] =	vst v58;
	v62 =	vld.idx.msk [tilespmem:v57+s4+$0x0], $0xffff  }
0x3c7: {  	v7 =	vadd.s32 $0x2, v50;
	[tilespmem:s20+$0xF7F0] =	vst v60;
	v63 =	vld.idx.msk [tilespmem:v59+s4+$0x0], $0xffff  }
0x3c8: {  	v8 =	vadd.s32 $0x2, v51;
	v9 =	vld.idx.msk [tilespmem:v61+s4+$0x0], $0xffff  }
0x3c9: {  	v5 =	vadd.s32 $0x2, v5;
	[tilespmem:s20+$0x117B0] =	vst v10  }
0x3ca: {  	v4 =	vld.idx.msk [tilespmem:v4+s4+$0x0], $0xffff;
	[tilespmem:s20+$0x117C0] =	vst v11  }
0x3cb: {  	[tilespmem:s20+$0x117D0] =	vst v62;
	v6 =	vld.idx.msk [tilespmem:v6+s4+$0x0], $0xffff  }
0x3cc: {  	[tilespmem:s20+$0x117E0] =	vst v63;
	v7 =	vld.idx.msk [tilespmem:v7+s4+$0x0], $0xffff  }
0x3cd: {  	[tilespmem:s20+$0x117F0] =	vst v9;
	v8 =	vld.idx.msk [tilespmem:v8+s4+$0x0], $0xffff  }
0x3ce: {  	p0 =	slt.u32 s19, $0x18;
	v5 =	vld.idx.msk [tilespmem:v5+s4+$0x0], $0xffff  }
.Ltmp0:
0x3cf: {  	[tilespmem:s20+$0x137B0] =	vst v4;
	(pc) =	sbr.rel @p0 .LBB2_2-.Ltmp0, $4  }
0x3d0: {  	[tilespmem:s20+$0x137C0] =	vst v6  }
0x3d1: {  	[tilespmem:s20+$0x137D0] =	vst v7  }
0x3d2: {  	s31 =	sadd.s32 $0x8, s19;
	[tilespmem:s20+$0x137E0] =	vst v8  }
0x3d3: {  	s19 =	smov.u32 s31;
	[tilespmem:s20+$0x137F0] =	vst v5  }
0x3d4: {  	s18 =	sadd.s32 $0x1, s18  }
0x3d5: {  	p0 =	sne.s32 s18, s9  }
.Ltmp1:
0x3d6: {  	_ = 	snop;
	(pc) =	sbr.rel @p0 .LBB2_1-.Ltmp1, $4  }
0x3d7: {  	[hbm4b:s8+s15] =	stream.strided.scatter [tilespmem:s17], [sflag:$0x2], $0x7000, s16, s15, $0x38;
	[tilespmem:$0x15400] =	vst v63  }
0x3d8: {  	_ =	swait.ge [sflag:s11], $0x7000  }
0x3d9: {  	[sflag:s11] =	ssyncset.done $0x0  }
0x3da: {  	[sflag:s11] =	ssyncadd.s32 $0xFFFF9000  }
0x3db: {  	_ =	sfence.sel $0x180000  }
0x3dc: {  	[bflag:$0x0] =	sbarrier.arrive $0xFFFF  }
0x3dd: {  	p0 =	sne.s32 s2, $0x0;
	_ =	strace $0x90000047  }
0x3de: {  	s0 =	sadd.s32 @!p0 $0x100000, s0;
	[bflag:$0x2] =	sbarrier.arrive $0xFFFF  }
0x3df: {  	[sflag:s0] =	ssyncadd.tile.s32 @!p0 $0x1;
	_ =	shalt  }
.Lfunc_end2:
_tile_overlayer_lowered:
.L_overlay_start_2:
0x3e0: {  	(tag) =	ssettag $0x2  }
0x3e1: {  	s0 =	rddreg [dreg:$0x0];
	s2 =	stileid.u32  }
0x3e2: {  	s1 =	rddreg [dreg:$0x1];
	p0 =	sne.s32 s2, $0x0  }
0x3e3: {  	s3 =	rddreg [dreg:$0x2];
	[bflag:$0x3] =	sbarrier.arrive $0xFFFF;
	s2 =	simm.s32 @!p0 $0x1C02  }
0x3e4: {  	[timem:s3], [sflag:s2] =	dma.local @!p0 [hbm:s0], s1  }
0x3e5: {  	s0 =	simm.s32 @!p0 $0x2  }
0x3e6: {  	_ =	swait.ge @!p0 [sflag:s0], s1  }
0x3e7: {  	s1 =	ssub.s32 @!p0 $0x0, s1;
	[sflag:s0] =	ssyncset.done @!p0 $0x0  }
0x3e8: {  	[sflag:s0] =	ssyncadd.s32 @!p0 s1  }
0x3e9: {  	[bflag:$0x3] =	sbarrier.arrive $0xFFFF  }
0x3ea: {  	_ =	shalt  }

</sc_bundles>
